<compile_context>
chip_gen: v7x
topology: tpu7x:2x2x1
jax: 0.10.2.dev20260603
libtpu: 0.0.44.dev20260713+nightly
codegen_flags: <defaults>
</compile_context>

<pallas_src>
import functools

import jax
import jax.numpy as jnp
from jax import lax
from jax.experimental import pallas as pl
from jax.experimental.pallas import tpu as pltpu
from jax.experimental.pallas import tpu_sc as plsc

_NC = 2
_NS = 16
_NW = _NC * _NS
_L = 16
_CH = 128
_D = 128
_DH = _D // 2


def _sc_segment_sum(src_p, dst_p, table_a, table_b, *, with_deg):
    epad = src_p.shape[0]
    npad = table_a.shape[0]
    ept = epad // _NW
    nchunks = ept // _CH
    rows_per_tile = npad // _NS
    nrowchunks = rows_per_tile // _CH

    out_type = [jax.ShapeDtypeStruct((_NC, npad, _DH), jnp.float32),
                jax.ShapeDtypeStruct((_NC, npad, _DH), jnp.float32)]
    scratch = [
        pltpu.VMEM((_CH,), jnp.int32),
        pltpu.VMEM((_CH,), jnp.int32),
        pltpu.VMEM((_CH, _DH), jnp.float32),
        pltpu.VMEM((_CH, _DH), jnp.float32),
        pltpu.VMEM_SHARED((npad, _DH), jnp.float32),
        pltpu.SemaphoreType.DMA,
    ]
    if with_deg:
        out_type.append(jax.ShapeDtypeStruct((_NC, npad, _L), jnp.float32))
        scratch += [
            pltpu.VMEM((_CH, _L), jnp.float32),
            pltpu.VMEM((rows_per_tile, _L), jnp.float32),
            pltpu.VMEM_SHARED((npad, _L), jnp.float32),
        ]

    mesh = plsc.VectorSubcoreMesh(core_axis_name="c", subcore_axis_name="s")

    @functools.partial(
        pl.kernel, mesh=mesh, out_type=out_type, scratch_types=scratch,
        compiler_params=pltpu.CompilerParams(use_tc_tiling_on_sc=False))
    def body(src_hbm, dst_hbm, ta_hbm, tb_hbm, *refs):
        if with_deg:
            (sa_out, sb_out, deg_out, idxs_v, idxd_v, rows_v, zrows_v,
             acc_sh, sem, ones_v, degstage_v, dega_sh) = refs
        else:
            (sa_out, sb_out, idxs_v, idxd_v, rows_v, zrows_v,
             acc_sh, sem) = refs
        cid = lax.axis_index("c")
        sid = lax.axis_index("s")
        wid = cid * _NS + sid
        zv = jnp.zeros((_L,), jnp.float32)
        row0 = sid * rows_per_tile

        def zrow(k, c):
            zrows_v[k // (_DH // _L), pl.ds((k % (_DH // _L)) * _L, _L)] = zv
            return c
        lax.fori_loop(0, _CH * (_DH // _L), zrow, 0)
        if with_deg:
            ov = jnp.ones((_L,), jnp.float32)

            def fill1(k, c):
                ones_v[k] = ov
                return c
            lax.fori_loop(0, _CH, fill1, 0)

            def zdeg(k, c):
                degstage_v[k] = zv
                return c
            lax.fori_loop(0, rows_per_tile, zdeg, 0)
            pltpu.sync_copy(degstage_v, dega_sh.at[pl.ds(row0, rows_per_tile)])

        base = wid * ept
        for half, (t_hbm, s_out) in enumerate(((ta_hbm, sa_out),
                                               (tb_hbm, sb_out))):
            for k in range(nrowchunks):
                pltpu.sync_copy(zrows_v, acc_sh.at[pl.ds(row0 + k * _CH, _CH)])
            plsc.subcore_barrier()

            deg_now = with_deg and half == 0

            def chunk(i, c):
                off = base + i * _CH
                pltpu.sync_copy(src_hbm.at[pl.ds(off, _CH)], idxs_v)
                pltpu.sync_copy(dst_hbm.at[pl.ds(off, _CH)], idxd_v)
                pltpu.async_copy(t_hbm.at[idxs_v], rows_v, sem).wait()
                pltpu.sync_copy(rows_v, acc_sh.at[idxd_v], add=True)
                if deg_now:
                    pltpu.sync_copy(ones_v, dega_sh.at[idxd_v], add=True)
                return c
            lax.fori_loop(0, nchunks, chunk, 0)
            plsc.subcore_barrier()

            for k in range(nrowchunks):
                r0 = row0 + k * _CH
                pltpu.sync_copy(acc_sh.at[pl.ds(r0, _CH)], rows_v)
                pltpu.sync_copy(rows_v, s_out.at[cid, pl.ds(r0, _CH)])
            if deg_now:
                pltpu.sync_copy(dega_sh.at[pl.ds(row0, rows_per_tile)],
                                degstage_v)
                pltpu.sync_copy(
                    degstage_v,
                    deg_out.at[cid, pl.ds(row0, rows_per_tile)])
            if half == 0:
                plsc.subcore_barrier()

    return body(src_p, dst_p, table_a, table_b)


def _combine_body(h_ref, sa0_ref, sa1_ref, sb0_ref, sb1_ref, da_ref, db_ref,
                  ws_ref, wna_ref, wnb_ref, b_ref, o_ref, *, relu):
    deg = da_ref[...][:, :1] + db_ref[...][:, :1]
    inv = 1.0 / jnp.maximum(deg, 1.0)
    mean_a = (sa0_ref[...] + sa1_ref[...]) * inv
    mean_b = (sb0_ref[...] + sb1_ref[...]) * inv
    acc = jnp.dot(h_ref[...], ws_ref[...], preferred_element_type=jnp.float32)
    acc = acc + jnp.dot(mean_a, wna_ref[...],
                        preferred_element_type=jnp.float32)
    acc = acc + jnp.dot(mean_b, wnb_ref[...],
                        preferred_element_type=jnp.float32)
    acc = acc + b_ref[0:1, :]
    o_ref[...] = jnp.maximum(acc, 0.0) if relu else acc


def _combine(h, s_a, s_b, d_parts, w_self, w_neigh, b, *, relu, bm=1024):
    npad = h.shape[0]
    grid = npad // bm
    b_t = jnp.tile(b[None, :], (8, 1))
    blk = lambda r, c: pl.BlockSpec((r, c), lambda i: (i, 0))
    fix = lambda r, c: pl.BlockSpec((r, c), lambda i: (0, 0))
    return pl.pallas_call(
        functools.partial(_combine_body, relu=relu),
        grid=(grid,),
        in_specs=[
            blk(bm, _D),
            blk(bm, _DH), blk(bm, _DH), blk(bm, _DH), blk(bm, _DH),
            blk(bm, _L), blk(bm, _L),
            fix(_D, _D), fix(_DH, _D), fix(_DH, _D), fix(8, _D),
        ],
        out_specs=blk(bm, _D),
        out_shape=jax.ShapeDtypeStruct((npad, _D), jnp.float32),
    )(h, s_a[0], s_a[1], s_b[0], s_b[1], d_parts[0], d_parts[1],
      w_self, w_neigh[:_DH], w_neigh[_DH:], b_t)


def kernel(inputs, edge_index, W1_self, W1_neigh, b1, W2_self, W2_neigh, b2):
    n, d = inputs.shape
    assert d == _D
    e = edge_index.shape[1]
    npad = -(-n // (_NS * _CH)) * (_NS * _CH)
    epad = -(-e // (_NW * _CH)) * (_NW * _CH)
    src_p = jnp.concatenate(
        [edge_index[0], jnp.zeros((epad - e,), jnp.int32)])
    dst_p = jnp.concatenate(
        [edge_index[1], jnp.full((epad - e,), n, jnp.int32)])
    x = jnp.pad(inputs, ((0, npad - n), (0, 0)))

    s1a, s1b, d1 = _sc_segment_sum(src_p, dst_p, x[:, :_DH], x[:, _DH:],
                                   with_deg=True)
    h1 = _combine(x, s1a, s1b, d1, W1_self, W1_neigh, b1, relu=True)
    s2a, s2b = _sc_segment_sum(src_p, dst_p, h1[:, :_DH], h1[:, _DH:],
                               with_deg=False)
    out = _combine(h1, s2a, s2b, d1, W2_self, W2_neigh, b2, relu=False)
    return out[:n]

# --- scband reference (transcript-rebuilt; emitter-appended) ---
"""Pipeline reference for scband-graph-sage-29506425323820 (READ-ONLY COPY).

The authoritative reference and input builder live on the scoring server;
editing this copy changes nothing except your own understanding.
"""

import jax, jax.numpy as jnp
import numpy as np

N = 10000
E = 320000
D_IN = 128
D_HID = 128
D_OUT = 128


def setup_inputs(seed: int = 0) -> dict:
    key = jax.random.key(seed)
    ks = jax.random.split(key, 9)
    x = jax.random.normal(ks[0], (N, D_IN), dtype=jnp.float32)
    edge_index = jax.random.randint(ks[1], (2, E), 0, N, dtype=jnp.int32)
    s1 = 1.0 / np.sqrt(D_IN)
    s2 = 1.0 / np.sqrt(D_HID)
    W1_self = jax.random.normal(ks[2], (D_IN, D_HID), dtype=jnp.float32) * s1
    W1_neigh = jax.random.normal(ks[3], (D_IN, D_HID), dtype=jnp.float32) * s1
    b1 = jnp.zeros((D_HID,), dtype=jnp.float32)
    W2_self = jax.random.normal(ks[4], (D_HID, D_OUT), dtype=jnp.float32) * s2
    W2_neigh = jax.random.normal(ks[5], (D_HID, D_OUT), dtype=jnp.float32) * s2
    b2 = jnp.zeros((D_OUT,), dtype=jnp.float32)
    return {"inputs": x, "edge_index": edge_index, "W1_self": W1_self, "W1_neigh": W1_neigh, "b1": b1, "W2_self": W2_self, "W2_neigh": W2_neigh, "b2": b2}


def _sage_mean_layer(h, src, dst, W_self, W_neigh, b):
    # DGL SAGEConv(aggregator_type='mean'), lin_before_mp=False since in_feats <= out_feats:
    # h_neigh = fc_neigh(mean_{j in N_in(i)} h_j); rst = fc_self(h_i) + h_neigh + bias
    msg = jnp.take(h, src, axis=0)
    summed = jax.ops.segment_sum(msg, dst, num_segments=N)
    deg = jax.ops.segment_sum(jnp.ones((src.shape[0],), dtype=h.dtype), dst, num_segments=N)
    mean_neigh = summed / jnp.clip(deg, 1.0, None)[:, None]
    return h @ W_self + mean_neigh @ W_neigh + b


def reference(inputs, edge_index, W1_self, W1_neigh, b1, W2_self, W2_neigh, b2):
    src = edge_index[0]
    dst = edge_index[1]
    h = _sage_mean_layer(inputs, src, dst, W1_self, W1_neigh, b1)
    h = jax.nn.relu(h)
    h = _sage_mean_layer(h, src, dst, W2_self, W2_neigh, b2)
    return h

if __name__ == "__main__":
    import jax
    _d = setup_inputs()
    print(jax.jit(kernel)(*tuple(_d.values())))

</pallas_src>

<mosaic_0001>
#map = affine_map<(d0, d1) -> (0)>
#map1 = affine_map<(d0, d1) -> (0, 0)>
#map2 = affine_map<(d0, d1) -> (0, 0, 0)>
module attributes {stable_mosaic.version = 14 : i64} {
  func.func @body(%arg0: i32, %arg1: i32, %arg2: memref<323584xi32, #tpu.memory_space<hbm>>, %arg3: memref<323584xi32, #tpu.memory_space<hbm>>, %arg4: memref<10240x64xf32, #tpu.memory_space<hbm>>, %arg5: memref<10240x64xf32, #tpu.memory_space<hbm>>, %arg6: memref<2x10240x64xf32, #tpu.memory_space<hbm>>, %arg7: memref<2x10240x64xf32, #tpu.memory_space<hbm>>, %arg8: memref<2x10240x16xf32, #tpu.memory_space<hbm>>, %arg9: memref<128xi32, #tpu.memory_space<vmem>>, %arg10: memref<128xi32, #tpu.memory_space<vmem>>, %arg11: memref<128x64xf32, #tpu.memory_space<vmem>>, %arg12: memref<128x64xf32, #tpu.memory_space<vmem>>, %arg13: memref<10240x64xf32, #tpu.memory_space<vmem_shared>>, %arg14: memref<!tpu.dma_semaphore, #tpu.memory_space<semaphore_mem>>, %arg15: memref<128x16xf32, #tpu.memory_space<vmem>>, %arg16: memref<640x16xf32, #tpu.memory_space<vmem>>, %arg17: memref<10240x16xf32, #tpu.memory_space<vmem_shared>>) attributes {dimension_semantics = [#tpu.dimension_semantics<core_parallel>, #tpu.dimension_semantics<subcore_parallel>], iteration_bounds = array<i64: 2, 16>, scalar_prefetch = 0 : i64, scratch_operands = 9 : i64, tpu.core_type = #tpu.core_type<sc_vector_subcore>, window_params = [{transform_indices = #map}, {transform_indices = #map}, {transform_indices = #map1}, {transform_indices = #map1}, {transform_indices = #map2}, {transform_indices = #map2}, {transform_indices = #map2}]} {
    %mul3A = arith.constant 16 : i32
    %mul3A_0 = arith.muli %arg0, %mul3A : i32
    %add3A = arith.addi %mul3A_0, %arg1 : i32
    %broadcast_in_dim3A = arith.constant 0.000000e+00 : f32
    %broadcast_in_dim3A_1 = vector.broadcast %broadcast_in_dim3A : f32 to vector<16xf32>
    %mul3A_2 = arith.constant 640 : i32
    %mul3A_3 = arith.muli %arg1, %mul3A_2 : i32
    %scan3A = arith.constant 0 : i32
    %scan3A_4 = arith.constant 0 : i32
    %scan3A_5 = arith.constant 512 : i32
    %scan3A_6 = arith.addi %scan3A_4, %scan3A_5 : i32
    %scan3A_7 = arith.constant 1 : i32
    scf.for %scan3A_81 = %scan3A_4 to %scan3A_6 step %scan3A_7  : i32 {
      %jit3A = arith.constant 4 : i32
      %div3A = arith.divsi %scan3A_81, %jit3A : i32
      %sign3A = arith.constant 0 : i32
      %sign3A_82 = arith.cmpi sgt, %scan3A_81, %sign3A : i32
      %sign3A_83 = arith.extui %sign3A_82 : i1 to i32
      %sign3A_84 = arith.constant 0 : i32
      %sign3A_85 = arith.cmpi slt, %scan3A_81, %sign3A_84 : i32
      %sign3A_86 = arith.extui %sign3A_85 : i1 to i32
      %sign3A_87 = arith.subi %sign3A_83, %sign3A_86 : i32
      %sign3A_88 = arith.constant 0 : i32
      %sign3A_89 = arith.cmpi sgt, %jit3A, %sign3A_88 : i32
      %sign3A_90 = arith.extui %sign3A_89 : i1 to i32
      %sign3A_91 = arith.constant 0 : i32
      %sign3A_92 = arith.cmpi slt, %jit3A, %sign3A_91 : i32
      %sign3A_93 = arith.extui %sign3A_92 : i1 to i32
      %sign3A_94 = arith.subi %sign3A_90, %sign3A_93 : i32
      %ne3A = arith.cmpi ne, %sign3A_87, %sign3A_94 : i32
      %rem3A = arith.remsi %scan3A_81, %jit3A : i32
      %ne3A_95 = arith.constant 0 : i32
      %ne3A_96 = arith.cmpi ne, %rem3A, %ne3A_95 : i32
      %and3A = arith.andi %ne3A, %ne3A_96 : i1
      %sub3A = arith.constant 1 : i32
      %sub3A_97 = arith.subi %div3A, %sub3A : i32
      %select_n3A = arith.select %and3A, %sub3A_97, %div3A : i32
      %jit3A_98 = arith.constant 4 : i32
      %eq3A = arith.constant 0 : i32
      %eq3A_99 = arith.cmpi eq, %jit3A_98, %eq3A : i32
      %jit3A_100 = arith.constant 1 : i32
      %select_n3A_101 = arith.select %eq3A_99, %jit3A_100, %jit3A_98 : i32
      %rem3A_102 = arith.remsi %scan3A_81, %select_n3A_101 : i32
      %ne3A_103 = arith.constant 0 : i32
      %ne3A_104 = arith.cmpi ne, %rem3A_102, %ne3A_103 : i32
      %lt3A = arith.constant 0 : i32
      %lt3A_105 = arith.cmpi slt, %rem3A_102, %lt3A : i32
      %lt3A_106 = arith.constant 0 : i32
      %lt3A_107 = arith.cmpi slt, %select_n3A_101, %lt3A_106 : i32
      %ne3A_108 = arith.xori %lt3A_105, %lt3A_107 : i1
      %and3A_109 = arith.andi %ne3A_108, %ne3A_104 : i1
      %add3A_110 = arith.addi %rem3A_102, %select_n3A_101 : i32
      %select_n3A_111 = arith.select %and3A_109, %add3A_110, %rem3A_102 : i32
      %mul3A_112 = arith.constant 16 : i32
      %mul3A_113 = arith.muli %select_n3A_111, %mul3A_112 : i32
      %swap3A = arith.index_cast %select_n3A : i32 to index
      %swap3A_114 = arith.index_cast %mul3A_113 : i32 to index
      %swap3A_115 = tpu.vector_load %arg12[%swap3A, %swap3A_114] {strides = array<i32>} : memref<128x64xf32, #tpu.memory_space<vmem>>, vector<1x16xf32>,
      %swap3A_116 = vector.shape_cast %swap3A_115 : vector<1x16xf32> to vector<16xf32>
      %swap3A_117 = vector.shape_cast %broadcast_in_dim3A_1 : vector<16xf32> to vector<1x16xf32>
      tpu.vector_store %arg12[%swap3A, %swap3A_114], %swap3A_117 {strides = array<i32>} : memref<128x64xf32, #tpu.memory_space<vmem>>, vector<1x16xf32>,
    }
    %scan3A_8 = arith.constant 512 : i32
    %broadcast_in_dim3A_9 = arith.constant 1.000000e+00 : f32
    %broadcast_in_dim3A_10 = vector.broadcast %broadcast_in_dim3A_9 : f32 to vector<16xf32>
    %scan3A_11 = arith.constant 0 : i32
    %scan3A_12 = arith.constant 0 : i32
    %scan3A_13 = arith.constant 128 : i32
    %scan3A_14 = arith.addi %scan3A_12, %scan3A_13 : i32
    %scan3A_15 = arith.constant 1 : i32
    scf.for %scan3A_81 = %scan3A_12 to %scan3A_14 step %scan3A_15  : i32 {
      %swap3A = arith.index_cast %scan3A_81 : i32 to index
      %swap3A_82 = arith.constant 0 : index
      %swap3A_83 = tpu.vector_load %arg15[%swap3A, %swap3A_82] {strides = array<i32>} : memref<128x16xf32, #tpu.memory_space<vmem>>, vector<1x16xf32>,
      %swap3A_84 = vector.shape_cast %swap3A_83 : vector<1x16xf32> to vector<16xf32>
      %swap3A_85 = vector.shape_cast %broadcast_in_dim3A_10 : vector<16xf32> to vector<1x16xf32>
      tpu.vector_store %arg15[%swap3A, %swap3A_82], %swap3A_85 {strides = array<i32>} : memref<128x16xf32, #tpu.memory_space<vmem>>, vector<1x16xf32>,
    }
    %scan3A_16 = arith.constant 128 : i32
    %scan3A_17 = arith.constant 0 : i32
    %scan3A_18 = arith.constant 0 : i32
    %scan3A_19 = arith.constant 640 : i32
    %scan3A_20 = arith.addi %scan3A_18, %scan3A_19 : i32
    %scan3A_21 = arith.constant 1 : i32
    scf.for %scan3A_81 = %scan3A_18 to %scan3A_20 step %scan3A_21  : i32 {
      %swap3A = arith.index_cast %scan3A_81 : i32 to index
      %swap3A_82 = arith.constant 0 : index
      %swap3A_83 = tpu.vector_load %arg16[%swap3A, %swap3A_82] {strides = array<i32>} : memref<640x16xf32, #tpu.memory_space<vmem>>, vector<1x16xf32>,
      %swap3A_84 = vector.shape_cast %swap3A_83 : vector<1x16xf32> to vector<16xf32>
      %swap3A_85 = vector.shape_cast %broadcast_in_dim3A_1 : vector<16xf32> to vector<1x16xf32>
      tpu.vector_store %arg16[%swap3A, %swap3A_82], %swap3A_85 {strides = array<i32>} : memref<640x16xf32, #tpu.memory_space<vmem>>, vector<1x16xf32>,
    }
    %scan3A_22 = arith.constant 640 : i32
    "tpu.region"() ({
      %run_scoped3A = tpu.sem_alloc : memref<!tpu.dma_semaphore, #tpu.memory_space<semaphore_mem>>
      %dma_start3A = arith.constant 0 : i32
      %dma_start3A_81 = tpu.memref_slice %arg17[%mul3A_3, %dma_start3A] : memref<10240x16xf32, #tpu.memory_space<vmem_shared>> -> memref<640x16xf32, #tpu.memory_space<vmem_shared>>
      %dma_start3A_82 = arith.constant 0 : i32
      %dma_start3A_83 = tpu.memref_slice %arg17[%mul3A_3, %dma_start3A_82] : memref<10240x16xf32, #tpu.memory_space<vmem_shared>> -> memref<640x16xf32, #tpu.memory_space<vmem_shared>>
      tpu.enqueue_dma source(%arg16 : memref<640x16xf32, #tpu.memory_space<vmem>>) target(%dma_start3A_83 : memref<640x16xf32, #tpu.memory_space<vmem_shared>>) target_semaphore(%run_scoped3A : memref<!tpu.dma_semaphore, #tpu.memory_space<semaphore_mem>>)
      %dma_wait3A = arith.constant 0 : i32
      %dma_wait3A_84 = tpu.memref_slice %arg17[%mul3A_3, %dma_wait3A] : memref<10240x16xf32, #tpu.memory_space<vmem_shared>> -> memref<640x16xf32, #tpu.memory_space<vmem_shared>>
      %dma_wait3A_85 = arith.constant 0 : i32
      %dma_wait3A_86 = tpu.memref_slice %arg17[%mul3A_3, %dma_wait3A_85] : memref<10240x16xf32, #tpu.memory_space<vmem_shared>> -> memref<640x16xf32, #tpu.memory_space<vmem_shared>>
      tpu.wait_dma2 semaphore(%run_scoped3A : memref<!tpu.dma_semaphore, #tpu.memory_space<semaphore_mem>>) src(%arg16 : memref<640x16xf32, #tpu.memory_space<vmem>>) dst(%dma_wait3A_86 : memref<640x16xf32, #tpu.memory_space<vmem_shared>>)
      tpu.yield
    }) : () -> ()
    %mul3A_23 = arith.constant 10112 : i32
    %mul3A_24 = arith.muli %add3A, %mul3A_23 : i32
    %add3A_25 = arith.constant 0 : i32
    %add3A_26 = arith.addi %mul3A_3, %add3A_25 : i32
    "tpu.region"() ({
      %run_scoped3A = tpu.sem_alloc : memref<!tpu.dma_semaphore, #tpu.memory_space<semaphore_mem>>
      %dma_start3A = arith.constant 0 : i32
      %dma_start3A_81 = tpu.memref_slice %arg13[%add3A_26, %dma_start3A] : memref<10240x64xf32, #tpu.memory_space<vmem_shared>> -> memref<128x64xf32, #tpu.memory_space<vmem_shared>>
      %dma_start3A_82 = arith.constant 0 : i32
      %dma_start3A_83 = tpu.memref_slice %arg13[%add3A_26, %dma_start3A_82] : memref<10240x64xf32, #tpu.memory_space<vmem_shared>> -> memref<128x64xf32, #tpu.memory_space<vmem_shared>>
      tpu.enqueue_dma source(%arg12 : memref<128x64xf32, #tpu.memory_space<vmem>>) target(%dma_start3A_83 : memref<128x64xf32, #tpu.memory_space<vmem_shared>>) target_semaphore(%run_scoped3A : memref<!tpu.dma_semaphore, #tpu.memory_space<semaphore_mem>>)
      %dma_wait3A = arith.constant 0 : i32
      %dma_wait3A_84 = tpu.memref_slice %arg13[%add3A_26, %dma_wait3A] : memref<10240x64xf32, #tpu.memory_space<vmem_shared>> -> memref<128x64xf32, #tpu.memory_space<vmem_shared>>
      %dma_wait3A_85 = arith.constant 0 : i32
      %dma_wait3A_86 = tpu.memref_slice %arg13[%add3A_26, %dma_wait3A_85] : memref<10240x64xf32, #tpu.memory_space<vmem_shared>> -> memref<128x64xf32, #tpu.memory_space<vmem_shared>>
      tpu.wait_dma2 semaphore(%run_scoped3A : memref<!tpu.dma_semaphore, #tpu.memory_space<semaphore_mem>>) src(%arg12 : memref<128x64xf32, #tpu.memory_space<vmem>>) dst(%dma_wait3A_86 : memref<128x64xf32, #tpu.memory_space<vmem_shared>>)
      tpu.yield
    }) : () -> ()
    %add3A_27 = arith.constant 128 : i32
    %add3A_28 = arith.addi %mul3A_3, %add3A_27 : i32
    "tpu.region"() ({
      %run_scoped3A = tpu.sem_alloc : memref<!tpu.dma_semaphore, #tpu.memory_space<semaphore_mem>>
      %dma_start3A = arith.constant 0 : i32
      %dma_start3A_81 = tpu.memref_slice %arg13[%add3A_28, %dma_start3A] : memref<10240x64xf32, #tpu.memory_space<vmem_shared>> -> memref<128x64xf32, #tpu.memory_space<vmem_shared>>
      %dma_start3A_82 = arith.constant 0 : i32
      %dma_start3A_83 = tpu.memref_slice %arg13[%add3A_28, %dma_start3A_82] : memref<10240x64xf32, #tpu.memory_space<vmem_shared>> -> memref<128x64xf32, #tpu.memory_space<vmem_shared>>
      tpu.enqueue_dma source(%arg12 : memref<128x64xf32, #tpu.memory_space<vmem>>) target(%dma_start3A_83 : memref<128x64xf32, #tpu.memory_space<vmem_shared>>) target_semaphore(%run_scoped3A : memref<!tpu.dma_semaphore, #tpu.memory_space<semaphore_mem>>)
      %dma_wait3A = arith.constant 0 : i32
      %dma_wait3A_84 = tpu.memref_slice %arg13[%add3A_28, %dma_wait3A] : memref<10240x64xf32, #tpu.memory_space<vmem_shared>> -> memref<128x64xf32, #tpu.memory_space<vmem_shared>>
      %dma_wait3A_85 = arith.constant 0 : i32
      %dma_wait3A_86 = tpu.memref_slice %arg13[%add3A_28, %dma_wait3A_85] : memref<10240x64xf32, #tpu.memory_space<vmem_shared>> -> memref<128x64xf32, #tpu.memory_space<vmem_shared>>
      tpu.wait_dma2 semaphore(%run_scoped3A : memref<!tpu.dma_semaphore, #tpu.memory_space<semaphore_mem>>) src(%arg12 : memref<128x64xf32, #tpu.memory_space<vmem>>) dst(%dma_wait3A_86 : memref<128x64xf32, #tpu.memory_space<vmem_shared>>)
      tpu.yield
    }) : () -> ()
    %add3A_29 = arith.constant 256 : i32
    %add3A_30 = arith.addi %mul3A_3, %add3A_29 : i32
    "tpu.region"() ({
      %run_scoped3A = tpu.sem_alloc : memref<!tpu.dma_semaphore, #tpu.memory_space<semaphore_mem>>
      %dma_start3A = arith.constant 0 : i32
      %dma_start3A_81 = tpu.memref_slice %arg13[%add3A_30, %dma_start3A] : memref<10240x64xf32, #tpu.memory_space<vmem_shared>> -> memref<128x64xf32, #tpu.memory_space<vmem_shared>>
      %dma_start3A_82 = arith.constant 0 : i32
      %dma_start3A_83 = tpu.memref_slice %arg13[%add3A_30, %dma_start3A_82] : memref<10240x64xf32, #tpu.memory_space<vmem_shared>> -> memref<128x64xf32, #tpu.memory_space<vmem_shared>>
      tpu.enqueue_dma source(%arg12 : memref<128x64xf32, #tpu.memory_space<vmem>>) target(%dma_start3A_83 : memref<128x64xf32, #tpu.memory_space<vmem_shared>>) target_semaphore(%run_scoped3A : memref<!tpu.dma_semaphore, #tpu.memory_space<semaphore_mem>>)
      %dma_wait3A = arith.constant 0 : i32
      %dma_wait3A_84 = tpu.memref_slice %arg13[%add3A_30, %dma_wait3A] : memref<10240x64xf32, #tpu.memory_space<vmem_shared>> -> memref<128x64xf32, #tpu.memory_space<vmem_shared>>
      %dma_wait3A_85 = arith.constant 0 : i32
      %dma_wait3A_86 = tpu.memref_slice %arg13[%add3A_30, %dma_wait3A_85] : memref<10240x64xf32, #tpu.memory_space<vmem_shared>> -> memref<128x64xf32, #tpu.memory_space<vmem_shared>>
      tpu.wait_dma2 semaphore(%run_scoped3A : memref<!tpu.dma_semaphore, #tpu.memory_space<semaphore_mem>>) src(%arg12 : memref<128x64xf32, #tpu.memory_space<vmem>>) dst(%dma_wait3A_86 : memref<128x64xf32, #tpu.memory_space<vmem_shared>>)
      tpu.yield
    }) : () -> ()
    %add3A_31 = arith.constant 384 : i32
    %add3A_32 = arith.addi %mul3A_3, %add3A_31 : i32
    "tpu.region"() ({
      %run_scoped3A = tpu.sem_alloc : memref<!tpu.dma_semaphore, #tpu.memory_space<semaphore_mem>>
      %dma_start3A = arith.constant 0 : i32
      %dma_start3A_81 = tpu.memref_slice %arg13[%add3A_32, %dma_start3A] : memref<10240x64xf32, #tpu.memory_space<vmem_shared>> -> memref<128x64xf32, #tpu.memory_space<vmem_shared>>
      %dma_start3A_82 = arith.constant 0 : i32
      %dma_start3A_83 = tpu.memref_slice %arg13[%add3A_32, %dma_start3A_82] : memref<10240x64xf32, #tpu.memory_space<vmem_shared>> -> memref<128x64xf32, #tpu.memory_space<vmem_shared>>
      tpu.enqueue_dma source(%arg12 : memref<128x64xf32, #tpu.memory_space<vmem>>) target(%dma_start3A_83 : memref<128x64xf32, #tpu.memory_space<vmem_shared>>) target_semaphore(%run_scoped3A : memref<!tpu.dma_semaphore, #tpu.memory_space<semaphore_mem>>)
      %dma_wait3A = arith.constant 0 : i32
      %dma_wait3A_84 = tpu.memref_slice %arg13[%add3A_32, %dma_wait3A] : memref<10240x64xf32, #tpu.memory_space<vmem_shared>> -> memref<128x64xf32, #tpu.memory_space<vmem_shared>>
      %dma_wait3A_85 = arith.constant 0 : i32
      %dma_wait3A_86 = tpu.memref_slice %arg13[%add3A_32, %dma_wait3A_85] : memref<10240x64xf32, #tpu.memory_space<vmem_shared>> -> memref<128x64xf32, #tpu.memory_space<vmem_shared>>
      tpu.wait_dma2 semaphore(%run_scoped3A : memref<!tpu.dma_semaphore, #tpu.memory_space<semaphore_mem>>) src(%arg12 : memref<128x64xf32, #tpu.memory_space<vmem>>) dst(%dma_wait3A_86 : memref<128x64xf32, #tpu.memory_space<vmem_shared>>)
      tpu.yield
    }) : () -> ()
    %add3A_33 = arith.constant 512 : i32
    %add3A_34 = arith.addi %mul3A_3, %add3A_33 : i32
    "tpu.region"() ({
      %run_scoped3A = tpu.sem_alloc : memref<!tpu.dma_semaphore, #tpu.memory_space<semaphore_mem>>
      %dma_start3A = arith.constant 0 : i32
      %dma_start3A_81 = tpu.memref_slice %arg13[%add3A_34, %dma_start3A] : memref<10240x64xf32, #tpu.memory_space<vmem_shared>> -> memref<128x64xf32, #tpu.memory_space<vmem_shared>>
      %dma_start3A_82 = arith.constant 0 : i32
      %dma_start3A_83 = tpu.memref_slice %arg13[%add3A_34, %dma_start3A_82] : memref<10240x64xf32, #tpu.memory_space<vmem_shared>> -> memref<128x64xf32, #tpu.memory_space<vmem_shared>>
      tpu.enqueue_dma source(%arg12 : memref<128x64xf32, #tpu.memory_space<vmem>>) target(%dma_start3A_83 : memref<128x64xf32, #tpu.memory_space<vmem_shared>>) target_semaphore(%run_scoped3A : memref<!tpu.dma_semaphore, #tpu.memory_space<semaphore_mem>>)
      %dma_wait3A = arith.constant 0 : i32
      %dma_wait3A_84 = tpu.memref_slice %arg13[%add3A_34, %dma_wait3A] : memref<10240x64xf32, #tpu.memory_space<vmem_shared>> -> memref<128x64xf32, #tpu.memory_space<vmem_shared>>
      %dma_wait3A_85 = arith.constant 0 : i32
      %dma_wait3A_86 = tpu.memref_slice %arg13[%add3A_34, %dma_wait3A_85] : memref<10240x64xf32, #tpu.memory_space<vmem_shared>> -> memref<128x64xf32, #tpu.memory_space<vmem_shared>>
      tpu.wait_dma2 semaphore(%run_scoped3A : memref<!tpu.dma_semaphore, #tpu.memory_space<semaphore_mem>>) src(%arg12 : memref<128x64xf32, #tpu.memory_space<vmem>>) dst(%dma_wait3A_86 : memref<128x64xf32, #tpu.memory_space<vmem_shared>>)
      tpu.yield
    }) : () -> ()
    %barrier3A = arith.constant 0 : index
    tpu.barrier barrier_id(%barrier3A)
    %scan3A_35 = arith.constant 0 : i32
    %scan3A_36 = arith.constant 0 : i32
    %scan3A_37 = arith.constant 79 : i32
    %scan3A_38 = arith.addi %scan3A_36, %scan3A_37 : i32
    %scan3A_39 = arith.constant 1 : i32
    scf.for %scan3A_81 = %scan3A_36 to %scan3A_38 step %scan3A_39  : i32 {
      %mul3A_82 = arith.constant 128 : i32
      %mul3A_83 = arith.muli %scan3A_81, %mul3A_82 : i32
      %add3A_84 = arith.addi %mul3A_24, %mul3A_83 : i32
      "tpu.region"() ({
        %run_scoped3A = tpu.sem_alloc : memref<!tpu.dma_semaphore, #tpu.memory_space<semaphore_mem>>
        %dma_start3A_89 = tpu.memref_slice %arg2[%add3A_84] : memref<323584xi32, #tpu.memory_space<hbm>> -> memref<128xi32, #tpu.memory_space<hbm>>
        %dma_start3A_90 = tpu.memref_slice %arg2[%add3A_84] : memref<323584xi32, #tpu.memory_space<hbm>> -> memref<128xi32, #tpu.memory_space<hbm>>
        tpu.enqueue_dma source(%dma_start3A_90 : memref<128xi32, #tpu.memory_space<hbm>>) target(%arg9 : memref<128xi32, #tpu.memory_space<vmem>>) target_semaphore(%run_scoped3A : memref<!tpu.dma_semaphore, #tpu.memory_space<semaphore_mem>>)
        %dma_wait3A_91 = tpu.memref_slice %arg2[%add3A_84] : memref<323584xi32, #tpu.memory_space<hbm>> -> memref<128xi32, #tpu.memory_space<hbm>>
        %dma_wait3A_92 = tpu.memref_slice %arg2[%add3A_84] : memref<323584xi32, #tpu.memory_space<hbm>> -> memref<128xi32, #tpu.memory_space<hbm>>
        tpu.wait_dma2 semaphore(%run_scoped3A : memref<!tpu.dma_semaphore, #tpu.memory_space<semaphore_mem>>) src(%dma_wait3A_92 : memref<128xi32, #tpu.memory_space<hbm>>) dst(%arg9 : memref<128xi32, #tpu.memory_space<vmem>>)
        tpu.yield
      }) : () -> ()
      "tpu.region"() ({
        %run_scoped3A = tpu.sem_alloc : memref<!tpu.dma_semaphore, #tpu.memory_space<semaphore_mem>>
        %dma_start3A_89 = tpu.memref_slice %arg3[%add3A_84] : memref<323584xi32, #tpu.memory_space<hbm>> -> memref<128xi32, #tpu.memory_space<hbm>>
        %dma_start3A_90 = tpu.memref_slice %arg3[%add3A_84] : memref<323584xi32, #tpu.memory_space<hbm>> -> memref<128xi32, #tpu.memory_space<hbm>>
        tpu.enqueue_dma source(%dma_start3A_90 : memref<128xi32, #tpu.memory_space<hbm>>) target(%arg10 : memref<128xi32, #tpu.memory_space<vmem>>) target_semaphore(%run_scoped3A : memref<!tpu.dma_semaphore, #tpu.memory_space<semaphore_mem>>)
        %dma_wait3A_91 = tpu.memref_slice %arg3[%add3A_84] : memref<323584xi32, #tpu.memory_space<hbm>> -> memref<128xi32, #tpu.memory_space<hbm>>
        %dma_wait3A_92 = tpu.memref_slice %arg3[%add3A_84] : memref<323584xi32, #tpu.memory_space<hbm>> -> memref<128xi32, #tpu.memory_space<hbm>>
        tpu.wait_dma2 semaphore(%run_scoped3A : memref<!tpu.dma_semaphore, #tpu.memory_space<semaphore_mem>>) src(%dma_wait3A_92 : memref<128xi32, #tpu.memory_space<hbm>>) dst(%arg10 : memref<128xi32, #tpu.memory_space<vmem>>)
        tpu.yield
      }) : () -> ()
      %dma_start3A = arith.constant 0 : i32
      %dma_start3A_85 = arith.constant 0 : i32
      %dma_start3A_86 = tpu.memref_slice %arg4[%dma_start3A, %dma_start3A_85] : memref<10240x64xf32, #tpu.memory_space<hbm>> -> memref<10240x64xf32, #tpu.memory_space<hbm>>
      tpu.enqueue_indirect_dma source(%dma_start3A_86 : memref<10240x64xf32, #tpu.memory_space<hbm>>) target(%arg11 : memref<128x64xf32, #tpu.memory_space<vmem>>) offsets(%arg9 : memref<128xi32, #tpu.memory_space<vmem>>) semaphore(%arg14 : memref<!tpu.dma_semaphore, #tpu.memory_space<semaphore_mem>>)
      %dma_wait3A = arith.constant 0 : i32
      %dma_wait3A_87 = arith.constant 0 : i32
      %dma_wait3A_88 = tpu.memref_slice %arg4[%dma_wait3A, %dma_wait3A_87] : memref<10240x64xf32, #tpu.memory_space<hbm>> -> memref<10240x64xf32, #tpu.memory_space<hbm>>
      tpu.wait_indirect_dma semaphore(%arg14 : memref<!tpu.dma_semaphore, #tpu.memory_space<semaphore_mem>>) src(%dma_wait3A_88 : memref<10240x64xf32, #tpu.memory_space<hbm>>) dst(%arg11 : memref<128x64xf32, #tpu.memory_space<vmem>>)
      "tpu.region"() ({
        %run_scoped3A = tpu.sem_alloc : memref<!tpu.dma_semaphore, #tpu.memory_space<semaphore_mem>>
        %dma_start3A_89 = arith.constant 0 : i32
        %dma_start3A_90 = arith.constant 0 : i32
        %dma_start3A_91 = tpu.memref_slice %arg13[%dma_start3A_89, %dma_start3A_90] : memref<10240x64xf32, #tpu.memory_space<vmem_shared>> -> memref<10240x64xf32, #tpu.memory_space<vmem_shared>>
        tpu.enqueue_indirect_dma source(%arg11 : memref<128x64xf32, #tpu.memory_space<vmem>>) target(%dma_start3A_91 : memref<10240x64xf32, #tpu.memory_space<vmem_shared>>) offsets(%arg10 : memref<128xi32, #tpu.memory_space<vmem>>) semaphore(%run_scoped3A : memref<!tpu.dma_semaphore, #tpu.memory_space<semaphore_mem>>) {add = true}
        %dma_wait3A_92 = arith.constant 0 : i32
        %dma_wait3A_93 = arith.constant 0 : i32
        %dma_wait3A_94 = tpu.memref_slice %arg13[%dma_wait3A_92, %dma_wait3A_93] : memref<10240x64xf32, #tpu.memory_space<vmem_shared>> -> memref<10240x64xf32, #tpu.memory_space<vmem_shared>>
        tpu.wait_indirect_dma semaphore(%run_scoped3A : memref<!tpu.dma_semaphore, #tpu.memory_space<semaphore_mem>>) src(%arg11 : memref<128x64xf32, #tpu.memory_space<vmem>>) dst(%dma_wait3A_94 : memref<10240x64xf32, #tpu.memory_space<vmem_shared>>)
        tpu.yield
      }) : () -> ()
      "tpu.region"() ({
        %run_scoped3A = tpu.sem_alloc : memref<!tpu.dma_semaphore, #tpu.memory_space<semaphore_mem>>
        %dma_start3A_89 = arith.constant 0 : i32
        %dma_start3A_90 = arith.constant 0 : i32
        %dma_start3A_91 = tpu.memref_slice %arg17[%dma_start3A_89, %dma_start3A_90] : memref<10240x16xf32, #tpu.memory_space<vmem_shared>> -> memref<10240x16xf32, #tpu.memory_space<vmem_shared>>
        tpu.enqueue_indirect_dma source(%arg15 : memref<128x16xf32, #tpu.memory_space<vmem>>) target(%dma_start3A_91 : memref<10240x16xf32, #tpu.memory_space<vmem_shared>>) offsets(%arg10 : memref<128xi32, #tpu.memory_space<vmem>>) semaphore(%run_scoped3A : memref<!tpu.dma_semaphore, #tpu.memory_space<semaphore_mem>>) {add = true}
        %dma_wait3A_92 = arith.constant 0 : i32
        %dma_wait3A_93 = arith.constant 0 : i32
        %dma_wait3A_94 = tpu.memref_slice %arg17[%dma_wait3A_92, %dma_wait3A_93] : memref<10240x16xf32, #tpu.memory_space<vmem_shared>> -> memref<10240x16xf32, #tpu.memory_space<vmem_shared>>
        tpu.wait_indirect_dma semaphore(%run_scoped3A : memref<!tpu.dma_semaphore, #tpu.memory_space<semaphore_mem>>) src(%arg15 : memref<128x16xf32, #tpu.memory_space<vmem>>) dst(%dma_wait3A_94 : memref<10240x16xf32, #tpu.memory_space<vmem_shared>>)
        tpu.yield
      }) : () -> ()
    }
    %scan3A_40 = arith.constant 79 : i32
    %barrier3A_41 = arith.constant 0 : index
    tpu.barrier barrier_id(%barrier3A_41)
    %add3A_42 = arith.constant 0 : i32
    %add3A_43 = arith.addi %mul3A_3, %add3A_42 : i32
    "tpu.region"() ({
      %run_scoped3A = tpu.sem_alloc : memref<!tpu.dma_semaphore, #tpu.memory_space<semaphore_mem>>
      %dma_start3A = arith.constant 0 : i32
      %dma_start3A_81 = tpu.memref_slice %arg13[%add3A_43, %dma_start3A] : memref<10240x64xf32, #tpu.memory_space<vmem_shared>> -> memref<128x64xf32, #tpu.memory_space<vmem_shared>>
      %dma_start3A_82 = arith.constant 0 : i32
      %dma_start3A_83 = tpu.memref_slice %arg13[%add3A_43, %dma_start3A_82] : memref<10240x64xf32, #tpu.memory_space<vmem_shared>> -> memref<128x64xf32, #tpu.memory_space<vmem_shared>>
      tpu.enqueue_dma source(%dma_start3A_83 : memref<128x64xf32, #tpu.memory_space<vmem_shared>>) target(%arg11 : memref<128x64xf32, #tpu.memory_space<vmem>>) target_semaphore(%run_scoped3A : memref<!tpu.dma_semaphore, #tpu.memory_space<semaphore_mem>>)
      %dma_wait3A = arith.constant 0 : i32
      %dma_wait3A_84 = tpu.memref_slice %arg13[%add3A_43, %dma_wait3A] : memref<10240x64xf32, #tpu.memory_space<vmem_shared>> -> memref<128x64xf32, #tpu.memory_space<vmem_shared>>
      %dma_wait3A_85 = arith.constant 0 : i32
      %dma_wait3A_86 = tpu.memref_slice %arg13[%add3A_43, %dma_wait3A_85] : memref<10240x64xf32, #tpu.memory_space<vmem_shared>> -> memref<128x64xf32, #tpu.memory_space<vmem_shared>>
      tpu.wait_dma2 semaphore(%run_scoped3A : memref<!tpu.dma_semaphore, #tpu.memory_space<semaphore_mem>>) src(%dma_wait3A_86 : memref<128x64xf32, #tpu.memory_space<vmem_shared>>) dst(%arg11 : memref<128x64xf32, #tpu.memory_space<vmem>>)
      tpu.yield
    }) : () -> ()
    "tpu.region"() ({
      %run_scoped3A = tpu.sem_alloc : memref<!tpu.dma_semaphore, #tpu.memory_space<semaphore_mem>>
      %dma_start3A = arith.constant 0 : i32
      %dma_start3A_81 = tpu.memref_slice %arg6[%arg0, %add3A_43, %dma_start3A] : memref<2x10240x64xf32, #tpu.memory_space<hbm>> -> memref<1x128x64xf32, #tpu.memory_space<hbm>>
      %dma_start3A_82 = tpu.memref_squeeze %dma_start3A_81 : memref<1x128x64xf32, #tpu.memory_space<hbm>> -> memref<128x64xf32, #tpu.memory_space<hbm>>
      %dma_start3A_83 = arith.constant 0 : i32
      %dma_start3A_84 = tpu.memref_slice %arg6[%arg0, %add3A_43, %dma_start3A_83] : memref<2x10240x64xf32, #tpu.memory_space<hbm>> -> memref<1x128x64xf32, #tpu.memory_space<hbm>>
      %dma_start3A_85 = tpu.memref_squeeze %dma_start3A_84 : memref<1x128x64xf32, #tpu.memory_space<hbm>> -> memref<128x64xf32, #tpu.memory_space<hbm>>
      tpu.enqueue_dma source(%arg11 : memref<128x64xf32, #tpu.memory_space<vmem>>) target(%dma_start3A_85 : memref<128x64xf32, #tpu.memory_space<hbm>>) target_semaphore(%run_scoped3A : memref<!tpu.dma_semaphore, #tpu.memory_space<semaphore_mem>>)
      %dma_wait3A = arith.constant 0 : i32
      %dma_wait3A_86 = tpu.memref_slice %arg6[%arg0, %add3A_43, %dma_wait3A] : memref<2x10240x64xf32, #tpu.memory_space<hbm>> -> memref<1x128x64xf32, #tpu.memory_space<hbm>>
      %dma_wait3A_87 = tpu.memref_squeeze %dma_wait3A_86 : memref<1x128x64xf32, #tpu.memory_space<hbm>> -> memref<128x64xf32, #tpu.memory_space<hbm>>
      %dma_wait3A_88 = arith.constant 0 : i32
      %dma_wait3A_89 = tpu.memref_slice %arg6[%arg0, %add3A_43, %dma_wait3A_88] : memref<2x10240x64xf32, #tpu.memory_space<hbm>> -> memref<1x128x64xf32, #tpu.memory_space<hbm>>
      %dma_wait3A_90 = tpu.memref_squeeze %dma_wait3A_89 : memref<1x128x64xf32, #tpu.memory_space<hbm>> -> memref<128x64xf32, #tpu.memory_space<hbm>>
      tpu.wait_dma2 semaphore(%run_scoped3A : memref<!tpu.dma_semaphore, #tpu.memory_space<semaphore_mem>>) src(%arg11 : memref<128x64xf32, #tpu.memory_space<vmem>>) dst(%dma_wait3A_90 : memref<128x64xf32, #tpu.memory_space<hbm>>)
      tpu.yield
    }) : () -> ()
    %add3A_44 = arith.constant 128 : i32
    %add3A_45 = arith.addi %mul3A_3, %add3A_44 : i32
    "tpu.region"() ({
      %run_scoped3A = tpu.sem_alloc : memref<!tpu.dma_semaphore, #tpu.memory_space<semaphore_mem>>
      %dma_start3A = arith.constant 0 : i32
      %dma_start3A_81 = tpu.memref_slice %arg13[%add3A_45, %dma_start3A] : memref<10240x64xf32, #tpu.memory_space<vmem_shared>> -> memref<128x64xf32, #tpu.memory_space<vmem_shared>>
      %dma_start3A_82 = arith.constant 0 : i32
      %dma_start3A_83 = tpu.memref_slice %arg13[%add3A_45, %dma_start3A_82] : memref<10240x64xf32, #tpu.memory_space<vmem_shared>> -> memref<128x64xf32, #tpu.memory_space<vmem_shared>>
      tpu.enqueue_dma source(%dma_start3A_83 : memref<128x64xf32, #tpu.memory_space<vmem_shared>>) target(%arg11 : memref<128x64xf32, #tpu.memory_space<vmem>>) target_semaphore(%run_scoped3A : memref<!tpu.dma_semaphore, #tpu.memory_space<semaphore_mem>>)
      %dma_wait3A = arith.constant 0 : i32
      %dma_wait3A_84 = tpu.memref_slice %arg13[%add3A_45, %dma_wait3A] : memref<10240x64xf32, #tpu.memory_space<vmem_shared>> -> memref<128x64xf32, #tpu.memory_space<vmem_shared>>
      %dma_wait3A_85 = arith.constant 0 : i32
      %dma_wait3A_86 = tpu.memref_slice %arg13[%add3A_45, %dma_wait3A_85] : memref<10240x64xf32, #tpu.memory_space<vmem_shared>> -> memref<128x64xf32, #tpu.memory_space<vmem_shared>>
      tpu.wait_dma2 semaphore(%run_scoped3A : memref<!tpu.dma_semaphore, #tpu.memory_space<semaphore_mem>>) src(%dma_wait3A_86 : memref<128x64xf32, #tpu.memory_space<vmem_shared>>) dst(%arg11 : memref<128x64xf32, #tpu.memory_space<vmem>>)
      tpu.yield
    }) : () -> ()
    "tpu.region"() ({
      %run_scoped3A = tpu.sem_alloc : memref<!tpu.dma_semaphore, #tpu.memory_space<semaphore_mem>>
      %dma_start3A = arith.constant 0 : i32
      %dma_start3A_81 = tpu.memref_slice %arg6[%arg0, %add3A_45, %dma_start3A] : memref<2x10240x64xf32, #tpu.memory_space<hbm>> -> memref<1x128x64xf32, #tpu.memory_space<hbm>>
      %dma_start3A_82 = tpu.memref_squeeze %dma_start3A_81 : memref<1x128x64xf32, #tpu.memory_space<hbm>> -> memref<128x64xf32, #tpu.memory_space<hbm>>
      %dma_start3A_83 = arith.constant 0 : i32
      %dma_start3A_84 = tpu.memref_slice %arg6[%arg0, %add3A_45, %dma_start3A_83] : memref<2x10240x64xf32, #tpu.memory_space<hbm>> -> memref<1x128x64xf32, #tpu.memory_space<hbm>>
      %dma_start3A_85 = tpu.memref_squeeze %dma_start3A_84 : memref<1x128x64xf32, #tpu.memory_space<hbm>> -> memref<128x64xf32, #tpu.memory_space<hbm>>
      tpu.enqueue_dma source(%arg11 : memref<128x64xf32, #tpu.memory_space<vmem>>) target(%dma_start3A_85 : memref<128x64xf32, #tpu.memory_space<hbm>>) target_semaphore(%run_scoped3A : memref<!tpu.dma_semaphore, #tpu.memory_space<semaphore_mem>>)
      %dma_wait3A = arith.constant 0 : i32
      %dma_wait3A_86 = tpu.memref_slice %arg6[%arg0, %add3A_45, %dma_wait3A] : memref<2x10240x64xf32, #tpu.memory_space<hbm>> -> memref<1x128x64xf32, #tpu.memory_space<hbm>>
      %dma_wait3A_87 = tpu.memref_squeeze %dma_wait3A_86 : memref<1x128x64xf32, #tpu.memory_space<hbm>> -> memref<128x64xf32, #tpu.memory_space<hbm>>
      %dma_wait3A_88 = arith.constant 0 : i32
      %dma_wait3A_89 = tpu.memref_slice %arg6[%arg0, %add3A_45, %dma_wait3A_88] : memref<2x10240x64xf32, #tpu.memory_space<hbm>> -> memref<1x128x64xf32, #tpu.memory_space<hbm>>
      %dma_wait3A_90 = tpu.memref_squeeze %dma_wait3A_89 : memref<1x128x64xf32, #tpu.memory_space<hbm>> -> memref<128x64xf32, #tpu.memory_space<hbm>>
      tpu.wait_dma2 semaphore(%run_scoped3A : memref<!tpu.dma_semaphore, #tpu.memory_space<semaphore_mem>>) src(%arg11 : memref<128x64xf32, #tpu.memory_space<vmem>>) dst(%dma_wait3A_90 : memref<128x64xf32, #tpu.memory_space<hbm>>)
      tpu.yield
    }) : () -> ()
    %add3A_46 = arith.constant 256 : i32
    %add3A_47 = arith.addi %mul3A_3, %add3A_46 : i32
    "tpu.region"() ({
      %run_scoped3A = tpu.sem_alloc : memref<!tpu.dma_semaphore, #tpu.memory_space<semaphore_mem>>
      %dma_start3A = arith.constant 0 : i32
      %dma_start3A_81 = tpu.memref_slice %arg13[%add3A_47, %dma_start3A] : memref<10240x64xf32, #tpu.memory_space<vmem_shared>> -> memref<128x64xf32, #tpu.memory_space<vmem_shared>>
      %dma_start3A_82 = arith.constant 0 : i32
      %dma_start3A_83 = tpu.memref_slice %arg13[%add3A_47, %dma_start3A_82] : memref<10240x64xf32, #tpu.memory_space<vmem_shared>> -> memref<128x64xf32, #tpu.memory_space<vmem_shared>>
      tpu.enqueue_dma source(%dma_start3A_83 : memref<128x64xf32, #tpu.memory_space<vmem_shared>>) target(%arg11 : memref<128x64xf32, #tpu.memory_space<vmem>>) target_semaphore(%run_scoped3A : memref<!tpu.dma_semaphore, #tpu.memory_space<semaphore_mem>>)
      %dma_wait3A = arith.constant 0 : i32
      %dma_wait3A_84 = tpu.memref_slice %arg13[%add3A_47, %dma_wait3A] : memref<10240x64xf32, #tpu.memory_space<vmem_shared>> -> memref<128x64xf32, #tpu.memory_space<vmem_shared>>
      %dma_wait3A_85 = arith.constant 0 : i32
      %dma_wait3A_86 = tpu.memref_slice %arg13[%add3A_47, %dma_wait3A_85] : memref<10240x64xf32, #tpu.memory_space<vmem_shared>> -> memref<128x64xf32, #tpu.memory_space<vmem_shared>>
      tpu.wait_dma2 semaphore(%run_scoped3A : memref<!tpu.dma_semaphore, #tpu.memory_space<semaphore_mem>>) src(%dma_wait3A_86 : memref<128x64xf32, #tpu.memory_space<vmem_shared>>) dst(%arg11 : memref<128x64xf32, #tpu.memory_space<vmem>>)
      tpu.yield
    }) : () -> ()
    "tpu.region"() ({
      %run_scoped3A = tpu.sem_alloc : memref<!tpu.dma_semaphore, #tpu.memory_space<semaphore_mem>>
      %dma_start3A = arith.constant 0 : i32
      %dma_start3A_81 = tpu.memref_slice %arg6[%arg0, %add3A_47, %dma_start3A] : memref<2x10240x64xf32, #tpu.memory_space<hbm>> -> memref<1x128x64xf32, #tpu.memory_space<hbm>>
      %dma_start3A_82 = tpu.memref_squeeze %dma_start3A_81 : memref<1x128x64xf32, #tpu.memory_space<hbm>> -> memref<128x64xf32, #tpu.memory_space<hbm>>
      %dma_start3A_83 = arith.constant 0 : i32
      %dma_start3A_84 = tpu.memref_slice %arg6[%arg0, %add3A_47, %dma_start3A_83] : memref<2x10240x64xf32, #tpu.memory_space<hbm>> -> memref<1x128x64xf32, #tpu.memory_space<hbm>>
      %dma_start3A_85 = tpu.memref_squeeze %dma_start3A_84 : memref<1x128x64xf32, #tpu.memory_space<hbm>> -> memref<128x64xf32, #tpu.memory_space<hbm>>
      tpu.enqueue_dma source(%arg11 : memref<128x64xf32, #tpu.memory_space<vmem>>) target(%dma_start3A_85 : memref<128x64xf32, #tpu.memory_space<hbm>>) target_semaphore(%run_scoped3A : memref<!tpu.dma_semaphore, #tpu.memory_space<semaphore_mem>>)
      %dma_wait3A = arith.constant 0 : i32
      %dma_wait3A_86 = tpu.memref_slice %arg6[%arg0, %add3A_47, %dma_wait3A] : memref<2x10240x64xf32, #tpu.memory_space<hbm>> -> memref<1x128x64xf32, #tpu.memory_space<hbm>>
      %dma_wait3A_87 = tpu.memref_squeeze %dma_wait3A_86 : memref<1x128x64xf32, #tpu.memory_space<hbm>> -> memref<128x64xf32, #tpu.memory_space<hbm>>
      %dma_wait3A_88 = arith.constant 0 : i32
      %dma_wait3A_89 = tpu.memref_slice %arg6[%arg0, %add3A_47, %dma_wait3A_88] : memref<2x10240x64xf32, #tpu.memory_space<hbm>> -> memref<1x128x64xf32, #tpu.memory_space<hbm>>
      %dma_wait3A_90 = tpu.memref_squeeze %dma_wait3A_89 : memref<1x128x64xf32, #tpu.memory_space<hbm>> -> memref<128x64xf32, #tpu.memory_space<hbm>>
      tpu.wait_dma2 semaphore(%run_scoped3A : memref<!tpu.dma_semaphore, #tpu.memory_space<semaphore_mem>>) src(%arg11 : memref<128x64xf32, #tpu.memory_space<vmem>>) dst(%dma_wait3A_90 : memref<128x64xf32, #tpu.memory_space<hbm>>)
      tpu.yield
    }) : () -> ()
    %add3A_48 = arith.constant 384 : i32
    %add3A_49 = arith.addi %mul3A_3, %add3A_48 : i32
    "tpu.region"() ({
      %run_scoped3A = tpu.sem_alloc : memref<!tpu.dma_semaphore, #tpu.memory_space<semaphore_mem>>
      %dma_start3A = arith.constant 0 : i32
      %dma_start3A_81 = tpu.memref_slice %arg13[%add3A_49, %dma_start3A] : memref<10240x64xf32, #tpu.memory_space<vmem_shared>> -> memref<128x64xf32, #tpu.memory_space<vmem_shared>>
      %dma_start3A_82 = arith.constant 0 : i32
      %dma_start3A_83 = tpu.memref_slice %arg13[%add3A_49, %dma_start3A_82] : memref<10240x64xf32, #tpu.memory_space<vmem_shared>> -> memref<128x64xf32, #tpu.memory_space<vmem_shared>>
      tpu.enqueue_dma source(%dma_start3A_83 : memref<128x64xf32, #tpu.memory_space<vmem_shared>>) target(%arg11 : memref<128x64xf32, #tpu.memory_space<vmem>>) target_semaphore(%run_scoped3A : memref<!tpu.dma_semaphore, #tpu.memory_space<semaphore_mem>>)
      %dma_wait3A = arith.constant 0 : i32
      %dma_wait3A_84 = tpu.memref_slice %arg13[%add3A_49, %dma_wait3A] : memref<10240x64xf32, #tpu.memory_space<vmem_shared>> -> memref<128x64xf32, #tpu.memory_space<vmem_shared>>
      %dma_wait3A_85 = arith.constant 0 : i32
      %dma_wait3A_86 = tpu.memref_slice %arg13[%add3A_49, %dma_wait3A_85] : memref<10240x64xf32, #tpu.memory_space<vmem_shared>> -> memref<128x64xf32, #tpu.memory_space<vmem_shared>>
      tpu.wait_dma2 semaphore(%run_scoped3A : memref<!tpu.dma_semaphore, #tpu.memory_space<semaphore_mem>>) src(%dma_wait3A_86 : memref<128x64xf32, #tpu.memory_space<vmem_shared>>) dst(%arg11 : memref<128x64xf32, #tpu.memory_space<vmem>>)
      tpu.yield
    }) : () -> ()
    "tpu.region"() ({
      %run_scoped3A = tpu.sem_alloc : memref<!tpu.dma_semaphore, #tpu.memory_space<semaphore_mem>>
      %dma_start3A = arith.constant 0 : i32
      %dma_start3A_81 = tpu.memref_slice %arg6[%arg0, %add3A_49, %dma_start3A] : memref<2x10240x64xf32, #tpu.memory_space<hbm>> -> memref<1x128x64xf32, #tpu.memory_space<hbm>>
      %dma_start3A_82 = tpu.memref_squeeze %dma_start3A_81 : memref<1x128x64xf32, #tpu.memory_space<hbm>> -> memref<128x64xf32, #tpu.memory_space<hbm>>
      %dma_start3A_83 = arith.constant 0 : i32
      %dma_start3A_84 = tpu.memref_slice %arg6[%arg0, %add3A_49, %dma_start3A_83] : memref<2x10240x64xf32, #tpu.memory_space<hbm>> -> memref<1x128x64xf32, #tpu.memory_space<hbm>>
      %dma_start3A_85 = tpu.memref_squeeze %dma_start3A_84 : memref<1x128x64xf32, #tpu.memory_space<hbm>> -> memref<128x64xf32, #tpu.memory_space<hbm>>
      tpu.enqueue_dma source(%arg11 : memref<128x64xf32, #tpu.memory_space<vmem>>) target(%dma_start3A_85 : memref<128x64xf32, #tpu.memory_space<hbm>>) target_semaphore(%run_scoped3A : memref<!tpu.dma_semaphore, #tpu.memory_space<semaphore_mem>>)
      %dma_wait3A = arith.constant 0 : i32
      %dma_wait3A_86 = tpu.memref_slice %arg6[%arg0, %add3A_49, %dma_wait3A] : memref<2x10240x64xf32, #tpu.memory_space<hbm>> -> memref<1x128x64xf32, #tpu.memory_space<hbm>>
      %dma_wait3A_87 = tpu.memref_squeeze %dma_wait3A_86 : memref<1x128x64xf32, #tpu.memory_space<hbm>> -> memref<128x64xf32, #tpu.memory_space<hbm>>
      %dma_wait3A_88 = arith.constant 0 : i32
      %dma_wait3A_89 = tpu.memref_slice %arg6[%arg0, %add3A_49, %dma_wait3A_88] : memref<2x10240x64xf32, #tpu.memory_space<hbm>> -> memref<1x128x64xf32, #tpu.memory_space<hbm>>
      %dma_wait3A_90 = tpu.memref_squeeze %dma_wait3A_89 : memref<1x128x64xf32, #tpu.memory_space<hbm>> -> memref<128x64xf32, #tpu.memory_space<hbm>>
      tpu.wait_dma2 semaphore(%run_scoped3A : memref<!tpu.dma_semaphore, #tpu.memory_space<semaphore_mem>>) src(%arg11 : memref<128x64xf32, #tpu.memory_space<vmem>>) dst(%dma_wait3A_90 : memref<128x64xf32, #tpu.memory_space<hbm>>)
      tpu.yield
    }) : () -> ()
    %add3A_50 = arith.constant 512 : i32
    %add3A_51 = arith.addi %mul3A_3, %add3A_50 : i32
    "tpu.region"() ({
      %run_scoped3A = tpu.sem_alloc : memref<!tpu.dma_semaphore, #tpu.memory_space<semaphore_mem>>
      %dma_start3A = arith.constant 0 : i32
      %dma_start3A_81 = tpu.memref_slice %arg13[%add3A_51, %dma_start3A] : memref<10240x64xf32, #tpu.memory_space<vmem_shared>> -> memref<128x64xf32, #tpu.memory_space<vmem_shared>>
      %dma_start3A_82 = arith.constant 0 : i32
      %dma_start3A_83 = tpu.memref_slice %arg13[%add3A_51, %dma_start3A_82] : memref<10240x64xf32, #tpu.memory_space<vmem_shared>> -> memref<128x64xf32, #tpu.memory_space<vmem_shared>>
      tpu.enqueue_dma source(%dma_start3A_83 : memref<128x64xf32, #tpu.memory_space<vmem_shared>>) target(%arg11 : memref<128x64xf32, #tpu.memory_space<vmem>>) target_semaphore(%run_scoped3A : memref<!tpu.dma_semaphore, #tpu.memory_space<semaphore_mem>>)
      %dma_wait3A = arith.constant 0 : i32
      %dma_wait3A_84 = tpu.memref_slice %arg13[%add3A_51, %dma_wait3A] : memref<10240x64xf32, #tpu.memory_space<vmem_shared>> -> memref<128x64xf32, #tpu.memory_space<vmem_shared>>
      %dma_wait3A_85 = arith.constant 0 : i32
      %dma_wait3A_86 = tpu.memref_slice %arg13[%add3A_51, %dma_wait3A_85] : memref<10240x64xf32, #tpu.memory_space<vmem_shared>> -> memref<128x64xf32, #tpu.memory_space<vmem_shared>>
      tpu.wait_dma2 semaphore(%run_scoped3A : memref<!tpu.dma_semaphore, #tpu.memory_space<semaphore_mem>>) src(%dma_wait3A_86 : memref<128x64xf32, #tpu.memory_space<vmem_shared>>) dst(%arg11 : memref<128x64xf32, #tpu.memory_space<vmem>>)
      tpu.yield
    }) : () -> ()
    "tpu.region"() ({
      %run_scoped3A = tpu.sem_alloc : memref<!tpu.dma_semaphore, #tpu.memory_space<semaphore_mem>>
      %dma_start3A = arith.constant 0 : i32
      %dma_start3A_81 = tpu.memref_slice %arg6[%arg0, %add3A_51, %dma_start3A] : memref<2x10240x64xf32, #tpu.memory_space<hbm>> -> memref<1x128x64xf32, #tpu.memory_space<hbm>>
      %dma_start3A_82 = tpu.memref_squeeze %dma_start3A_81 : memref<1x128x64xf32, #tpu.memory_space<hbm>> -> memref<128x64xf32, #tpu.memory_space<hbm>>
      %dma_start3A_83 = arith.constant 0 : i32
      %dma_start3A_84 = tpu.memref_slice %arg6[%arg0, %add3A_51, %dma_start3A_83] : memref<2x10240x64xf32, #tpu.memory_space<hbm>> -> memref<1x128x64xf32, #tpu.memory_space<hbm>>
      %dma_start3A_85 = tpu.memref_squeeze %dma_start3A_84 : memref<1x128x64xf32, #tpu.memory_space<hbm>> -> memref<128x64xf32, #tpu.memory_space<hbm>>
      tpu.enqueue_dma source(%arg11 : memref<128x64xf32, #tpu.memory_space<vmem>>) target(%dma_start3A_85 : memref<128x64xf32, #tpu.memory_space<hbm>>) target_semaphore(%run_scoped3A : memref<!tpu.dma_semaphore, #tpu.memory_space<semaphore_mem>>)
      %dma_wait3A = arith.constant 0 : i32
      %dma_wait3A_86 = tpu.memref_slice %arg6[%arg0, %add3A_51, %dma_wait3A] : memref<2x10240x64xf32, #tpu.memory_space<hbm>> -> memref<1x128x64xf32, #tpu.memory_space<hbm>>
      %dma_wait3A_87 = tpu.memref_squeeze %dma_wait3A_86 : memref<1x128x64xf32, #tpu.memory_space<hbm>> -> memref<128x64xf32, #tpu.memory_space<hbm>>
      %dma_wait3A_88 = arith.constant 0 : i32
      %dma_wait3A_89 = tpu.memref_slice %arg6[%arg0, %add3A_51, %dma_wait3A_88] : memref<2x10240x64xf32, #tpu.memory_space<hbm>> -> memref<1x128x64xf32, #tpu.memory_space<hbm>>
      %dma_wait3A_90 = tpu.memref_squeeze %dma_wait3A_89 : memref<1x128x64xf32, #tpu.memory_space<hbm>> -> memref<128x64xf32, #tpu.memory_space<hbm>>
      tpu.wait_dma2 semaphore(%run_scoped3A : memref<!tpu.dma_semaphore, #tpu.memory_space<semaphore_mem>>) src(%arg11 : memref<128x64xf32, #tpu.memory_space<vmem>>) dst(%dma_wait3A_90 : memref<128x64xf32, #tpu.memory_space<hbm>>)
      tpu.yield
    }) : () -> ()
    "tpu.region"() ({
      %run_scoped3A = tpu.sem_alloc : memref<!tpu.dma_semaphore, #tpu.memory_space<semaphore_mem>>
      %dma_start3A = arith.constant 0 : i32
      %dma_start3A_81 = tpu.memref_slice %arg17[%mul3A_3, %dma_start3A] : memref<10240x16xf32, #tpu.memory_space<vmem_shared>> -> memref<640x16xf32, #tpu.memory_space<vmem_shared>>
      %dma_start3A_82 = arith.constant 0 : i32
      %dma_start3A_83 = tpu.memref_slice %arg17[%mul3A_3, %dma_start3A_82] : memref<10240x16xf32, #tpu.memory_space<vmem_shared>> -> memref<640x16xf32, #tpu.memory_space<vmem_shared>>
      tpu.enqueue_dma source(%dma_start3A_83 : memref<640x16xf32, #tpu.memory_space<vmem_shared>>) target(%arg16 : memref<640x16xf32, #tpu.memory_space<vmem>>) target_semaphore(%run_scoped3A : memref<!tpu.dma_semaphore, #tpu.memory_space<semaphore_mem>>)
      %dma_wait3A = arith.constant 0 : i32
      %dma_wait3A_84 = tpu.memref_slice %arg17[%mul3A_3, %dma_wait3A] : memref<10240x16xf32, #tpu.memory_space<vmem_shared>> -> memref<640x16xf32, #tpu.memory_space<vmem_shared>>
      %dma_wait3A_85 = arith.constant 0 : i32
      %dma_wait3A_86 = tpu.memref_slice %arg17[%mul3A_3, %dma_wait3A_85] : memref<10240x16xf32, #tpu.memory_space<vmem_shared>> -> memref<640x16xf32, #tpu.memory_space<vmem_shared>>
      tpu.wait_dma2 semaphore(%run_scoped3A : memref<!tpu.dma_semaphore, #tpu.memory_space<semaphore_mem>>) src(%dma_wait3A_86 : memref<640x16xf32, #tpu.memory_space<vmem_shared>>) dst(%arg16 : memref<640x16xf32, #tpu.memory_space<vmem>>)
      tpu.yield
    }) : () -> ()
    "tpu.region"() ({
      %run_scoped3A = tpu.sem_alloc : memref<!tpu.dma_semaphore, #tpu.memory_space<semaphore_mem>>
      %dma_start3A = arith.constant 0 : i32
      %dma_start3A_81 = tpu.memref_slice %arg8[%arg0, %mul3A_3, %dma_start3A] : memref<2x10240x16xf32, #tpu.memory_space<hbm>> -> memref<1x640x16xf32, #tpu.memory_space<hbm>>
      %dma_start3A_82 = tpu.memref_squeeze %dma_start3A_81 : memref<1x640x16xf32, #tpu.memory_space<hbm>> -> memref<640x16xf32, #tpu.memory_space<hbm>>
      %dma_start3A_83 = arith.constant 0 : i32
      %dma_start3A_84 = tpu.memref_slice %arg8[%arg0, %mul3A_3, %dma_start3A_83] : memref<2x10240x16xf32, #tpu.memory_space<hbm>> -> memref<1x640x16xf32, #tpu.memory_space<hbm>>
      %dma_start3A_85 = tpu.memref_squeeze %dma_start3A_84 : memref<1x640x16xf32, #tpu.memory_space<hbm>> -> memref<640x16xf32, #tpu.memory_space<hbm>>
      tpu.enqueue_dma source(%arg16 : memref<640x16xf32, #tpu.memory_space<vmem>>) target(%dma_start3A_85 : memref<640x16xf32, #tpu.memory_space<hbm>>) target_semaphore(%run_scoped3A : memref<!tpu.dma_semaphore, #tpu.memory_space<semaphore_mem>>)
      %dma_wait3A = arith.constant 0 : i32
      %dma_wait3A_86 = tpu.memref_slice %arg8[%arg0, %mul3A_3, %dma_wait3A] : memref<2x10240x16xf32, #tpu.memory_space<hbm>> -> memref<1x640x16xf32, #tpu.memory_space<hbm>>
      %dma_wait3A_87 = tpu.memref_squeeze %dma_wait3A_86 : memref<1x640x16xf32, #tpu.memory_space<hbm>> -> memref<640x16xf32, #tpu.memory_space<hbm>>
      %dma_wait3A_88 = arith.constant 0 : i32
      %dma_wait3A_89 = tpu.memref_slice %arg8[%arg0, %mul3A_3, %dma_wait3A_88] : memref<2x10240x16xf32, #tpu.memory_space<hbm>> -> memref<1x640x16xf32, #tpu.memory_space<hbm>>
      %dma_wait3A_90 = tpu.memref_squeeze %dma_wait3A_89 : memref<1x640x16xf32, #tpu.memory_space<hbm>> -> memref<640x16xf32, #tpu.memory_space<hbm>>
      tpu.wait_dma2 semaphore(%run_scoped3A : memref<!tpu.dma_semaphore, #tpu.memory_space<semaphore_mem>>) src(%arg16 : memref<640x16xf32, #tpu.memory_space<vmem>>) dst(%dma_wait3A_90 : memref<640x16xf32, #tpu.memory_space<hbm>>)
      tpu.yield
    }) : () -> ()
    %barrier3A_52 = arith.constant 0 : index
    tpu.barrier barrier_id(%barrier3A_52)
    %add3A_53 = arith.constant 0 : i32
    %add3A_54 = arith.addi %mul3A_3, %add3A_53 : i32
    "tpu.region"() ({
      %run_scoped3A = tpu.sem_alloc : memref<!tpu.dma_semaphore, #tpu.memory_space<semaphore_mem>>
      %dma_start3A = arith.constant 0 : i32
      %dma_start3A_81 = tpu.memref_slice %arg13[%add3A_54, %dma_start3A] : memref<10240x64xf32, #tpu.memory_space<vmem_shared>> -> memref<128x64xf32, #tpu.memory_space<vmem_shared>>
      %dma_start3A_82 = arith.constant 0 : i32
      %dma_start3A_83 = tpu.memref_slice %arg13[%add3A_54, %dma_start3A_82] : memref<10240x64xf32, #tpu.memory_space<vmem_shared>> -> memref<128x64xf32, #tpu.memory_space<vmem_shared>>
      tpu.enqueue_dma source(%arg12 : memref<128x64xf32, #tpu.memory_space<vmem>>) target(%dma_start3A_83 : memref<128x64xf32, #tpu.memory_space<vmem_shared>>) target_semaphore(%run_scoped3A : memref<!tpu.dma_semaphore, #tpu.memory_space<semaphore_mem>>)
      %dma_wait3A = arith.constant 0 : i32
      %dma_wait3A_84 = tpu.memref_slice %arg13[%add3A_54, %dma_wait3A] : memref<10240x64xf32, #tpu.memory_space<vmem_shared>> -> memref<128x64xf32, #tpu.memory_space<vmem_shared>>
      %dma_wait3A_85 = arith.constant 0 : i32
      %dma_wait3A_86 = tpu.memref_slice %arg13[%add3A_54, %dma_wait3A_85] : memref<10240x64xf32, #tpu.memory_space<vmem_shared>> -> memref<128x64xf32, #tpu.memory_space<vmem_shared>>
      tpu.wait_dma2 semaphore(%run_scoped3A : memref<!tpu.dma_semaphore, #tpu.memory_space<semaphore_mem>>) src(%arg12 : memref<128x64xf32, #tpu.memory_space<vmem>>) dst(%dma_wait3A_86 : memref<128x64xf32, #tpu.memory_space<vmem_shared>>)
      tpu.yield
    }) : () -> ()
    %add3A_55 = arith.constant 128 : i32
    %add3A_56 = arith.addi %mul3A_3, %add3A_55 : i32
    "tpu.region"() ({
      %run_scoped3A = tpu.sem_alloc : memref<!tpu.dma_semaphore, #tpu.memory_space<semaphore_mem>>
      %dma_start3A = arith.constant 0 : i32
      %dma_start3A_81 = tpu.memref_slice %arg13[%add3A_56, %dma_start3A] : memref<10240x64xf32, #tpu.memory_space<vmem_shared>> -> memref<128x64xf32, #tpu.memory_space<vmem_shared>>
      %dma_start3A_82 = arith.constant 0 : i32
      %dma_start3A_83 = tpu.memref_slice %arg13[%add3A_56, %dma_start3A_82] : memref<10240x64xf32, #tpu.memory_space<vmem_shared>> -> memref<128x64xf32, #tpu.memory_space<vmem_shared>>
      tpu.enqueue_dma source(%arg12 : memref<128x64xf32, #tpu.memory_space<vmem>>) target(%dma_start3A_83 : memref<128x64xf32, #tpu.memory_space<vmem_shared>>) target_semaphore(%run_scoped3A : memref<!tpu.dma_semaphore, #tpu.memory_space<semaphore_mem>>)
      %dma_wait3A = arith.constant 0 : i32
      %dma_wait3A_84 = tpu.memref_slice %arg13[%add3A_56, %dma_wait3A] : memref<10240x64xf32, #tpu.memory_space<vmem_shared>> -> memref<128x64xf32, #tpu.memory_space<vmem_shared>>
      %dma_wait3A_85 = arith.constant 0 : i32
      %dma_wait3A_86 = tpu.memref_slice %arg13[%add3A_56, %dma_wait3A_85] : memref<10240x64xf32, #tpu.memory_space<vmem_shared>> -> memref<128x64xf32, #tpu.memory_space<vmem_shared>>
      tpu.wait_dma2 semaphore(%run_scoped3A : memref<!tpu.dma_semaphore, #tpu.memory_space<semaphore_mem>>) src(%arg12 : memref<128x64xf32, #tpu.memory_space<vmem>>) dst(%dma_wait3A_86 : memref<128x64xf32, #tpu.memory_space<vmem_shared>>)
      tpu.yield
    }) : () -> ()
    %add3A_57 = arith.constant 256 : i32
    %add3A_58 = arith.addi %mul3A_3, %add3A_57 : i32
    "tpu.region"() ({
      %run_scoped3A = tpu.sem_alloc : memref<!tpu.dma_semaphore, #tpu.memory_space<semaphore_mem>>
      %dma_start3A = arith.constant 0 : i32
      %dma_start3A_81 = tpu.memref_slice %arg13[%add3A_58, %dma_start3A] : memref<10240x64xf32, #tpu.memory_space<vmem_shared>> -> memref<128x64xf32, #tpu.memory_space<vmem_shared>>
      %dma_start3A_82 = arith.constant 0 : i32
      %dma_start3A_83 = tpu.memref_slice %arg13[%add3A_58, %dma_start3A_82] : memref<10240x64xf32, #tpu.memory_space<vmem_shared>> -> memref<128x64xf32, #tpu.memory_space<vmem_shared>>
      tpu.enqueue_dma source(%arg12 : memref<128x64xf32, #tpu.memory_space<vmem>>) target(%dma_start3A_83 : memref<128x64xf32, #tpu.memory_space<vmem_shared>>) target_semaphore(%run_scoped3A : memref<!tpu.dma_semaphore, #tpu.memory_space<semaphore_mem>>)
      %dma_wait3A = arith.constant 0 : i32
      %dma_wait3A_84 = tpu.memref_slice %arg13[%add3A_58, %dma_wait3A] : memref<10240x64xf32, #tpu.memory_space<vmem_shared>> -> memref<128x64xf32, #tpu.memory_space<vmem_shared>>
      %dma_wait3A_85 = arith.constant 0 : i32
      %dma_wait3A_86 = tpu.memref_slice %arg13[%add3A_58, %dma_wait3A_85] : memref<10240x64xf32, #tpu.memory_space<vmem_shared>> -> memref<128x64xf32, #tpu.memory_space<vmem_shared>>
      tpu.wait_dma2 semaphore(%run_scoped3A : memref<!tpu.dma_semaphore, #tpu.memory_space<semaphore_mem>>) src(%arg12 : memref<128x64xf32, #tpu.memory_space<vmem>>) dst(%dma_wait3A_86 : memref<128x64xf32, #tpu.memory_space<vmem_shared>>)
      tpu.yield
    }) : () -> ()
    %add3A_59 = arith.constant 384 : i32
    %add3A_60 = arith.addi %mul3A_3, %add3A_59 : i32
    "tpu.region"() ({
      %run_scoped3A = tpu.sem_alloc : memref<!tpu.dma_semaphore, #tpu.memory_space<semaphore_mem>>
      %dma_start3A = arith.constant 0 : i32
      %dma_start3A_81 = tpu.memref_slice %arg13[%add3A_60, %dma_start3A] : memref<10240x64xf32, #tpu.memory_space<vmem_shared>> -> memref<128x64xf32, #tpu.memory_space<vmem_shared>>
      %dma_start3A_82 = arith.constant 0 : i32
      %dma_start3A_83 = tpu.memref_slice %arg13[%add3A_60, %dma_start3A_82] : memref<10240x64xf32, #tpu.memory_space<vmem_shared>> -> memref<128x64xf32, #tpu.memory_space<vmem_shared>>
      tpu.enqueue_dma source(%arg12 : memref<128x64xf32, #tpu.memory_space<vmem>>) target(%dma_start3A_83 : memref<128x64xf32, #tpu.memory_space<vmem_shared>>) target_semaphore(%run_scoped3A : memref<!tpu.dma_semaphore, #tpu.memory_space<semaphore_mem>>)
      %dma_wait3A = arith.constant 0 : i32
      %dma_wait3A_84 = tpu.memref_slice %arg13[%add3A_60, %dma_wait3A] : memref<10240x64xf32, #tpu.memory_space<vmem_shared>> -> memref<128x64xf32, #tpu.memory_space<vmem_shared>>
      %dma_wait3A_85 = arith.constant 0 : i32
      %dma_wait3A_86 = tpu.memref_slice %arg13[%add3A_60, %dma_wait3A_85] : memref<10240x64xf32, #tpu.memory_space<vmem_shared>> -> memref<128x64xf32, #tpu.memory_space<vmem_shared>>
      tpu.wait_dma2 semaphore(%run_scoped3A : memref<!tpu.dma_semaphore, #tpu.memory_space<semaphore_mem>>) src(%arg12 : memref<128x64xf32, #tpu.memory_space<vmem>>) dst(%dma_wait3A_86 : memref<128x64xf32, #tpu.memory_space<vmem_shared>>)
      tpu.yield
    }) : () -> ()
    %add3A_61 = arith.constant 512 : i32
    %add3A_62 = arith.addi %mul3A_3, %add3A_61 : i32
    "tpu.region"() ({
      %run_scoped3A = tpu.sem_alloc : memref<!tpu.dma_semaphore, #tpu.memory_space<semaphore_mem>>
      %dma_start3A = arith.constant 0 : i32
      %dma_start3A_81 = tpu.memref_slice %arg13[%add3A_62, %dma_start3A] : memref<10240x64xf32, #tpu.memory_space<vmem_shared>> -> memref<128x64xf32, #tpu.memory_space<vmem_shared>>
      %dma_start3A_82 = arith.constant 0 : i32
      %dma_start3A_83 = tpu.memref_slice %arg13[%add3A_62, %dma_start3A_82] : memref<10240x64xf32, #tpu.memory_space<vmem_shared>> -> memref<128x64xf32, #tpu.memory_space<vmem_shared>>
      tpu.enqueue_dma source(%arg12 : memref<128x64xf32, #tpu.memory_space<vmem>>) target(%dma_start3A_83 : memref<128x64xf32, #tpu.memory_space<vmem_shared>>) target_semaphore(%run_scoped3A : memref<!tpu.dma_semaphore, #tpu.memory_space<semaphore_mem>>)
      %dma_wait3A = arith.constant 0 : i32
      %dma_wait3A_84 = tpu.memref_slice %arg13[%add3A_62, %dma_wait3A] : memref<10240x64xf32, #tpu.memory_space<vmem_shared>> -> memref<128x64xf32, #tpu.memory_space<vmem_shared>>
      %dma_wait3A_85 = arith.constant 0 : i32
      %dma_wait3A_86 = tpu.memref_slice %arg13[%add3A_62, %dma_wait3A_85] : memref<10240x64xf32, #tpu.memory_space<vmem_shared>> -> memref<128x64xf32, #tpu.memory_space<vmem_shared>>
      tpu.wait_dma2 semaphore(%run_scoped3A : memref<!tpu.dma_semaphore, #tpu.memory_space<semaphore_mem>>) src(%arg12 : memref<128x64xf32, #tpu.memory_space<vmem>>) dst(%dma_wait3A_86 : memref<128x64xf32, #tpu.memory_space<vmem_shared>>)
      tpu.yield
    }) : () -> ()
    %barrier3A_63 = arith.constant 0 : index
    tpu.barrier barrier_id(%barrier3A_63)
    %scan3A_64 = arith.constant 0 : i32
    %scan3A_65 = arith.constant 0 : i32
    %scan3A_66 = arith.constant 79 : i32
    %scan3A_67 = arith.addi %scan3A_65, %scan3A_66 : i32
    %scan3A_68 = arith.constant 1 : i32
    scf.for %scan3A_81 = %scan3A_65 to %scan3A_67 step %scan3A_68  : i32 {
      %mul3A_82 = arith.constant 128 : i32
      %mul3A_83 = arith.muli %scan3A_81, %mul3A_82 : i32
      %add3A_84 = arith.addi %mul3A_24, %mul3A_83 : i32
      "tpu.region"() ({
        %run_scoped3A = tpu.sem_alloc : memref<!tpu.dma_semaphore, #tpu.memory_space<semaphore_mem>>
        %dma_start3A_89 = tpu.memref_slice %arg2[%add3A_84] : memref<323584xi32, #tpu.memory_space<hbm>> -> memref<128xi32, #tpu.memory_space<hbm>>
        %dma_start3A_90 = tpu.memref_slice %arg2[%add3A_84] : memref<323584xi32, #tpu.memory_space<hbm>> -> memref<128xi32, #tpu.memory_space<hbm>>
        tpu.enqueue_dma source(%dma_start3A_90 : memref<128xi32, #tpu.memory_space<hbm>>) target(%arg9 : memref<128xi32, #tpu.memory_space<vmem>>) target_semaphore(%run_scoped3A : memref<!tpu.dma_semaphore, #tpu.memory_space<semaphore_mem>>)
        %dma_wait3A_91 = tpu.memref_slice %arg2[%add3A_84] : memref<323584xi32, #tpu.memory_space<hbm>> -> memref<128xi32, #tpu.memory_space<hbm>>
        %dma_wait3A_92 = tpu.memref_slice %arg2[%add3A_84] : memref<323584xi32, #tpu.memory_space<hbm>> -> memref<128xi32, #tpu.memory_space<hbm>>
        tpu.wait_dma2 semaphore(%run_scoped3A : memref<!tpu.dma_semaphore, #tpu.memory_space<semaphore_mem>>) src(%dma_wait3A_92 : memref<128xi32, #tpu.memory_space<hbm>>) dst(%arg9 : memref<128xi32, #tpu.memory_space<vmem>>)
        tpu.yield
      }) : () -> ()
      "tpu.region"() ({
        %run_scoped3A = tpu.sem_alloc : memref<!tpu.dma_semaphore, #tpu.memory_space<semaphore_mem>>
        %dma_start3A_89 = tpu.memref_slice %arg3[%add3A_84] : memref<323584xi32, #tpu.memory_space<hbm>> -> memref<128xi32, #tpu.memory_space<hbm>>
        %dma_start3A_90 = tpu.memref_slice %arg3[%add3A_84] : memref<323584xi32, #tpu.memory_space<hbm>> -> memref<128xi32, #tpu.memory_space<hbm>>
        tpu.enqueue_dma source(%dma_start3A_90 : memref<128xi32, #tpu.memory_space<hbm>>) target(%arg10 : memref<128xi32, #tpu.memory_space<vmem>>) target_semaphore(%run_scoped3A : memref<!tpu.dma_semaphore, #tpu.memory_space<semaphore_mem>>)
        %dma_wait3A_91 = tpu.memref_slice %arg3[%add3A_84] : memref<323584xi32, #tpu.memory_space<hbm>> -> memref<128xi32, #tpu.memory_space<hbm>>
        %dma_wait3A_92 = tpu.memref_slice %arg3[%add3A_84] : memref<323584xi32, #tpu.memory_space<hbm>> -> memref<128xi32, #tpu.memory_space<hbm>>
        tpu.wait_dma2 semaphore(%run_scoped3A : memref<!tpu.dma_semaphore, #tpu.memory_space<semaphore_mem>>) src(%dma_wait3A_92 : memref<128xi32, #tpu.memory_space<hbm>>) dst(%arg10 : memref<128xi32, #tpu.memory_space<vmem>>)
        tpu.yield
      }) : () -> ()
      %dma_start3A = arith.constant 0 : i32
      %dma_start3A_85 = arith.constant 0 : i32
      %dma_start3A_86 = tpu.memref_slice %arg5[%dma_start3A, %dma_start3A_85] : memref<10240x64xf32, #tpu.memory_space<hbm>> -> memref<10240x64xf32, #tpu.memory_space<hbm>>
      tpu.enqueue_indirect_dma source(%dma_start3A_86 : memref<10240x64xf32, #tpu.memory_space<hbm>>) target(%arg11 : memref<128x64xf32, #tpu.memory_space<vmem>>) offsets(%arg9 : memref<128xi32, #tpu.memory_space<vmem>>) semaphore(%arg14 : memref<!tpu.dma_semaphore, #tpu.memory_space<semaphore_mem>>)
      %dma_wait3A = arith.constant 0 : i32
      %dma_wait3A_87 = arith.constant 0 : i32
      %dma_wait3A_88 = tpu.memref_slice %arg5[%dma_wait3A, %dma_wait3A_87] : memref<10240x64xf32, #tpu.memory_space<hbm>> -> memref<10240x64xf32, #tpu.memory_space<hbm>>
      tpu.wait_indirect_dma semaphore(%arg14 : memref<!tpu.dma_semaphore, #tpu.memory_space<semaphore_mem>>) src(%dma_wait3A_88 : memref<10240x64xf32, #tpu.memory_space<hbm>>) dst(%arg11 : memref<128x64xf32, #tpu.memory_space<vmem>>)
      "tpu.region"() ({
        %run_scoped3A = tpu.sem_alloc : memref<!tpu.dma_semaphore, #tpu.memory_space<semaphore_mem>>
        %dma_start3A_89 = arith.constant 0 : i32
        %dma_start3A_90 = arith.constant 0 : i32
        %dma_start3A_91 = tpu.memref_slice %arg13[%dma_start3A_89, %dma_start3A_90] : memref<10240x64xf32, #tpu.memory_space<vmem_shared>> -> memref<10240x64xf32, #tpu.memory_space<vmem_shared>>
        tpu.enqueue_indirect_dma source(%arg11 : memref<128x64xf32, #tpu.memory_space<vmem>>) target(%dma_start3A_91 : memref<10240x64xf32, #tpu.memory_space<vmem_shared>>) offsets(%arg10 : memref<128xi32, #tpu.memory_space<vmem>>) semaphore(%run_scoped3A : memref<!tpu.dma_semaphore, #tpu.memory_space<semaphore_mem>>) {add = true}
        %dma_wait3A_92 = arith.constant 0 : i32
        %dma_wait3A_93 = arith.constant 0 : i32
        %dma_wait3A_94 = tpu.memref_slice %arg13[%dma_wait3A_92, %dma_wait3A_93] : memref<10240x64xf32, #tpu.memory_space<vmem_shared>> -> memref<10240x64xf32, #tpu.memory_space<vmem_shared>>
        tpu.wait_indirect_dma semaphore(%run_scoped3A : memref<!tpu.dma_semaphore, #tpu.memory_space<semaphore_mem>>) src(%arg11 : memref<128x64xf32, #tpu.memory_space<vmem>>) dst(%dma_wait3A_94 : memref<10240x64xf32, #tpu.memory_space<vmem_shared>>)
        tpu.yield
      }) : () -> ()
    }
    %scan3A_69 = arith.constant 79 : i32
    %barrier3A_70 = arith.constant 0 : index
    tpu.barrier barrier_id(%barrier3A_70)
    %add3A_71 = arith.constant 0 : i32
    %add3A_72 = arith.addi %mul3A_3, %add3A_71 : i32
    "tpu.region"() ({
      %run_scoped3A = tpu.sem_alloc : memref<!tpu.dma_semaphore, #tpu.memory_space<semaphore_mem>>
      %dma_start3A = arith.constant 0 : i32
      %dma_start3A_81 = tpu.memref_slice %arg13[%add3A_72, %dma_start3A] : memref<10240x64xf32, #tpu.memory_space<vmem_shared>> -> memref<128x64xf32, #tpu.memory_space<vmem_shared>>
      %dma_start3A_82 = arith.constant 0 : i32
      %dma_start3A_83 = tpu.memref_slice %arg13[%add3A_72, %dma_start3A_82] : memref<10240x64xf32, #tpu.memory_space<vmem_shared>> -> memref<128x64xf32, #tpu.memory_space<vmem_shared>>
      tpu.enqueue_dma source(%dma_start3A_83 : memref<128x64xf32, #tpu.memory_space<vmem_shared>>) target(%arg11 : memref<128x64xf32, #tpu.memory_space<vmem>>) target_semaphore(%run_scoped3A : memref<!tpu.dma_semaphore, #tpu.memory_space<semaphore_mem>>)
      %dma_wait3A = arith.constant 0 : i32
      %dma_wait3A_84 = tpu.memref_slice %arg13[%add3A_72, %dma_wait3A] : memref<10240x64xf32, #tpu.memory_space<vmem_shared>> -> memref<128x64xf32, #tpu.memory_space<vmem_shared>>
      %dma_wait3A_85 = arith.constant 0 : i32
      %dma_wait3A_86 = tpu.memref_slice %arg13[%add3A_72, %dma_wait3A_85] : memref<10240x64xf32, #tpu.memory_space<vmem_shared>> -> memref<128x64xf32, #tpu.memory_space<vmem_shared>>
      tpu.wait_dma2 semaphore(%run_scoped3A : memref<!tpu.dma_semaphore, #tpu.memory_space<semaphore_mem>>) src(%dma_wait3A_86 : memref<128x64xf32, #tpu.memory_space<vmem_shared>>) dst(%arg11 : memref<128x64xf32, #tpu.memory_space<vmem>>)
      tpu.yield
    }) : () -> ()
    "tpu.region"() ({
      %run_scoped3A = tpu.sem_alloc : memref<!tpu.dma_semaphore, #tpu.memory_space<semaphore_mem>>
      %dma_start3A = arith.constant 0 : i32
      %dma_start3A_81 = tpu.memref_slice %arg7[%arg0, %add3A_72, %dma_start3A] : memref<2x10240x64xf32, #tpu.memory_space<hbm>> -> memref<1x128x64xf32, #tpu.memory_space<hbm>>
      %dma_start3A_82 = tpu.memref_squeeze %dma_start3A_81 : memref<1x128x64xf32, #tpu.memory_space<hbm>> -> memref<128x64xf32, #tpu.memory_space<hbm>>
      %dma_start3A_83 = arith.constant 0 : i32
      %dma_start3A_84 = tpu.memref_slice %arg7[%arg0, %add3A_72, %dma_start3A_83] : memref<2x10240x64xf32, #tpu.memory_space<hbm>> -> memref<1x128x64xf32, #tpu.memory_space<hbm>>
      %dma_start3A_85 = tpu.memref_squeeze %dma_start3A_84 : memref<1x128x64xf32, #tpu.memory_space<hbm>> -> memref<128x64xf32, #tpu.memory_space<hbm>>
      tpu.enqueue_dma source(%arg11 : memref<128x64xf32, #tpu.memory_space<vmem>>) target(%dma_start3A_85 : memref<128x64xf32, #tpu.memory_space<hbm>>) target_semaphore(%run_scoped3A : memref<!tpu.dma_semaphore, #tpu.memory_space<semaphore_mem>>)
      %dma_wait3A = arith.constant 0 : i32
      %dma_wait3A_86 = tpu.memref_slice %arg7[%arg0, %add3A_72, %dma_wait3A] : memref<2x10240x64xf32, #tpu.memory_space<hbm>> -> memref<1x128x64xf32, #tpu.memory_space<hbm>>
      %dma_wait3A_87 = tpu.memref_squeeze %dma_wait3A_86 : memref<1x128x64xf32, #tpu.memory_space<hbm>> -> memref<128x64xf32, #tpu.memory_space<hbm>>
      %dma_wait3A_88 = arith.constant 0 : i32
      %dma_wait3A_89 = tpu.memref_slice %arg7[%arg0, %add3A_72, %dma_wait3A_88] : memref<2x10240x64xf32, #tpu.memory_space<hbm>> -> memref<1x128x64xf32, #tpu.memory_space<hbm>>
      %dma_wait3A_90 = tpu.memref_squeeze %dma_wait3A_89 : memref<1x128x64xf32, #tpu.memory_space<hbm>> -> memref<128x64xf32, #tpu.memory_space<hbm>>
      tpu.wait_dma2 semaphore(%run_scoped3A : memref<!tpu.dma_semaphore, #tpu.memory_space<semaphore_mem>>) src(%arg11 : memref<128x64xf32, #tpu.memory_space<vmem>>) dst(%dma_wait3A_90 : memref<128x64xf32, #tpu.memory_space<hbm>>)
      tpu.yield
    }) : () -> ()
    %add3A_73 = arith.constant 128 : i32
    %add3A_74 = arith.addi %mul3A_3, %add3A_73 : i32
    "tpu.region"() ({
      %run_scoped3A = tpu.sem_alloc : memref<!tpu.dma_semaphore, #tpu.memory_space<semaphore_mem>>
      %dma_start3A = arith.constant 0 : i32
      %dma_start3A_81 = tpu.memref_slice %arg13[%add3A_74, %dma_start3A] : memref<10240x64xf32, #tpu.memory_space<vmem_shared>> -> memref<128x64xf32, #tpu.memory_space<vmem_shared>>
      %dma_start3A_82 = arith.constant 0 : i32
      %dma_start3A_83 = tpu.memref_slice %arg13[%add3A_74, %dma_start3A_82] : memref<10240x64xf32, #tpu.memory_space<vmem_shared>> -> memref<128x64xf32, #tpu.memory_space<vmem_shared>>
      tpu.enqueue_dma source(%dma_start3A_83 : memref<128x64xf32, #tpu.memory_space<vmem_shared>>) target(%arg11 : memref<128x64xf32, #tpu.memory_space<vmem>>) target_semaphore(%run_scoped3A : memref<!tpu.dma_semaphore, #tpu.memory_space<semaphore_mem>>)
      %dma_wait3A = arith.constant 0 : i32
      %dma_wait3A_84 = tpu.memref_slice %arg13[%add3A_74, %dma_wait3A] : memref<10240x64xf32, #tpu.memory_space<vmem_shared>> -> memref<128x64xf32, #tpu.memory_space<vmem_shared>>
      %dma_wait3A_85 = arith.constant 0 : i32
      %dma_wait3A_86 = tpu.memref_slice %arg13[%add3A_74, %dma_wait3A_85] : memref<10240x64xf32, #tpu.memory_space<vmem_shared>> -> memref<128x64xf32, #tpu.memory_space<vmem_shared>>
      tpu.wait_dma2 semaphore(%run_scoped3A : memref<!tpu.dma_semaphore, #tpu.memory_space<semaphore_mem>>) src(%dma_wait3A_86 : memref<128x64xf32, #tpu.memory_space<vmem_shared>>) dst(%arg11 : memref<128x64xf32, #tpu.memory_space<vmem>>)
      tpu.yield
    }) : () -> ()
    "tpu.region"() ({
      %run_scoped3A = tpu.sem_alloc : memref<!tpu.dma_semaphore, #tpu.memory_space<semaphore_mem>>
      %dma_start3A = arith.constant 0 : i32
      %dma_start3A_81 = tpu.memref_slice %arg7[%arg0, %add3A_74, %dma_start3A] : memref<2x10240x64xf32, #tpu.memory_space<hbm>> -> memref<1x128x64xf32, #tpu.memory_space<hbm>>
      %dma_start3A_82 = tpu.memref_squeeze %dma_start3A_81 : memref<1x128x64xf32, #tpu.memory_space<hbm>> -> memref<128x64xf32, #tpu.memory_space<hbm>>
      %dma_start3A_83 = arith.constant 0 : i32
      %dma_start3A_84 = tpu.memref_slice %arg7[%arg0, %add3A_74, %dma_start3A_83] : memref<2x10240x64xf32, #tpu.memory_space<hbm>> -> memref<1x128x64xf32, #tpu.memory_space<hbm>>
      %dma_start3A_85 = tpu.memref_squeeze %dma_start3A_84 : memref<1x128x64xf32, #tpu.memory_space<hbm>> -> memref<128x64xf32, #tpu.memory_space<hbm>>
      tpu.enqueue_dma source(%arg11 : memref<128x64xf32, #tpu.memory_space<vmem>>) target(%dma_start3A_85 : memref<128x64xf32, #tpu.memory_space<hbm>>) target_semaphore(%run_scoped3A : memref<!tpu.dma_semaphore, #tpu.memory_space<semaphore_mem>>)
      %dma_wait3A = arith.constant 0 : i32
      %dma_wait3A_86 = tpu.memref_slice %arg7[%arg0, %add3A_74, %dma_wait3A] : memref<2x10240x64xf32, #tpu.memory_space<hbm>> -> memref<1x128x64xf32, #tpu.memory_space<hbm>>
      %dma_wait3A_87 = tpu.memref_squeeze %dma_wait3A_86 : memref<1x128x64xf32, #tpu.memory_space<hbm>> -> memref<128x64xf32, #tpu.memory_space<hbm>>
      %dma_wait3A_88 = arith.constant 0 : i32
      %dma_wait3A_89 = tpu.memref_slice %arg7[%arg0, %add3A_74, %dma_wait3A_88] : memref<2x10240x64xf32, #tpu.memory_space<hbm>> -> memref<1x128x64xf32, #tpu.memory_space<hbm>>
      %dma_wait3A_90 = tpu.memref_squeeze %dma_wait3A_89 : memref<1x128x64xf32, #tpu.memory_space<hbm>> -> memref<128x64xf32, #tpu.memory_space<hbm>>
      tpu.wait_dma2 semaphore(%run_scoped3A : memref<!tpu.dma_semaphore, #tpu.memory_space<semaphore_mem>>) src(%arg11 : memref<128x64xf32, #tpu.memory_space<vmem>>) dst(%dma_wait3A_90 : memref<128x64xf32, #tpu.memory_space<hbm>>)
      tpu.yield
    }) : () -> ()
    %add3A_75 = arith.constant 256 : i32
    %add3A_76 = arith.addi %mul3A_3, %add3A_75 : i32
    "tpu.region"() ({
      %run_scoped3A = tpu.sem_alloc : memref<!tpu.dma_semaphore, #tpu.memory_space<semaphore_mem>>
      %dma_start3A = arith.constant 0 : i32
      %dma_start3A_81 = tpu.memref_slice %arg13[%add3A_76, %dma_start3A] : memref<10240x64xf32, #tpu.memory_space<vmem_shared>> -> memref<128x64xf32, #tpu.memory_space<vmem_shared>>
      %dma_start3A_82 = arith.constant 0 : i32
      %dma_start3A_83 = tpu.memref_slice %arg13[%add3A_76, %dma_start3A_82] : memref<10240x64xf32, #tpu.memory_space<vmem_shared>> -> memref<128x64xf32, #tpu.memory_space<vmem_shared>>
      tpu.enqueue_dma source(%dma_start3A_83 : memref<128x64xf32, #tpu.memory_space<vmem_shared>>) target(%arg11 : memref<128x64xf32, #tpu.memory_space<vmem>>) target_semaphore(%run_scoped3A : memref<!tpu.dma_semaphore, #tpu.memory_space<semaphore_mem>>)
      %dma_wait3A = arith.constant 0 : i32
      %dma_wait3A_84 = tpu.memref_slice %arg13[%add3A_76, %dma_wait3A] : memref<10240x64xf32, #tpu.memory_space<vmem_shared>> -> memref<128x64xf32, #tpu.memory_space<vmem_shared>>
      %dma_wait3A_85 = arith.constant 0 : i32
      %dma_wait3A_86 = tpu.memref_slice %arg13[%add3A_76, %dma_wait3A_85] : memref<10240x64xf32, #tpu.memory_space<vmem_shared>> -> memref<128x64xf32, #tpu.memory_space<vmem_shared>>
      tpu.wait_dma2 semaphore(%run_scoped3A : memref<!tpu.dma_semaphore, #tpu.memory_space<semaphore_mem>>) src(%dma_wait3A_86 : memref<128x64xf32, #tpu.memory_space<vmem_shared>>) dst(%arg11 : memref<128x64xf32, #tpu.memory_space<vmem>>)
      tpu.yield
    }) : () -> ()
    "tpu.region"() ({
      %run_scoped3A = tpu.sem_alloc : memref<!tpu.dma_semaphore, #tpu.memory_space<semaphore_mem>>
      %dma_start3A = arith.constant 0 : i32
      %dma_start3A_81 = tpu.memref_slice %arg7[%arg0, %add3A_76, %dma_start3A] : memref<2x10240x64xf32, #tpu.memory_space<hbm>> -> memref<1x128x64xf32, #tpu.memory_space<hbm>>
      %dma_start3A_82 = tpu.memref_squeeze %dma_start3A_81 : memref<1x128x64xf32, #tpu.memory_space<hbm>> -> memref<128x64xf32, #tpu.memory_space<hbm>>
      %dma_start3A_83 = arith.constant 0 : i32
      %dma_start3A_84 = tpu.memref_slice %arg7[%arg0, %add3A_76, %dma_start3A_83] : memref<2x10240x64xf32, #tpu.memory_space<hbm>> -> memref<1x128x64xf32, #tpu.memory_space<hbm>>
      %dma_start3A_85 = tpu.memref_squeeze %dma_start3A_84 : memref<1x128x64xf32, #tpu.memory_space<hbm>> -> memref<128x64xf32, #tpu.memory_space<hbm>>
      tpu.enqueue_dma source(%arg11 : memref<128x64xf32, #tpu.memory_space<vmem>>) target(%dma_start3A_85 : memref<128x64xf32, #tpu.memory_space<hbm>>) target_semaphore(%run_scoped3A : memref<!tpu.dma_semaphore, #tpu.memory_space<semaphore_mem>>)
      %dma_wait3A = arith.constant 0 : i32
      %dma_wait3A_86 = tpu.memref_slice %arg7[%arg0, %add3A_76, %dma_wait3A] : memref<2x10240x64xf32, #tpu.memory_space<hbm>> -> memref<1x128x64xf32, #tpu.memory_space<hbm>>
      %dma_wait3A_87 = tpu.memref_squeeze %dma_wait3A_86 : memref<1x128x64xf32, #tpu.memory_space<hbm>> -> memref<128x64xf32, #tpu.memory_space<hbm>>
      %dma_wait3A_88 = arith.constant 0 : i32
      %dma_wait3A_89 = tpu.memref_slice %arg7[%arg0, %add3A_76, %dma_wait3A_88] : memref<2x10240x64xf32, #tpu.memory_space<hbm>> -> memref<1x128x64xf32, #tpu.memory_space<hbm>>
      %dma_wait3A_90 = tpu.memref_squeeze %dma_wait3A_89 : memref<1x128x64xf32, #tpu.memory_space<hbm>> -> memref<128x64xf32, #tpu.memory_space<hbm>>
      tpu.wait_dma2 semaphore(%run_scoped3A : memref<!tpu.dma_semaphore, #tpu.memory_space<semaphore_mem>>) src(%arg11 : memref<128x64xf32, #tpu.memory_space<vmem>>) dst(%dma_wait3A_90 : memref<128x64xf32, #tpu.memory_space<hbm>>)
      tpu.yield
    }) : () -> ()
    %add3A_77 = arith.constant 384 : i32
    %add3A_78 = arith.addi %mul3A_3, %add3A_77 : i32
    "tpu.region"() ({
      %run_scoped3A = tpu.sem_alloc : memref<!tpu.dma_semaphore, #tpu.memory_space<semaphore_mem>>
      %dma_start3A = arith.constant 0 : i32
      %dma_start3A_81 = tpu.memref_slice %arg13[%add3A_78, %dma_start3A] : memref<10240x64xf32, #tpu.memory_space<vmem_shared>> -> memref<128x64xf32, #tpu.memory_space<vmem_shared>>
      %dma_start3A_82 = arith.constant 0 : i32
      %dma_start3A_83 = tpu.memref_slice %arg13[%add3A_78, %dma_start3A_82] : memref<10240x64xf32, #tpu.memory_space<vmem_shared>> -> memref<128x64xf32, #tpu.memory_space<vmem_shared>>
      tpu.enqueue_dma source(%dma_start3A_83 : memref<128x64xf32, #tpu.memory_space<vmem_shared>>) target(%arg11 : memref<128x64xf32, #tpu.memory_space<vmem>>) target_semaphore(%run_scoped3A : memref<!tpu.dma_semaphore, #tpu.memory_space<semaphore_mem>>)
      %dma_wait3A = arith.constant 0 : i32
      %dma_wait3A_84 = tpu.memref_slice %arg13[%add3A_78, %dma_wait3A] : memref<10240x64xf32, #tpu.memory_space<vmem_shared>> -> memref<128x64xf32, #tpu.memory_space<vmem_shared>>
      %dma_wait3A_85 = arith.constant 0 : i32
      %dma_wait3A_86 = tpu.memref_slice %arg13[%add3A_78, %dma_wait3A_85] : memref<10240x64xf32, #tpu.memory_space<vmem_shared>> -> memref<128x64xf32, #tpu.memory_space<vmem_shared>>
      tpu.wait_dma2 semaphore(%run_scoped3A : memref<!tpu.dma_semaphore, #tpu.memory_space<semaphore_mem>>) src(%dma_wait3A_86 : memref<128x64xf32, #tpu.memory_space<vmem_shared>>) dst(%arg11 : memref<128x64xf32, #tpu.memory_space<vmem>>)
      tpu.yield
    }) : () -> ()
    "tpu.region"() ({
      %run_scoped3A = tpu.sem_alloc : memref<!tpu.dma_semaphore, #tpu.memory_space<semaphore_mem>>
      %dma_start3A = arith.constant 0 : i32
      %dma_start3A_81 = tpu.memref_slice %arg7[%arg0, %add3A_78, %dma_start3A] : memref<2x10240x64xf32, #tpu.memory_space<hbm>> -> memref<1x128x64xf32, #tpu.memory_space<hbm>>
      %dma_start3A_82 = tpu.memref_squeeze %dma_start3A_81 : memref<1x128x64xf32, #tpu.memory_space<hbm>> -> memref<128x64xf32, #tpu.memory_space<hbm>>
      %dma_start3A_83 = arith.constant 0 : i32
      %dma_start3A_84 = tpu.memref_slice %arg7[%arg0, %add3A_78, %dma_start3A_83] : memref<2x10240x64xf32, #tpu.memory_space<hbm>> -> memref<1x128x64xf32, #tpu.memory_space<hbm>>
      %dma_start3A_85 = tpu.memref_squeeze %dma_start3A_84 : memref<1x128x64xf32, #tpu.memory_space<hbm>> -> memref<128x64xf32, #tpu.memory_space<hbm>>
      tpu.enqueue_dma source(%arg11 : memref<128x64xf32, #tpu.memory_space<vmem>>) target(%dma_start3A_85 : memref<128x64xf32, #tpu.memory_space<hbm>>) target_semaphore(%run_scoped3A : memref<!tpu.dma_semaphore, #tpu.memory_space<semaphore_mem>>)
      %dma_wait3A = arith.constant 0 : i32
      %dma_wait3A_86 = tpu.memref_slice %arg7[%arg0, %add3A_78, %dma_wait3A] : memref<2x10240x64xf32, #tpu.memory_space<hbm>> -> memref<1x128x64xf32, #tpu.memory_space<hbm>>
      %dma_wait3A_87 = tpu.memref_squeeze %dma_wait3A_86 : memref<1x128x64xf32, #tpu.memory_space<hbm>> -> memref<128x64xf32, #tpu.memory_space<hbm>>
      %dma_wait3A_88 = arith.constant 0 : i32
      %dma_wait3A_89 = tpu.memref_slice %arg7[%arg0, %add3A_78, %dma_wait3A_88] : memref<2x10240x64xf32, #tpu.memory_space<hbm>> -> memref<1x128x64xf32, #tpu.memory_space<hbm>>
      %dma_wait3A_90 = tpu.memref_squeeze %dma_wait3A_89 : memref<1x128x64xf32, #tpu.memory_space<hbm>> -> memref<128x64xf32, #tpu.memory_space<hbm>>
      tpu.wait_dma2 semaphore(%run_scoped3A : memref<!tpu.dma_semaphore, #tpu.memory_space<semaphore_mem>>) src(%arg11 : memref<128x64xf32, #tpu.memory_space<vmem>>) dst(%dma_wait3A_90 : memref<128x64xf32, #tpu.memory_space<hbm>>)
      tpu.yield
    }) : () -> ()
    %add3A_79 = arith.constant 512 : i32
    %add3A_80 = arith.addi %mul3A_3, %add3A_79 : i32
    "tpu.region"() ({
      %run_scoped3A = tpu.sem_alloc : memref<!tpu.dma_semaphore, #tpu.memory_space<semaphore_mem>>
      %dma_start3A = arith.constant 0 : i32
      %dma_start3A_81 = tpu.memref_slice %arg13[%add3A_80, %dma_start3A] : memref<10240x64xf32, #tpu.memory_space<vmem_shared>> -> memref<128x64xf32, #tpu.memory_space<vmem_shared>>
      %dma_start3A_82 = arith.constant 0 : i32
      %dma_start3A_83 = tpu.memref_slice %arg13[%add3A_80, %dma_start3A_82] : memref<10240x64xf32, #tpu.memory_space<vmem_shared>> -> memref<128x64xf32, #tpu.memory_space<vmem_shared>>
      tpu.enqueue_dma source(%dma_start3A_83 : memref<128x64xf32, #tpu.memory_space<vmem_shared>>) target(%arg11 : memref<128x64xf32, #tpu.memory_space<vmem>>) target_semaphore(%run_scoped3A : memref<!tpu.dma_semaphore, #tpu.memory_space<semaphore_mem>>)
      %dma_wait3A = arith.constant 0 : i32
      %dma_wait3A_84 = tpu.memref_slice %arg13[%add3A_80, %dma_wait3A] : memref<10240x64xf32, #tpu.memory_space<vmem_shared>> -> memref<128x64xf32, #tpu.memory_space<vmem_shared>>
      %dma_wait3A_85 = arith.constant 0 : i32
      %dma_wait3A_86 = tpu.memref_slice %arg13[%add3A_80, %dma_wait3A_85] : memref<10240x64xf32, #tpu.memory_space<vmem_shared>> -> memref<128x64xf32, #tpu.memory_space<vmem_shared>>
      tpu.wait_dma2 semaphore(%run_scoped3A : memref<!tpu.dma_semaphore, #tpu.memory_space<semaphore_mem>>) src(%dma_wait3A_86 : memref<128x64xf32, #tpu.memory_space<vmem_shared>>) dst(%arg11 : memref<128x64xf32, #tpu.memory_space<vmem>>)
      tpu.yield
    }) : () -> ()
    "tpu.region"() ({
      %run_scoped3A = tpu.sem_alloc : memref<!tpu.dma_semaphore, #tpu.memory_space<semaphore_mem>>
      %dma_start3A = arith.constant 0 : i32
      %dma_start3A_81 = tpu.memref_slice %arg7[%arg0, %add3A_80, %dma_start3A] : memref<2x10240x64xf32, #tpu.memory_space<hbm>> -> memref<1x128x64xf32, #tpu.memory_space<hbm>>
      %dma_start3A_82 = tpu.memref_squeeze %dma_start3A_81 : memref<1x128x64xf32, #tpu.memory_space<hbm>> -> memref<128x64xf32, #tpu.memory_space<hbm>>
      %dma_start3A_83 = arith.constant 0 : i32
      %dma_start3A_84 = tpu.memref_slice %arg7[%arg0, %add3A_80, %dma_start3A_83] : memref<2x10240x64xf32, #tpu.memory_space<hbm>> -> memref<1x128x64xf32, #tpu.memory_space<hbm>>
      %dma_start3A_85 = tpu.memref_squeeze %dma_start3A_84 : memref<1x128x64xf32, #tpu.memory_space<hbm>> -> memref<128x64xf32, #tpu.memory_space<hbm>>
      tpu.enqueue_dma source(%arg11 : memref<128x64xf32, #tpu.memory_space<vmem>>) target(%dma_start3A_85 : memref<128x64xf32, #tpu.memory_space<hbm>>) target_semaphore(%run_scoped3A : memref<!tpu.dma_semaphore, #tpu.memory_space<semaphore_mem>>)
      %dma_wait3A = arith.constant 0 : i32
      %dma_wait3A_86 = tpu.memref_slice %arg7[%arg0, %add3A_80, %dma_wait3A] : memref<2x10240x64xf32, #tpu.memory_space<hbm>> -> memref<1x128x64xf32, #tpu.memory_space<hbm>>
      %dma_wait3A_87 = tpu.memref_squeeze %dma_wait3A_86 : memref<1x128x64xf32, #tpu.memory_space<hbm>> -> memref<128x64xf32, #tpu.memory_space<hbm>>
      %dma_wait3A_88 = arith.constant 0 : i32
      %dma_wait3A_89 = tpu.memref_slice %arg7[%arg0, %add3A_80, %dma_wait3A_88] : memref<2x10240x64xf32, #tpu.memory_space<hbm>> -> memref<1x128x64xf32, #tpu.memory_space<hbm>>
      %dma_wait3A_90 = tpu.memref_squeeze %dma_wait3A_89 : memref<1x128x64xf32, #tpu.memory_space<hbm>> -> memref<128x64xf32, #tpu.memory_space<hbm>>
      tpu.wait_dma2 semaphore(%run_scoped3A : memref<!tpu.dma_semaphore, #tpu.memory_space<semaphore_mem>>) src(%arg11 : memref<128x64xf32, #tpu.memory_space<vmem>>) dst(%dma_wait3A_90 : memref<128x64xf32, #tpu.memory_space<hbm>>)
      tpu.yield
    }) : () -> ()
    return
  }
}

#map = affine_map<(d0, d1) -> (0)>
#map1 = affine_map<(d0, d1) -> (0, 0)>
#map2 = affine_map<(d0, d1) -> (0, 0, 0)>
module attributes {stable_mosaic.version = 14 : i64} {
  func.func @body(%arg0: i32, %arg1: i32, %arg2: memref<323584xi32, #tpu.memory_space<hbm>>, %arg3: memref<323584xi32, #tpu.memory_space<hbm>>, %arg4: memref<10240x64xf32, #tpu.memory_space<hbm>>, %arg5: memref<10240x64xf32, #tpu.memory_space<hbm>>, %arg6: memref<2x10240x64xf32, #tpu.memory_space<hbm>>, %arg7: memref<2x10240x64xf32, #tpu.memory_space<hbm>>, %arg8: memref<128xi32, #tpu.memory_space<vmem>>, %arg9: memref<128xi32, #tpu.memory_space<vmem>>, %arg10: memref<128x64xf32, #tpu.memory_space<vmem>>, %arg11: memref<128x64xf32, #tpu.memory_space<vmem>>, %arg12: memref<10240x64xf32, #tpu.memory_space<vmem_shared>>, %arg13: memref<!tpu.dma_semaphore, #tpu.memory_space<semaphore_mem>>) attributes {dimension_semantics = [#tpu.dimension_semantics<core_parallel>, #tpu.dimension_semantics<subcore_parallel>], iteration_bounds = array<i64: 2, 16>, scalar_prefetch = 0 : i64, scratch_operands = 6 : i64, tpu.core_type = #tpu.core_type<sc_vector_subcore>, window_params = [{transform_indices = #map}, {transform_indices = #map}, {transform_indices = #map1}, {transform_indices = #map1}, {transform_indices = #map2}, {transform_indices = #map2}]} {
    %mul3A = arith.constant 16 : i32
    %mul3A_0 = arith.muli %arg0, %mul3A : i32
    %add3A = arith.addi %mul3A_0, %arg1 : i32
    %broadcast_in_dim3A = arith.constant 0.000000e+00 : f32
    %broadcast_in_dim3A_1 = vector.broadcast %broadcast_in_dim3A : f32 to vector<16xf32>
    %mul3A_2 = arith.constant 640 : i32
    %mul3A_3 = arith.muli %arg1, %mul3A_2 : i32
    %scan3A = arith.constant 0 : i32
    %scan3A_4 = arith.constant 0 : i32
    %scan3A_5 = arith.constant 512 : i32
    %scan3A_6 = arith.addi %scan3A_4, %scan3A_5 : i32
    %scan3A_7 = arith.constant 1 : i32
    scf.for %scan3A_67 = %scan3A_4 to %scan3A_6 step %scan3A_7  : i32 {
      %jit3A = arith.constant 4 : i32
      %div3A = arith.divsi %scan3A_67, %jit3A : i32
      %sign3A = arith.constant 0 : i32
      %sign3A_68 = arith.cmpi sgt, %scan3A_67, %sign3A : i32
      %sign3A_69 = arith.extui %sign3A_68 : i1 to i32
      %sign3A_70 = arith.constant 0 : i32
      %sign3A_71 = arith.cmpi slt, %scan3A_67, %sign3A_70 : i32
      %sign3A_72 = arith.extui %sign3A_71 : i1 to i32
      %sign3A_73 = arith.subi %sign3A_69, %sign3A_72 : i32
      %sign3A_74 = arith.constant 0 : i32
      %sign3A_75 = arith.cmpi sgt, %jit3A, %sign3A_74 : i32
      %sign3A_76 = arith.extui %sign3A_75 : i1 to i32
      %sign3A_77 = arith.constant 0 : i32
      %sign3A_78 = arith.cmpi slt, %jit3A, %sign3A_77 : i32
      %sign3A_79 = arith.extui %sign3A_78 : i1 to i32
      %sign3A_80 = arith.subi %sign3A_76, %sign3A_79 : i32
      %ne3A = arith.cmpi ne, %sign3A_73, %sign3A_80 : i32
      %rem3A = arith.remsi %scan3A_67, %jit3A : i32
      %ne3A_81 = arith.constant 0 : i32
      %ne3A_82 = arith.cmpi ne, %rem3A, %ne3A_81 : i32
      %and3A = arith.andi %ne3A, %ne3A_82 : i1
      %sub3A = arith.constant 1 : i32
      %sub3A_83 = arith.subi %div3A, %sub3A : i32
      %select_n3A = arith.select %and3A, %sub3A_83, %div3A : i32
      %jit3A_84 = arith.constant 4 : i32
      %eq3A = arith.constant 0 : i32
      %eq3A_85 = arith.cmpi eq, %jit3A_84, %eq3A : i32
      %jit3A_86 = arith.constant 1 : i32
      %select_n3A_87 = arith.select %eq3A_85, %jit3A_86, %jit3A_84 : i32
      %rem3A_88 = arith.remsi %scan3A_67, %select_n3A_87 : i32
      %ne3A_89 = arith.constant 0 : i32
      %ne3A_90 = arith.cmpi ne, %rem3A_88, %ne3A_89 : i32
      %lt3A = arith.constant 0 : i32
      %lt3A_91 = arith.cmpi slt, %rem3A_88, %lt3A : i32
      %lt3A_92 = arith.constant 0 : i32
      %lt3A_93 = arith.cmpi slt, %select_n3A_87, %lt3A_92 : i32
      %ne3A_94 = arith.xori %lt3A_91, %lt3A_93 : i1
      %and3A_95 = arith.andi %ne3A_94, %ne3A_90 : i1
      %add3A_96 = arith.addi %rem3A_88, %select_n3A_87 : i32
      %select_n3A_97 = arith.select %and3A_95, %add3A_96, %rem3A_88 : i32
      %mul3A_98 = arith.constant 16 : i32
      %mul3A_99 = arith.muli %select_n3A_97, %mul3A_98 : i32
      %swap3A = arith.index_cast %select_n3A : i32 to index
      %swap3A_100 = arith.index_cast %mul3A_99 : i32 to index
      %swap3A_101 = tpu.vector_load %arg11[%swap3A, %swap3A_100] {strides = array<i32>} : memref<128x64xf32, #tpu.memory_space<vmem>>, vector<1x16xf32>,
      %swap3A_102 = vector.shape_cast %swap3A_101 : vector<1x16xf32> to vector<16xf32>
      %swap3A_103 = vector.shape_cast %broadcast_in_dim3A_1 : vector<16xf32> to vector<1x16xf32>
      tpu.vector_store %arg11[%swap3A, %swap3A_100], %swap3A_103 {strides = array<i32>} : memref<128x64xf32, #tpu.memory_space<vmem>>, vector<1x16xf32>,
    }
    %scan3A_8 = arith.constant 512 : i32
    %mul3A_9 = arith.constant 10112 : i32
    %mul3A_10 = arith.muli %add3A, %mul3A_9 : i32
    %add3A_11 = arith.constant 0 : i32
    %add3A_12 = arith.addi %mul3A_3, %add3A_11 : i32
    "tpu.region"() ({
      %run_scoped3A = tpu.sem_alloc : memref<!tpu.dma_semaphore, #tpu.memory_space<semaphore_mem>>
      %dma_start3A = arith.constant 0 : i32
      %dma_start3A_67 = tpu.memref_slice %arg12[%add3A_12, %dma_start3A] : memref<10240x64xf32, #tpu.memory_space<vmem_shared>> -> memref<128x64xf32, #tpu.memory_space<vmem_shared>>
      %dma_start3A_68 = arith.constant 0 : i32
      %dma_start3A_69 = tpu.memref_slice %arg12[%add3A_12, %dma_start3A_68] : memref<10240x64xf32, #tpu.memory_space<vmem_shared>> -> memref<128x64xf32, #tpu.memory_space<vmem_shared>>
      tpu.enqueue_dma source(%arg11 : memref<128x64xf32, #tpu.memory_space<vmem>>) target(%dma_start3A_69 : memref<128x64xf32, #tpu.memory_space<vmem_shared>>) target_semaphore(%run_scoped3A : memref<!tpu.dma_semaphore, #tpu.memory_space<semaphore_mem>>)
      %dma_wait3A = arith.constant 0 : i32
      %dma_wait3A_70 = tpu.memref_slice %arg12[%add3A_12, %dma_wait3A] : memref<10240x64xf32, #tpu.memory_space<vmem_shared>> -> memref<128x64xf32, #tpu.memory_space<vmem_shared>>
      %dma_wait3A_71 = arith.constant 0 : i32
      %dma_wait3A_72 = tpu.memref_slice %arg12[%add3A_12, %dma_wait3A_71] : memref<10240x64xf32, #tpu.memory_space<vmem_shared>> -> memref<128x64xf32, #tpu.memory_space<vmem_shared>>
      tpu.wait_dma2 semaphore(%run_scoped3A : memref<!tpu.dma_semaphore, #tpu.memory_space<semaphore_mem>>) src(%arg11 : memref<128x64xf32, #tpu.memory_space<vmem>>) dst(%dma_wait3A_72 : memref<128x64xf32, #tpu.memory_space<vmem_shared>>)
      tpu.yield
    }) : () -> ()
    %add3A_13 = arith.constant 128 : i32
    %add3A_14 = arith.addi %mul3A_3, %add3A_13 : i32
    "tpu.region"() ({
      %run_scoped3A = tpu.sem_alloc : memref<!tpu.dma_semaphore, #tpu.memory_space<semaphore_mem>>
      %dma_start3A = arith.constant 0 : i32
      %dma_start3A_67 = tpu.memref_slice %arg12[%add3A_14, %dma_start3A] : memref<10240x64xf32, #tpu.memory_space<vmem_shared>> -> memref<128x64xf32, #tpu.memory_space<vmem_shared>>
      %dma_start3A_68 = arith.constant 0 : i32
      %dma_start3A_69 = tpu.memref_slice %arg12[%add3A_14, %dma_start3A_68] : memref<10240x64xf32, #tpu.memory_space<vmem_shared>> -> memref<128x64xf32, #tpu.memory_space<vmem_shared>>
      tpu.enqueue_dma source(%arg11 : memref<128x64xf32, #tpu.memory_space<vmem>>) target(%dma_start3A_69 : memref<128x64xf32, #tpu.memory_space<vmem_shared>>) target_semaphore(%run_scoped3A : memref<!tpu.dma_semaphore, #tpu.memory_space<semaphore_mem>>)
      %dma_wait3A = arith.constant 0 : i32
      %dma_wait3A_70 = tpu.memref_slice %arg12[%add3A_14, %dma_wait3A] : memref<10240x64xf32, #tpu.memory_space<vmem_shared>> -> memref<128x64xf32, #tpu.memory_space<vmem_shared>>
      %dma_wait3A_71 = arith.constant 0 : i32
      %dma_wait3A_72 = tpu.memref_slice %arg12[%add3A_14, %dma_wait3A_71] : memref<10240x64xf32, #tpu.memory_space<vmem_shared>> -> memref<128x64xf32, #tpu.memory_space<vmem_shared>>
      tpu.wait_dma2 semaphore(%run_scoped3A : memref<!tpu.dma_semaphore, #tpu.memory_space<semaphore_mem>>) src(%arg11 : memref<128x64xf32, #tpu.memory_space<vmem>>) dst(%dma_wait3A_72 : memref<128x64xf32, #tpu.memory_space<vmem_shared>>)
      tpu.yield
    }) : () -> ()
    %add3A_15 = arith.constant 256 : i32
    %add3A_16 = arith.addi %mul3A_3, %add3A_15 : i32
    "tpu.region"() ({
      %run_scoped3A = tpu.sem_alloc : memref<!tpu.dma_semaphore, #tpu.memory_space<semaphore_mem>>
      %dma_start3A = arith.constant 0 : i32
      %dma_start3A_67 = tpu.memref_slice %arg12[%add3A_16, %dma_start3A] : memref<10240x64xf32, #tpu.memory_space<vmem_shared>> -> memref<128x64xf32, #tpu.memory_space<vmem_shared>>
      %dma_start3A_68 = arith.constant 0 : i32
      %dma_start3A_69 = tpu.memref_slice %arg12[%add3A_16, %dma_start3A_68] : memref<10240x64xf32, #tpu.memory_space<vmem_shared>> -> memref<128x64xf32, #tpu.memory_space<vmem_shared>>
      tpu.enqueue_dma source(%arg11 : memref<128x64xf32, #tpu.memory_space<vmem>>) target(%dma_start3A_69 : memref<128x64xf32, #tpu.memory_space<vmem_shared>>) target_semaphore(%run_scoped3A : memref<!tpu.dma_semaphore, #tpu.memory_space<semaphore_mem>>)
      %dma_wait3A = arith.constant 0 : i32
      %dma_wait3A_70 = tpu.memref_slice %arg12[%add3A_16, %dma_wait3A] : memref<10240x64xf32, #tpu.memory_space<vmem_shared>> -> memref<128x64xf32, #tpu.memory_space<vmem_shared>>
      %dma_wait3A_71 = arith.constant 0 : i32
      %dma_wait3A_72 = tpu.memref_slice %arg12[%add3A_16, %dma_wait3A_71] : memref<10240x64xf32, #tpu.memory_space<vmem_shared>> -> memref<128x64xf32, #tpu.memory_space<vmem_shared>>
      tpu.wait_dma2 semaphore(%run_scoped3A : memref<!tpu.dma_semaphore, #tpu.memory_space<semaphore_mem>>) src(%arg11 : memref<128x64xf32, #tpu.memory_space<vmem>>) dst(%dma_wait3A_72 : memref<128x64xf32, #tpu.memory_space<vmem_shared>>)
      tpu.yield
    }) : () -> ()
    %add3A_17 = arith.constant 384 : i32
    %add3A_18 = arith.addi %mul3A_3, %add3A_17 : i32
    "tpu.region"() ({
      %run_scoped3A = tpu.sem_alloc : memref<!tpu.dma_semaphore, #tpu.memory_space<semaphore_mem>>
      %dma_start3A = arith.constant 0 : i32
      %dma_start3A_67 = tpu.memref_slice %arg12[%add3A_18, %dma_start3A] : memref<10240x64xf32, #tpu.memory_space<vmem_shared>> -> memref<128x64xf32, #tpu.memory_space<vmem_shared>>
      %dma_start3A_68 = arith.constant 0 : i32
      %dma_start3A_69 = tpu.memref_slice %arg12[%add3A_18, %dma_start3A_68] : memref<10240x64xf32, #tpu.memory_space<vmem_shared>> -> memref<128x64xf32, #tpu.memory_space<vmem_shared>>
      tpu.enqueue_dma source(%arg11 : memref<128x64xf32, #tpu.memory_space<vmem>>) target(%dma_start3A_69 : memref<128x64xf32, #tpu.memory_space<vmem_shared>>) target_semaphore(%run_scoped3A : memref<!tpu.dma_semaphore, #tpu.memory_space<semaphore_mem>>)
      %dma_wait3A = arith.constant 0 : i32
      %dma_wait3A_70 = tpu.memref_slice %arg12[%add3A_18, %dma_wait3A] : memref<10240x64xf32, #tpu.memory_space<vmem_shared>> -> memref<128x64xf32, #tpu.memory_space<vmem_shared>>
      %dma_wait3A_71 = arith.constant 0 : i32
      %dma_wait3A_72 = tpu.memref_slice %arg12[%add3A_18, %dma_wait3A_71] : memref<10240x64xf32, #tpu.memory_space<vmem_shared>> -> memref<128x64xf32, #tpu.memory_space<vmem_shared>>
      tpu.wait_dma2 semaphore(%run_scoped3A : memref<!tpu.dma_semaphore, #tpu.memory_space<semaphore_mem>>) src(%arg11 : memref<128x64xf32, #tpu.memory_space<vmem>>) dst(%dma_wait3A_72 : memref<128x64xf32, #tpu.memory_space<vmem_shared>>)
      tpu.yield
    }) : () -> ()
    %add3A_19 = arith.constant 512 : i32
    %add3A_20 = arith.addi %mul3A_3, %add3A_19 : i32
    "tpu.region"() ({
      %run_scoped3A = tpu.sem_alloc : memref<!tpu.dma_semaphore, #tpu.memory_space<semaphore_mem>>
      %dma_start3A = arith.constant 0 : i32
      %dma_start3A_67 = tpu.memref_slice %arg12[%add3A_20, %dma_start3A] : memref<10240x64xf32, #tpu.memory_space<vmem_shared>> -> memref<128x64xf32, #tpu.memory_space<vmem_shared>>
      %dma_start3A_68 = arith.constant 0 : i32
      %dma_start3A_69 = tpu.memref_slice %arg12[%add3A_20, %dma_start3A_68] : memref<10240x64xf32, #tpu.memory_space<vmem_shared>> -> memref<128x64xf32, #tpu.memory_space<vmem_shared>>
      tpu.enqueue_dma source(%arg11 : memref<128x64xf32, #tpu.memory_space<vmem>>) target(%dma_start3A_69 : memref<128x64xf32, #tpu.memory_space<vmem_shared>>) target_semaphore(%run_scoped3A : memref<!tpu.dma_semaphore, #tpu.memory_space<semaphore_mem>>)
      %dma_wait3A = arith.constant 0 : i32
      %dma_wait3A_70 = tpu.memref_slice %arg12[%add3A_20, %dma_wait3A] : memref<10240x64xf32, #tpu.memory_space<vmem_shared>> -> memref<128x64xf32, #tpu.memory_space<vmem_shared>>
      %dma_wait3A_71 = arith.constant 0 : i32
      %dma_wait3A_72 = tpu.memref_slice %arg12[%add3A_20, %dma_wait3A_71] : memref<10240x64xf32, #tpu.memory_space<vmem_shared>> -> memref<128x64xf32, #tpu.memory_space<vmem_shared>>
      tpu.wait_dma2 semaphore(%run_scoped3A : memref<!tpu.dma_semaphore, #tpu.memory_space<semaphore_mem>>) src(%arg11 : memref<128x64xf32, #tpu.memory_space<vmem>>) dst(%dma_wait3A_72 : memref<128x64xf32, #tpu.memory_space<vmem_shared>>)
      tpu.yield
    }) : () -> ()
    %barrier3A = arith.constant 0 : index
    tpu.barrier barrier_id(%barrier3A)
    %scan3A_21 = arith.constant 0 : i32
    %scan3A_22 = arith.constant 0 : i32
    %scan3A_23 = arith.constant 79 : i32
    %scan3A_24 = arith.addi %scan3A_22, %scan3A_23 : i32
    %scan3A_25 = arith.constant 1 : i32
    scf.for %scan3A_67 = %scan3A_22 to %scan3A_24 step %scan3A_25  : i32 {
      %mul3A_68 = arith.constant 128 : i32
      %mul3A_69 = arith.muli %scan3A_67, %mul3A_68 : i32
      %add3A_70 = arith.addi %mul3A_10, %mul3A_69 : i32
      "tpu.region"() ({
        %run_scoped3A = tpu.sem_alloc : memref<!tpu.dma_semaphore, #tpu.memory_space<semaphore_mem>>
        %dma_start3A_75 = tpu.memref_slice %arg2[%add3A_70] : memref<323584xi32, #tpu.memory_space<hbm>> -> memref<128xi32, #tpu.memory_space<hbm>>
        %dma_start3A_76 = tpu.memref_slice %arg2[%add3A_70] : memref<323584xi32, #tpu.memory_space<hbm>> -> memref<128xi32, #tpu.memory_space<hbm>>
        tpu.enqueue_dma source(%dma_start3A_76 : memref<128xi32, #tpu.memory_space<hbm>>) target(%arg8 : memref<128xi32, #tpu.memory_space<vmem>>) target_semaphore(%run_scoped3A : memref<!tpu.dma_semaphore, #tpu.memory_space<semaphore_mem>>)
        %dma_wait3A_77 = tpu.memref_slice %arg2[%add3A_70] : memref<323584xi32, #tpu.memory_space<hbm>> -> memref<128xi32, #tpu.memory_space<hbm>>
        %dma_wait3A_78 = tpu.memref_slice %arg2[%add3A_70] : memref<323584xi32, #tpu.memory_space<hbm>> -> memref<128xi32, #tpu.memory_space<hbm>>
        tpu.wait_dma2 semaphore(%run_scoped3A : memref<!tpu.dma_semaphore, #tpu.memory_space<semaphore_mem>>) src(%dma_wait3A_78 : memref<128xi32, #tpu.memory_space<hbm>>) dst(%arg8 : memref<128xi32, #tpu.memory_space<vmem>>)
        tpu.yield
      }) : () -> ()
      "tpu.region"() ({
        %run_scoped3A = tpu.sem_alloc : memref<!tpu.dma_semaphore, #tpu.memory_space<semaphore_mem>>
        %dma_start3A_75 = tpu.memref_slice %arg3[%add3A_70] : memref<323584xi32, #tpu.memory_space<hbm>> -> memref<128xi32, #tpu.memory_space<hbm>>
        %dma_start3A_76 = tpu.memref_slice %arg3[%add3A_70] : memref<323584xi32, #tpu.memory_space<hbm>> -> memref<128xi32, #tpu.memory_space<hbm>>
        tpu.enqueue_dma source(%dma_start3A_76 : memref<128xi32, #tpu.memory_space<hbm>>) target(%arg9 : memref<128xi32, #tpu.memory_space<vmem>>) target_semaphore(%run_scoped3A : memref<!tpu.dma_semaphore, #tpu.memory_space<semaphore_mem>>)
        %dma_wait3A_77 = tpu.memref_slice %arg3[%add3A_70] : memref<323584xi32, #tpu.memory_space<hbm>> -> memref<128xi32, #tpu.memory_space<hbm>>
        %dma_wait3A_78 = tpu.memref_slice %arg3[%add3A_70] : memref<323584xi32, #tpu.memory_space<hbm>> -> memref<128xi32, #tpu.memory_space<hbm>>
        tpu.wait_dma2 semaphore(%run_scoped3A : memref<!tpu.dma_semaphore, #tpu.memory_space<semaphore_mem>>) src(%dma_wait3A_78 : memref<128xi32, #tpu.memory_space<hbm>>) dst(%arg9 : memref<128xi32, #tpu.memory_space<vmem>>)
        tpu.yield
      }) : () -> ()
      %dma_start3A = arith.constant 0 : i32
      %dma_start3A_71 = arith.constant 0 : i32
      %dma_start3A_72 = tpu.memref_slice %arg4[%dma_start3A, %dma_start3A_71] : memref<10240x64xf32, #tpu.memory_space<hbm>> -> memref<10240x64xf32, #tpu.memory_space<hbm>>
      tpu.enqueue_indirect_dma source(%dma_start3A_72 : memref<10240x64xf32, #tpu.memory_space<hbm>>) target(%arg10 : memref<128x64xf32, #tpu.memory_space<vmem>>) offsets(%arg8 : memref<128xi32, #tpu.memory_space<vmem>>) semaphore(%arg13 : memref<!tpu.dma_semaphore, #tpu.memory_space<semaphore_mem>>)
      %dma_wait3A = arith.constant 0 : i32
      %dma_wait3A_73 = arith.constant 0 : i32
      %dma_wait3A_74 = tpu.memref_slice %arg4[%dma_wait3A, %dma_wait3A_73] : memref<10240x64xf32, #tpu.memory_space<hbm>> -> memref<10240x64xf32, #tpu.memory_space<hbm>>
      tpu.wait_indirect_dma semaphore(%arg13 : memref<!tpu.dma_semaphore, #tpu.memory_space<semaphore_mem>>) src(%dma_wait3A_74 : memref<10240x64xf32, #tpu.memory_space<hbm>>) dst(%arg10 : memref<128x64xf32, #tpu.memory_space<vmem>>)
      "tpu.region"() ({
        %run_scoped3A = tpu.sem_alloc : memref<!tpu.dma_semaphore, #tpu.memory_space<semaphore_mem>>
        %dma_start3A_75 = arith.constant 0 : i32
        %dma_start3A_76 = arith.constant 0 : i32
        %dma_start3A_77 = tpu.memref_slice %arg12[%dma_start3A_75, %dma_start3A_76] : memref<10240x64xf32, #tpu.memory_space<vmem_shared>> -> memref<10240x64xf32, #tpu.memory_space<vmem_shared>>
        tpu.enqueue_indirect_dma source(%arg10 : memref<128x64xf32, #tpu.memory_space<vmem>>) target(%dma_start3A_77 : memref<10240x64xf32, #tpu.memory_space<vmem_shared>>) offsets(%arg9 : memref<128xi32, #tpu.memory_space<vmem>>) semaphore(%run_scoped3A : memref<!tpu.dma_semaphore, #tpu.memory_space<semaphore_mem>>) {add = true}
        %dma_wait3A_78 = arith.constant 0 : i32
        %dma_wait3A_79 = arith.constant 0 : i32
        %dma_wait3A_80 = tpu.memref_slice %arg12[%dma_wait3A_78, %dma_wait3A_79] : memref<10240x64xf32, #tpu.memory_space<vmem_shared>> -> memref<10240x64xf32, #tpu.memory_space<vmem_shared>>
        tpu.wait_indirect_dma semaphore(%run_scoped3A : memref<!tpu.dma_semaphore, #tpu.memory_space<semaphore_mem>>) src(%arg10 : memref<128x64xf32, #tpu.memory_space<vmem>>) dst(%dma_wait3A_80 : memref<10240x64xf32, #tpu.memory_space<vmem_shared>>)
        tpu.yield
      }) : () -> ()
    }
    %scan3A_26 = arith.constant 79 : i32
    %barrier3A_27 = arith.constant 0 : index
    tpu.barrier barrier_id(%barrier3A_27)
    %add3A_28 = arith.constant 0 : i32
    %add3A_29 = arith.addi %mul3A_3, %add3A_28 : i32
    "tpu.region"() ({
      %run_scoped3A = tpu.sem_alloc : memref<!tpu.dma_semaphore, #tpu.memory_space<semaphore_mem>>
      %dma_start3A = arith.constant 0 : i32
      %dma_start3A_67 = tpu.memref_slice %arg12[%add3A_29, %dma_start3A] : memref<10240x64xf32, #tpu.memory_space<vmem_shared>> -> memref<128x64xf32, #tpu.memory_space<vmem_shared>>
      %dma_start3A_68 = arith.constant 0 : i32
      %dma_start3A_69 = tpu.memref_slice %arg12[%add3A_29, %dma_start3A_68] : memref<10240x64xf32, #tpu.memory_space<vmem_shared>> -> memref<128x64xf32, #tpu.memory_space<vmem_shared>>
      tpu.enqueue_dma source(%dma_start3A_69 : memref<128x64xf32, #tpu.memory_space<vmem_shared>>) target(%arg10 : memref<128x64xf32, #tpu.memory_space<vmem>>) target_semaphore(%run_scoped3A : memref<!tpu.dma_semaphore, #tpu.memory_space<semaphore_mem>>)
      %dma_wait3A = arith.constant 0 : i32
      %dma_wait3A_70 = tpu.memref_slice %arg12[%add3A_29, %dma_wait3A] : memref<10240x64xf32, #tpu.memory_space<vmem_shared>> -> memref<128x64xf32, #tpu.memory_space<vmem_shared>>
      %dma_wait3A_71 = arith.constant 0 : i32
      %dma_wait3A_72 = tpu.memref_slice %arg12[%add3A_29, %dma_wait3A_71] : memref<10240x64xf32, #tpu.memory_space<vmem_shared>> -> memref<128x64xf32, #tpu.memory_space<vmem_shared>>
      tpu.wait_dma2 semaphore(%run_scoped3A : memref<!tpu.dma_semaphore, #tpu.memory_space<semaphore_mem>>) src(%dma_wait3A_72 : memref<128x64xf32, #tpu.memory_space<vmem_shared>>) dst(%arg10 : memref<128x64xf32, #tpu.memory_space<vmem>>)
      tpu.yield
    }) : () -> ()
    "tpu.region"() ({
      %run_scoped3A = tpu.sem_alloc : memref<!tpu.dma_semaphore, #tpu.memory_space<semaphore_mem>>
      %dma_start3A = arith.constant 0 : i32
      %dma_start3A_67 = tpu.memref_slice %arg6[%arg0, %add3A_29, %dma_start3A] : memref<2x10240x64xf32, #tpu.memory_space<hbm>> -> memref<1x128x64xf32, #tpu.memory_space<hbm>>
      %dma_start3A_68 = tpu.memref_squeeze %dma_start3A_67 : memref<1x128x64xf32, #tpu.memory_space<hbm>> -> memref<128x64xf32, #tpu.memory_space<hbm>>
      %dma_start3A_69 = arith.constant 0 : i32
      %dma_start3A_70 = tpu.memref_slice %arg6[%arg0, %add3A_29, %dma_start3A_69] : memref<2x10240x64xf32, #tpu.memory_space<hbm>> -> memref<1x128x64xf32, #tpu.memory_space<hbm>>
      %dma_start3A_71 = tpu.memref_squeeze %dma_start3A_70 : memref<1x128x64xf32, #tpu.memory_space<hbm>> -> memref<128x64xf32, #tpu.memory_space<hbm>>
      tpu.enqueue_dma source(%arg10 : memref<128x64xf32, #tpu.memory_space<vmem>>) target(%dma_start3A_71 : memref<128x64xf32, #tpu.memory_space<hbm>>) target_semaphore(%run_scoped3A : memref<!tpu.dma_semaphore, #tpu.memory_space<semaphore_mem>>)
      %dma_wait3A = arith.constant 0 : i32
      %dma_wait3A_72 = tpu.memref_slice %arg6[%arg0, %add3A_29, %dma_wait3A] : memref<2x10240x64xf32, #tpu.memory_space<hbm>> -> memref<1x128x64xf32, #tpu.memory_space<hbm>>
      %dma_wait3A_73 = tpu.memref_squeeze %dma_wait3A_72 : memref<1x128x64xf32, #tpu.memory_space<hbm>> -> memref<128x64xf32, #tpu.memory_space<hbm>>
      %dma_wait3A_74 = arith.constant 0 : i32
      %dma_wait3A_75 = tpu.memref_slice %arg6[%arg0, %add3A_29, %dma_wait3A_74] : memref<2x10240x64xf32, #tpu.memory_space<hbm>> -> memref<1x128x64xf32, #tpu.memory_space<hbm>>
      %dma_wait3A_76 = tpu.memref_squeeze %dma_wait3A_75 : memref<1x128x64xf32, #tpu.memory_space<hbm>> -> memref<128x64xf32, #tpu.memory_space<hbm>>
      tpu.wait_dma2 semaphore(%run_scoped3A : memref<!tpu.dma_semaphore, #tpu.memory_space<semaphore_mem>>) src(%arg10 : memref<128x64xf32, #tpu.memory_space<vmem>>) dst(%dma_wait3A_76 : memref<128x64xf32, #tpu.memory_space<hbm>>)
      tpu.yield
    }) : () -> ()
    %add3A_30 = arith.constant 128 : i32
    %add3A_31 = arith.addi %mul3A_3, %add3A_30 : i32
    "tpu.region"() ({
      %run_scoped3A = tpu.sem_alloc : memref<!tpu.dma_semaphore, #tpu.memory_space<semaphore_mem>>
      %dma_start3A = arith.constant 0 : i32
      %dma_start3A_67 = tpu.memref_slice %arg12[%add3A_31, %dma_start3A] : memref<10240x64xf32, #tpu.memory_space<vmem_shared>> -> memref<128x64xf32, #tpu.memory_space<vmem_shared>>
      %dma_start3A_68 = arith.constant 0 : i32
      %dma_start3A_69 = tpu.memref_slice %arg12[%add3A_31, %dma_start3A_68] : memref<10240x64xf32, #tpu.memory_space<vmem_shared>> -> memref<128x64xf32, #tpu.memory_space<vmem_shared>>
      tpu.enqueue_dma source(%dma_start3A_69 : memref<128x64xf32, #tpu.memory_space<vmem_shared>>) target(%arg10 : memref<128x64xf32, #tpu.memory_space<vmem>>) target_semaphore(%run_scoped3A : memref<!tpu.dma_semaphore, #tpu.memory_space<semaphore_mem>>)
      %dma_wait3A = arith.constant 0 : i32
      %dma_wait3A_70 = tpu.memref_slice %arg12[%add3A_31, %dma_wait3A] : memref<10240x64xf32, #tpu.memory_space<vmem_shared>> -> memref<128x64xf32, #tpu.memory_space<vmem_shared>>
      %dma_wait3A_71 = arith.constant 0 : i32
      %dma_wait3A_72 = tpu.memref_slice %arg12[%add3A_31, %dma_wait3A_71] : memref<10240x64xf32, #tpu.memory_space<vmem_shared>> -> memref<128x64xf32, #tpu.memory_space<vmem_shared>>
      tpu.wait_dma2 semaphore(%run_scoped3A : memref<!tpu.dma_semaphore, #tpu.memory_space<semaphore_mem>>) src(%dma_wait3A_72 : memref<128x64xf32, #tpu.memory_space<vmem_shared>>) dst(%arg10 : memref<128x64xf32, #tpu.memory_space<vmem>>)
      tpu.yield
    }) : () -> ()
    "tpu.region"() ({
      %run_scoped3A = tpu.sem_alloc : memref<!tpu.dma_semaphore, #tpu.memory_space<semaphore_mem>>
      %dma_start3A = arith.constant 0 : i32
      %dma_start3A_67 = tpu.memref_slice %arg6[%arg0, %add3A_31, %dma_start3A] : memref<2x10240x64xf32, #tpu.memory_space<hbm>> -> memref<1x128x64xf32, #tpu.memory_space<hbm>>
      %dma_start3A_68 = tpu.memref_squeeze %dma_start3A_67 : memref<1x128x64xf32, #tpu.memory_space<hbm>> -> memref<128x64xf32, #tpu.memory_space<hbm>>
      %dma_start3A_69 = arith.constant 0 : i32
      %dma_start3A_70 = tpu.memref_slice %arg6[%arg0, %add3A_31, %dma_start3A_69] : memref<2x10240x64xf32, #tpu.memory_space<hbm>> -> memref<1x128x64xf32, #tpu.memory_space<hbm>>
      %dma_start3A_71 = tpu.memref_squeeze %dma_start3A_70 : memref<1x128x64xf32, #tpu.memory_space<hbm>> -> memref<128x64xf32, #tpu.memory_space<hbm>>
      tpu.enqueue_dma source(%arg10 : memref<128x64xf32, #tpu.memory_space<vmem>>) target(%dma_start3A_71 : memref<128x64xf32, #tpu.memory_space<hbm>>) target_semaphore(%run_scoped3A : memref<!tpu.dma_semaphore, #tpu.memory_space<semaphore_mem>>)
      %dma_wait3A = arith.constant 0 : i32
      %dma_wait3A_72 = tpu.memref_slice %arg6[%arg0, %add3A_31, %dma_wait3A] : memref<2x10240x64xf32, #tpu.memory_space<hbm>> -> memref<1x128x64xf32, #tpu.memory_space<hbm>>
      %dma_wait3A_73 = tpu.memref_squeeze %dma_wait3A_72 : memref<1x128x64xf32, #tpu.memory_space<hbm>> -> memref<128x64xf32, #tpu.memory_space<hbm>>
      %dma_wait3A_74 = arith.constant 0 : i32
      %dma_wait3A_75 = tpu.memref_slice %arg6[%arg0, %add3A_31, %dma_wait3A_74] : memref<2x10240x64xf32, #tpu.memory_space<hbm>> -> memref<1x128x64xf32, #tpu.memory_space<hbm>>
      %dma_wait3A_76 = tpu.memref_squeeze %dma_wait3A_75 : memref<1x128x64xf32, #tpu.memory_space<hbm>> -> memref<128x64xf32, #tpu.memory_space<hbm>>
      tpu.wait_dma2 semaphore(%run_scoped3A : memref<!tpu.dma_semaphore, #tpu.memory_space<semaphore_mem>>) src(%arg10 : memref<128x64xf32, #tpu.memory_space<vmem>>) dst(%dma_wait3A_76 : memref<128x64xf32, #tpu.memory_space<hbm>>)
      tpu.yield
    }) : () -> ()
    %add3A_32 = arith.constant 256 : i32
    %add3A_33 = arith.addi %mul3A_3, %add3A_32 : i32
    "tpu.region"() ({
      %run_scoped3A = tpu.sem_alloc : memref<!tpu.dma_semaphore, #tpu.memory_space<semaphore_mem>>
      %dma_start3A = arith.constant 0 : i32
      %dma_start3A_67 = tpu.memref_slice %arg12[%add3A_33, %dma_start3A] : memref<10240x64xf32, #tpu.memory_space<vmem_shared>> -> memref<128x64xf32, #tpu.memory_space<vmem_shared>>
      %dma_start3A_68 = arith.constant 0 : i32
      %dma_start3A_69 = tpu.memref_slice %arg12[%add3A_33, %dma_start3A_68] : memref<10240x64xf32, #tpu.memory_space<vmem_shared>> -> memref<128x64xf32, #tpu.memory_space<vmem_shared>>
      tpu.enqueue_dma source(%dma_start3A_69 : memref<128x64xf32, #tpu.memory_space<vmem_shared>>) target(%arg10 : memref<128x64xf32, #tpu.memory_space<vmem>>) target_semaphore(%run_scoped3A : memref<!tpu.dma_semaphore, #tpu.memory_space<semaphore_mem>>)
      %dma_wait3A = arith.constant 0 : i32
      %dma_wait3A_70 = tpu.memref_slice %arg12[%add3A_33, %dma_wait3A] : memref<10240x64xf32, #tpu.memory_space<vmem_shared>> -> memref<128x64xf32, #tpu.memory_space<vmem_shared>>
      %dma_wait3A_71 = arith.constant 0 : i32
      %dma_wait3A_72 = tpu.memref_slice %arg12[%add3A_33, %dma_wait3A_71] : memref<10240x64xf32, #tpu.memory_space<vmem_shared>> -> memref<128x64xf32, #tpu.memory_space<vmem_shared>>
      tpu.wait_dma2 semaphore(%run_scoped3A : memref<!tpu.dma_semaphore, #tpu.memory_space<semaphore_mem>>) src(%dma_wait3A_72 : memref<128x64xf32, #tpu.memory_space<vmem_shared>>) dst(%arg10 : memref<128x64xf32, #tpu.memory_space<vmem>>)
      tpu.yield
    }) : () -> ()
    "tpu.region"() ({
      %run_scoped3A = tpu.sem_alloc : memref<!tpu.dma_semaphore, #tpu.memory_space<semaphore_mem>>
      %dma_start3A = arith.constant 0 : i32
      %dma_start3A_67 = tpu.memref_slice %arg6[%arg0, %add3A_33, %dma_start3A] : memref<2x10240x64xf32, #tpu.memory_space<hbm>> -> memref<1x128x64xf32, #tpu.memory_space<hbm>>
      %dma_start3A_68 = tpu.memref_squeeze %dma_start3A_67 : memref<1x128x64xf32, #tpu.memory_space<hbm>> -> memref<128x64xf32, #tpu.memory_space<hbm>>
      %dma_start3A_69 = arith.constant 0 : i32
      %dma_start3A_70 = tpu.memref_slice %arg6[%arg0, %add3A_33, %dma_start3A_69] : memref<2x10240x64xf32, #tpu.memory_space<hbm>> -> memref<1x128x64xf32, #tpu.memory_space<hbm>>
      %dma_start3A_71 = tpu.memref_squeeze %dma_start3A_70 : memref<1x128x64xf32, #tpu.memory_space<hbm>> -> memref<128x64xf32, #tpu.memory_space<hbm>>
      tpu.enqueue_dma source(%arg10 : memref<128x64xf32, #tpu.memory_space<vmem>>) target(%dma_start3A_71 : memref<128x64xf32, #tpu.memory_space<hbm>>) target_semaphore(%run_scoped3A : memref<!tpu.dma_semaphore, #tpu.memory_space<semaphore_mem>>)
      %dma_wait3A = arith.constant 0 : i32
      %dma_wait3A_72 = tpu.memref_slice %arg6[%arg0, %add3A_33, %dma_wait3A] : memref<2x10240x64xf32, #tpu.memory_space<hbm>> -> memref<1x128x64xf32, #tpu.memory_space<hbm>>
      %dma_wait3A_73 = tpu.memref_squeeze %dma_wait3A_72 : memref<1x128x64xf32, #tpu.memory_space<hbm>> -> memref<128x64xf32, #tpu.memory_space<hbm>>
      %dma_wait3A_74 = arith.constant 0 : i32
      %dma_wait3A_75 = tpu.memref_slice %arg6[%arg0, %add3A_33, %dma_wait3A_74] : memref<2x10240x64xf32, #tpu.memory_space<hbm>> -> memref<1x128x64xf32, #tpu.memory_space<hbm>>
      %dma_wait3A_76 = tpu.memref_squeeze %dma_wait3A_75 : memref<1x128x64xf32, #tpu.memory_space<hbm>> -> memref<128x64xf32, #tpu.memory_space<hbm>>
      tpu.wait_dma2 semaphore(%run_scoped3A : memref<!tpu.dma_semaphore, #tpu.memory_space<semaphore_mem>>) src(%arg10 : memref<128x64xf32, #tpu.memory_space<vmem>>) dst(%dma_wait3A_76 : memref<128x64xf32, #tpu.memory_space<hbm>>)
      tpu.yield
    }) : () -> ()
    %add3A_34 = arith.constant 384 : i32
    %add3A_35 = arith.addi %mul3A_3, %add3A_34 : i32
    "tpu.region"() ({
      %run_scoped3A = tpu.sem_alloc : memref<!tpu.dma_semaphore, #tpu.memory_space<semaphore_mem>>
      %dma_start3A = arith.constant 0 : i32
      %dma_start3A_67 = tpu.memref_slice %arg12[%add3A_35, %dma_start3A] : memref<10240x64xf32, #tpu.memory_space<vmem_shared>> -> memref<128x64xf32, #tpu.memory_space<vmem_shared>>
      %dma_start3A_68 = arith.constant 0 : i32
      %dma_start3A_69 = tpu.memref_slice %arg12[%add3A_35, %dma_start3A_68] : memref<10240x64xf32, #tpu.memory_space<vmem_shared>> -> memref<128x64xf32, #tpu.memory_space<vmem_shared>>
      tpu.enqueue_dma source(%dma_start3A_69 : memref<128x64xf32, #tpu.memory_space<vmem_shared>>) target(%arg10 : memref<128x64xf32, #tpu.memory_space<vmem>>) target_semaphore(%run_scoped3A : memref<!tpu.dma_semaphore, #tpu.memory_space<semaphore_mem>>)
      %dma_wait3A = arith.constant 0 : i32
      %dma_wait3A_70 = tpu.memref_slice %arg12[%add3A_35, %dma_wait3A] : memref<10240x64xf32, #tpu.memory_space<vmem_shared>> -> memref<128x64xf32, #tpu.memory_space<vmem_shared>>
      %dma_wait3A_71 = arith.constant 0 : i32
      %dma_wait3A_72 = tpu.memref_slice %arg12[%add3A_35, %dma_wait3A_71] : memref<10240x64xf32, #tpu.memory_space<vmem_shared>> -> memref<128x64xf32, #tpu.memory_space<vmem_shared>>
      tpu.wait_dma2 semaphore(%run_scoped3A : memref<!tpu.dma_semaphore, #tpu.memory_space<semaphore_mem>>) src(%dma_wait3A_72 : memref<128x64xf32, #tpu.memory_space<vmem_shared>>) dst(%arg10 : memref<128x64xf32, #tpu.memory_space<vmem>>)
      tpu.yield
    }) : () -> ()
    "tpu.region"() ({
      %run_scoped3A = tpu.sem_alloc : memref<!tpu.dma_semaphore, #tpu.memory_space<semaphore_mem>>
      %dma_start3A = arith.constant 0 : i32
      %dma_start3A_67 = tpu.memref_slice %arg6[%arg0, %add3A_35, %dma_start3A] : memref<2x10240x64xf32, #tpu.memory_space<hbm>> -> memref<1x128x64xf32, #tpu.memory_space<hbm>>
      %dma_start3A_68 = tpu.memref_squeeze %dma_start3A_67 : memref<1x128x64xf32, #tpu.memory_space<hbm>> -> memref<128x64xf32, #tpu.memory_space<hbm>>
      %dma_start3A_69 = arith.constant 0 : i32
      %dma_start3A_70 = tpu.memref_slice %arg6[%arg0, %add3A_35, %dma_start3A_69] : memref<2x10240x64xf32, #tpu.memory_space<hbm>> -> memref<1x128x64xf32, #tpu.memory_space<hbm>>
      %dma_start3A_71 = tpu.memref_squeeze %dma_start3A_70 : memref<1x128x64xf32, #tpu.memory_space<hbm>> -> memref<128x64xf32, #tpu.memory_space<hbm>>
      tpu.enqueue_dma source(%arg10 : memref<128x64xf32, #tpu.memory_space<vmem>>) target(%dma_start3A_71 : memref<128x64xf32, #tpu.memory_space<hbm>>) target_semaphore(%run_scoped3A : memref<!tpu.dma_semaphore, #tpu.memory_space<semaphore_mem>>)
      %dma_wait3A = arith.constant 0 : i32
      %dma_wait3A_72 = tpu.memref_slice %arg6[%arg0, %add3A_35, %dma_wait3A] : memref<2x10240x64xf32, #tpu.memory_space<hbm>> -> memref<1x128x64xf32, #tpu.memory_space<hbm>>
      %dma_wait3A_73 = tpu.memref_squeeze %dma_wait3A_72 : memref<1x128x64xf32, #tpu.memory_space<hbm>> -> memref<128x64xf32, #tpu.memory_space<hbm>>
      %dma_wait3A_74 = arith.constant 0 : i32
      %dma_wait3A_75 = tpu.memref_slice %arg6[%arg0, %add3A_35, %dma_wait3A_74] : memref<2x10240x64xf32, #tpu.memory_space<hbm>> -> memref<1x128x64xf32, #tpu.memory_space<hbm>>
      %dma_wait3A_76 = tpu.memref_squeeze %dma_wait3A_75 : memref<1x128x64xf32, #tpu.memory_space<hbm>> -> memref<128x64xf32, #tpu.memory_space<hbm>>
      tpu.wait_dma2 semaphore(%run_scoped3A : memref<!tpu.dma_semaphore, #tpu.memory_space<semaphore_mem>>) src(%arg10 : memref<128x64xf32, #tpu.memory_space<vmem>>) dst(%dma_wait3A_76 : memref<128x64xf32, #tpu.memory_space<hbm>>)
      tpu.yield
    }) : () -> ()
    %add3A_36 = arith.constant 512 : i32
    %add3A_37 = arith.addi %mul3A_3, %add3A_36 : i32
    "tpu.region"() ({
      %run_scoped3A = tpu.sem_alloc : memref<!tpu.dma_semaphore, #tpu.memory_space<semaphore_mem>>
      %dma_start3A = arith.constant 0 : i32
      %dma_start3A_67 = tpu.memref_slice %arg12[%add3A_37, %dma_start3A] : memref<10240x64xf32, #tpu.memory_space<vmem_shared>> -> memref<128x64xf32, #tpu.memory_space<vmem_shared>>
      %dma_start3A_68 = arith.constant 0 : i32
      %dma_start3A_69 = tpu.memref_slice %arg12[%add3A_37, %dma_start3A_68] : memref<10240x64xf32, #tpu.memory_space<vmem_shared>> -> memref<128x64xf32, #tpu.memory_space<vmem_shared>>
      tpu.enqueue_dma source(%dma_start3A_69 : memref<128x64xf32, #tpu.memory_space<vmem_shared>>) target(%arg10 : memref<128x64xf32, #tpu.memory_space<vmem>>) target_semaphore(%run_scoped3A : memref<!tpu.dma_semaphore, #tpu.memory_space<semaphore_mem>>)
      %dma_wait3A = arith.constant 0 : i32
      %dma_wait3A_70 = tpu.memref_slice %arg12[%add3A_37, %dma_wait3A] : memref<10240x64xf32, #tpu.memory_space<vmem_shared>> -> memref<128x64xf32, #tpu.memory_space<vmem_shared>>
      %dma_wait3A_71 = arith.constant 0 : i32
      %dma_wait3A_72 = tpu.memref_slice %arg12[%add3A_37, %dma_wait3A_71] : memref<10240x64xf32, #tpu.memory_space<vmem_shared>> -> memref<128x64xf32, #tpu.memory_space<vmem_shared>>
      tpu.wait_dma2 semaphore(%run_scoped3A : memref<!tpu.dma_semaphore, #tpu.memory_space<semaphore_mem>>) src(%dma_wait3A_72 : memref<128x64xf32, #tpu.memory_space<vmem_shared>>) dst(%arg10 : memref<128x64xf32, #tpu.memory_space<vmem>>)
      tpu.yield
    }) : () -> ()
    "tpu.region"() ({
      %run_scoped3A = tpu.sem_alloc : memref<!tpu.dma_semaphore, #tpu.memory_space<semaphore_mem>>
      %dma_start3A = arith.constant 0 : i32
      %dma_start3A_67 = tpu.memref_slice %arg6[%arg0, %add3A_37, %dma_start3A] : memref<2x10240x64xf32, #tpu.memory_space<hbm>> -> memref<1x128x64xf32, #tpu.memory_space<hbm>>
      %dma_start3A_68 = tpu.memref_squeeze %dma_start3A_67 : memref<1x128x64xf32, #tpu.memory_space<hbm>> -> memref<128x64xf32, #tpu.memory_space<hbm>>
      %dma_start3A_69 = arith.constant 0 : i32
      %dma_start3A_70 = tpu.memref_slice %arg6[%arg0, %add3A_37, %dma_start3A_69] : memref<2x10240x64xf32, #tpu.memory_space<hbm>> -> memref<1x128x64xf32, #tpu.memory_space<hbm>>
      %dma_start3A_71 = tpu.memref_squeeze %dma_start3A_70 : memref<1x128x64xf32, #tpu.memory_space<hbm>> -> memref<128x64xf32, #tpu.memory_space<hbm>>
      tpu.enqueue_dma source(%arg10 : memref<128x64xf32, #tpu.memory_space<vmem>>) target(%dma_start3A_71 : memref<128x64xf32, #tpu.memory_space<hbm>>) target_semaphore(%run_scoped3A : memref<!tpu.dma_semaphore, #tpu.memory_space<semaphore_mem>>)
      %dma_wait3A = arith.constant 0 : i32
      %dma_wait3A_72 = tpu.memref_slice %arg6[%arg0, %add3A_37, %dma_wait3A] : memref<2x10240x64xf32, #tpu.memory_space<hbm>> -> memref<1x128x64xf32, #tpu.memory_space<hbm>>
      %dma_wait3A_73 = tpu.memref_squeeze %dma_wait3A_72 : memref<1x128x64xf32, #tpu.memory_space<hbm>> -> memref<128x64xf32, #tpu.memory_space<hbm>>
      %dma_wait3A_74 = arith.constant 0 : i32
      %dma_wait3A_75 = tpu.memref_slice %arg6[%arg0, %add3A_37, %dma_wait3A_74] : memref<2x10240x64xf32, #tpu.memory_space<hbm>> -> memref<1x128x64xf32, #tpu.memory_space<hbm>>
      %dma_wait3A_76 = tpu.memref_squeeze %dma_wait3A_75 : memref<1x128x64xf32, #tpu.memory_space<hbm>> -> memref<128x64xf32, #tpu.memory_space<hbm>>
      tpu.wait_dma2 semaphore(%run_scoped3A : memref<!tpu.dma_semaphore, #tpu.memory_space<semaphore_mem>>) src(%arg10 : memref<128x64xf32, #tpu.memory_space<vmem>>) dst(%dma_wait3A_76 : memref<128x64xf32, #tpu.memory_space<hbm>>)
      tpu.yield
    }) : () -> ()
    %barrier3A_38 = arith.constant 0 : index
    tpu.barrier barrier_id(%barrier3A_38)
    %add3A_39 = arith.constant 0 : i32
    %add3A_40 = arith.addi %mul3A_3, %add3A_39 : i32
    "tpu.region"() ({
      %run_scoped3A = tpu.sem_alloc : memref<!tpu.dma_semaphore, #tpu.memory_space<semaphore_mem>>
      %dma_start3A = arith.constant 0 : i32
      %dma_start3A_67 = tpu.memref_slice %arg12[%add3A_40, %dma_start3A] : memref<10240x64xf32, #tpu.memory_space<vmem_shared>> -> memref<128x64xf32, #tpu.memory_space<vmem_shared>>
      %dma_start3A_68 = arith.constant 0 : i32
      %dma_start3A_69 = tpu.memref_slice %arg12[%add3A_40, %dma_start3A_68] : memref<10240x64xf32, #tpu.memory_space<vmem_shared>> -> memref<128x64xf32, #tpu.memory_space<vmem_shared>>
      tpu.enqueue_dma source(%arg11 : memref<128x64xf32, #tpu.memory_space<vmem>>) target(%dma_start3A_69 : memref<128x64xf32, #tpu.memory_space<vmem_shared>>) target_semaphore(%run_scoped3A : memref<!tpu.dma_semaphore, #tpu.memory_space<semaphore_mem>>)
      %dma_wait3A = arith.constant 0 : i32
      %dma_wait3A_70 = tpu.memref_slice %arg12[%add3A_40, %dma_wait3A] : memref<10240x64xf32, #tpu.memory_space<vmem_shared>> -> memref<128x64xf32, #tpu.memory_space<vmem_shared>>
      %dma_wait3A_71 = arith.constant 0 : i32
      %dma_wait3A_72 = tpu.memref_slice %arg12[%add3A_40, %dma_wait3A_71] : memref<10240x64xf32, #tpu.memory_space<vmem_shared>> -> memref<128x64xf32, #tpu.memory_space<vmem_shared>>
      tpu.wait_dma2 semaphore(%run_scoped3A : memref<!tpu.dma_semaphore, #tpu.memory_space<semaphore_mem>>) src(%arg11 : memref<128x64xf32, #tpu.memory_space<vmem>>) dst(%dma_wait3A_72 : memref<128x64xf32, #tpu.memory_space<vmem_shared>>)
      tpu.yield
    }) : () -> ()
    %add3A_41 = arith.constant 128 : i32
    %add3A_42 = arith.addi %mul3A_3, %add3A_41 : i32
    "tpu.region"() ({
      %run_scoped3A = tpu.sem_alloc : memref<!tpu.dma_semaphore, #tpu.memory_space<semaphore_mem>>
      %dma_start3A = arith.constant 0 : i32
      %dma_start3A_67 = tpu.memref_slice %arg12[%add3A_42, %dma_start3A] : memref<10240x64xf32, #tpu.memory_space<vmem_shared>> -> memref<128x64xf32, #tpu.memory_space<vmem_shared>>
      %dma_start3A_68 = arith.constant 0 : i32
      %dma_start3A_69 = tpu.memref_slice %arg12[%add3A_42, %dma_start3A_68] : memref<10240x64xf32, #tpu.memory_space<vmem_shared>> -> memref<128x64xf32, #tpu.memory_space<vmem_shared>>
      tpu.enqueue_dma source(%arg11 : memref<128x64xf32, #tpu.memory_space<vmem>>) target(%dma_start3A_69 : memref<128x64xf32, #tpu.memory_space<vmem_shared>>) target_semaphore(%run_scoped3A : memref<!tpu.dma_semaphore, #tpu.memory_space<semaphore_mem>>)
      %dma_wait3A = arith.constant 0 : i32
      %dma_wait3A_70 = tpu.memref_slice %arg12[%add3A_42, %dma_wait3A] : memref<10240x64xf32, #tpu.memory_space<vmem_shared>> -> memref<128x64xf32, #tpu.memory_space<vmem_shared>>
      %dma_wait3A_71 = arith.constant 0 : i32
      %dma_wait3A_72 = tpu.memref_slice %arg12[%add3A_42, %dma_wait3A_71] : memref<10240x64xf32, #tpu.memory_space<vmem_shared>> -> memref<128x64xf32, #tpu.memory_space<vmem_shared>>
      tpu.wait_dma2 semaphore(%run_scoped3A : memref<!tpu.dma_semaphore, #tpu.memory_space<semaphore_mem>>) src(%arg11 : memref<128x64xf32, #tpu.memory_space<vmem>>) dst(%dma_wait3A_72 : memref<128x64xf32, #tpu.memory_space<vmem_shared>>)
      tpu.yield
    }) : () -> ()
    %add3A_43 = arith.constant 256 : i32
    %add3A_44 = arith.addi %mul3A_3, %add3A_43 : i32
    "tpu.region"() ({
      %run_scoped3A = tpu.sem_alloc : memref<!tpu.dma_semaphore, #tpu.memory_space<semaphore_mem>>
      %dma_start3A = arith.constant 0 : i32
      %dma_start3A_67 = tpu.memref_slice %arg12[%add3A_44, %dma_start3A] : memref<10240x64xf32, #tpu.memory_space<vmem_shared>> -> memref<128x64xf32, #tpu.memory_space<vmem_shared>>
      %dma_start3A_68 = arith.constant 0 : i32
      %dma_start3A_69 = tpu.memref_slice %arg12[%add3A_44, %dma_start3A_68] : memref<10240x64xf32, #tpu.memory_space<vmem_shared>> -> memref<128x64xf32, #tpu.memory_space<vmem_shared>>
      tpu.enqueue_dma source(%arg11 : memref<128x64xf32, #tpu.memory_space<vmem>>) target(%dma_start3A_69 : memref<128x64xf32, #tpu.memory_space<vmem_shared>>) target_semaphore(%run_scoped3A : memref<!tpu.dma_semaphore, #tpu.memory_space<semaphore_mem>>)
      %dma_wait3A = arith.constant 0 : i32
      %dma_wait3A_70 = tpu.memref_slice %arg12[%add3A_44, %dma_wait3A] : memref<10240x64xf32, #tpu.memory_space<vmem_shared>> -> memref<128x64xf32, #tpu.memory_space<vmem_shared>>
      %dma_wait3A_71 = arith.constant 0 : i32
      %dma_wait3A_72 = tpu.memref_slice %arg12[%add3A_44, %dma_wait3A_71] : memref<10240x64xf32, #tpu.memory_space<vmem_shared>> -> memref<128x64xf32, #tpu.memory_space<vmem_shared>>
      tpu.wait_dma2 semaphore(%run_scoped3A : memref<!tpu.dma_semaphore, #tpu.memory_space<semaphore_mem>>) src(%arg11 : memref<128x64xf32, #tpu.memory_space<vmem>>) dst(%dma_wait3A_72 : memref<128x64xf32, #tpu.memory_space<vmem_shared>>)
      tpu.yield
    }) : () -> ()
    %add3A_45 = arith.constant 384 : i32
    %add3A_46 = arith.addi %mul3A_3, %add3A_45 : i32
    "tpu.region"() ({
      %run_scoped3A = tpu.sem_alloc : memref<!tpu.dma_semaphore, #tpu.memory_space<semaphore_mem>>
      %dma_start3A = arith.constant 0 : i32
      %dma_start3A_67 = tpu.memref_slice %arg12[%add3A_46, %dma_start3A] : memref<10240x64xf32, #tpu.memory_space<vmem_shared>> -> memref<128x64xf32, #tpu.memory_space<vmem_shared>>
      %dma_start3A_68 = arith.constant 0 : i32
      %dma_start3A_69 = tpu.memref_slice %arg12[%add3A_46, %dma_start3A_68] : memref<10240x64xf32, #tpu.memory_space<vmem_shared>> -> memref<128x64xf32, #tpu.memory_space<vmem_shared>>
      tpu.enqueue_dma source(%arg11 : memref<128x64xf32, #tpu.memory_space<vmem>>) target(%dma_start3A_69 : memref<128x64xf32, #tpu.memory_space<vmem_shared>>) target_semaphore(%run_scoped3A : memref<!tpu.dma_semaphore, #tpu.memory_space<semaphore_mem>>)
      %dma_wait3A = arith.constant 0 : i32
      %dma_wait3A_70 = tpu.memref_slice %arg12[%add3A_46, %dma_wait3A] : memref<10240x64xf32, #tpu.memory_space<vmem_shared>> -> memref<128x64xf32, #tpu.memory_space<vmem_shared>>
      %dma_wait3A_71 = arith.constant 0 : i32
      %dma_wait3A_72 = tpu.memref_slice %arg12[%add3A_46, %dma_wait3A_71] : memref<10240x64xf32, #tpu.memory_space<vmem_shared>> -> memref<128x64xf32, #tpu.memory_space<vmem_shared>>
      tpu.wait_dma2 semaphore(%run_scoped3A : memref<!tpu.dma_semaphore, #tpu.memory_space<semaphore_mem>>) src(%arg11 : memref<128x64xf32, #tpu.memory_space<vmem>>) dst(%dma_wait3A_72 : memref<128x64xf32, #tpu.memory_space<vmem_shared>>)
      tpu.yield
    }) : () -> ()
    %add3A_47 = arith.constant 512 : i32
    %add3A_48 = arith.addi %mul3A_3, %add3A_47 : i32
    "tpu.region"() ({
      %run_scoped3A = tpu.sem_alloc : memref<!tpu.dma_semaphore, #tpu.memory_space<semaphore_mem>>
      %dma_start3A = arith.constant 0 : i32
      %dma_start3A_67 = tpu.memref_slice %arg12[%add3A_48, %dma_start3A] : memref<10240x64xf32, #tpu.memory_space<vmem_shared>> -> memref<128x64xf32, #tpu.memory_space<vmem_shared>>
      %dma_start3A_68 = arith.constant 0 : i32
      %dma_start3A_69 = tpu.memref_slice %arg12[%add3A_48, %dma_start3A_68] : memref<10240x64xf32, #tpu.memory_space<vmem_shared>> -> memref<128x64xf32, #tpu.memory_space<vmem_shared>>
      tpu.enqueue_dma source(%arg11 : memref<128x64xf32, #tpu.memory_space<vmem>>) target(%dma_start3A_69 : memref<128x64xf32, #tpu.memory_space<vmem_shared>>) target_semaphore(%run_scoped3A : memref<!tpu.dma_semaphore, #tpu.memory_space<semaphore_mem>>)
      %dma_wait3A = arith.constant 0 : i32
      %dma_wait3A_70 = tpu.memref_slice %arg12[%add3A_48, %dma_wait3A] : memref<10240x64xf32, #tpu.memory_space<vmem_shared>> -> memref<128x64xf32, #tpu.memory_space<vmem_shared>>
      %dma_wait3A_71 = arith.constant 0 : i32
      %dma_wait3A_72 = tpu.memref_slice %arg12[%add3A_48, %dma_wait3A_71] : memref<10240x64xf32, #tpu.memory_space<vmem_shared>> -> memref<128x64xf32, #tpu.memory_space<vmem_shared>>
      tpu.wait_dma2 semaphore(%run_scoped3A : memref<!tpu.dma_semaphore, #tpu.memory_space<semaphore_mem>>) src(%arg11 : memref<128x64xf32, #tpu.memory_space<vmem>>) dst(%dma_wait3A_72 : memref<128x64xf32, #tpu.memory_space<vmem_shared>>)
      tpu.yield
    }) : () -> ()
    %barrier3A_49 = arith.constant 0 : index
    tpu.barrier barrier_id(%barrier3A_49)
    %scan3A_50 = arith.constant 0 : i32
    %scan3A_51 = arith.constant 0 : i32
    %scan3A_52 = arith.constant 79 : i32
    %scan3A_53 = arith.addi %scan3A_51, %scan3A_52 : i32
    %scan3A_54 = arith.constant 1 : i32
    scf.for %scan3A_67 = %scan3A_51 to %scan3A_53 step %scan3A_54  : i32 {
      %mul3A_68 = arith.constant 128 : i32
      %mul3A_69 = arith.muli %scan3A_67, %mul3A_68 : i32
      %add3A_70 = arith.addi %mul3A_10, %mul3A_69 : i32
      "tpu.region"() ({
        %run_scoped3A = tpu.sem_alloc : memref<!tpu.dma_semaphore, #tpu.memory_space<semaphore_mem>>
        %dma_start3A_75 = tpu.memref_slice %arg2[%add3A_70] : memref<323584xi32, #tpu.memory_space<hbm>> -> memref<128xi32, #tpu.memory_space<hbm>>
        %dma_start3A_76 = tpu.memref_slice %arg2[%add3A_70] : memref<323584xi32, #tpu.memory_space<hbm>> -> memref<128xi32, #tpu.memory_space<hbm>>
        tpu.enqueue_dma source(%dma_start3A_76 : memref<128xi32, #tpu.memory_space<hbm>>) target(%arg8 : memref<128xi32, #tpu.memory_space<vmem>>) target_semaphore(%run_scoped3A : memref<!tpu.dma_semaphore, #tpu.memory_space<semaphore_mem>>)
        %dma_wait3A_77 = tpu.memref_slice %arg2[%add3A_70] : memref<323584xi32, #tpu.memory_space<hbm>> -> memref<128xi32, #tpu.memory_space<hbm>>
        %dma_wait3A_78 = tpu.memref_slice %arg2[%add3A_70] : memref<323584xi32, #tpu.memory_space<hbm>> -> memref<128xi32, #tpu.memory_space<hbm>>
        tpu.wait_dma2 semaphore(%run_scoped3A : memref<!tpu.dma_semaphore, #tpu.memory_space<semaphore_mem>>) src(%dma_wait3A_78 : memref<128xi32, #tpu.memory_space<hbm>>) dst(%arg8 : memref<128xi32, #tpu.memory_space<vmem>>)
        tpu.yield
      }) : () -> ()
      "tpu.region"() ({
        %run_scoped3A = tpu.sem_alloc : memref<!tpu.dma_semaphore, #tpu.memory_space<semaphore_mem>>
        %dma_start3A_75 = tpu.memref_slice %arg3[%add3A_70] : memref<323584xi32, #tpu.memory_space<hbm>> -> memref<128xi32, #tpu.memory_space<hbm>>
        %dma_start3A_76 = tpu.memref_slice %arg3[%add3A_70] : memref<323584xi32, #tpu.memory_space<hbm>> -> memref<128xi32, #tpu.memory_space<hbm>>
        tpu.enqueue_dma source(%dma_start3A_76 : memref<128xi32, #tpu.memory_space<hbm>>) target(%arg9 : memref<128xi32, #tpu.memory_space<vmem>>) target_semaphore(%run_scoped3A : memref<!tpu.dma_semaphore, #tpu.memory_space<semaphore_mem>>)
        %dma_wait3A_77 = tpu.memref_slice %arg3[%add3A_70] : memref<323584xi32, #tpu.memory_space<hbm>> -> memref<128xi32, #tpu.memory_space<hbm>>
        %dma_wait3A_78 = tpu.memref_slice %arg3[%add3A_70] : memref<323584xi32, #tpu.memory_space<hbm>> -> memref<128xi32, #tpu.memory_space<hbm>>
        tpu.wait_dma2 semaphore(%run_scoped3A : memref<!tpu.dma_semaphore, #tpu.memory_space<semaphore_mem>>) src(%dma_wait3A_78 : memref<128xi32, #tpu.memory_space<hbm>>) dst(%arg9 : memref<128xi32, #tpu.memory_space<vmem>>)
        tpu.yield
      }) : () -> ()
      %dma_start3A = arith.constant 0 : i32
      %dma_start3A_71 = arith.constant 0 : i32
      %dma_start3A_72 = tpu.memref_slice %arg5[%dma_start3A, %dma_start3A_71] : memref<10240x64xf32, #tpu.memory_space<hbm>> -> memref<10240x64xf32, #tpu.memory_space<hbm>>
      tpu.enqueue_indirect_dma source(%dma_start3A_72 : memref<10240x64xf32, #tpu.memory_space<hbm>>) target(%arg10 : memref<128x64xf32, #tpu.memory_space<vmem>>) offsets(%arg8 : memref<128xi32, #tpu.memory_space<vmem>>) semaphore(%arg13 : memref<!tpu.dma_semaphore, #tpu.memory_space<semaphore_mem>>)
      %dma_wait3A = arith.constant 0 : i32
      %dma_wait3A_73 = arith.constant 0 : i32
      %dma_wait3A_74 = tpu.memref_slice %arg5[%dma_wait3A, %dma_wait3A_73] : memref<10240x64xf32, #tpu.memory_space<hbm>> -> memref<10240x64xf32, #tpu.memory_space<hbm>>
      tpu.wait_indirect_dma semaphore(%arg13 : memref<!tpu.dma_semaphore, #tpu.memory_space<semaphore_mem>>) src(%dma_wait3A_74 : memref<10240x64xf32, #tpu.memory_space<hbm>>) dst(%arg10 : memref<128x64xf32, #tpu.memory_space<vmem>>)
      "tpu.region"() ({
        %run_scoped3A = tpu.sem_alloc : memref<!tpu.dma_semaphore, #tpu.memory_space<semaphore_mem>>
        %dma_start3A_75 = arith.constant 0 : i32
        %dma_start3A_76 = arith.constant 0 : i32
        %dma_start3A_77 = tpu.memref_slice %arg12[%dma_start3A_75, %dma_start3A_76] : memref<10240x64xf32, #tpu.memory_space<vmem_shared>> -> memref<10240x64xf32, #tpu.memory_space<vmem_shared>>
        tpu.enqueue_indirect_dma source(%arg10 : memref<128x64xf32, #tpu.memory_space<vmem>>) target(%dma_start3A_77 : memref<10240x64xf32, #tpu.memory_space<vmem_shared>>) offsets(%arg9 : memref<128xi32, #tpu.memory_space<vmem>>) semaphore(%run_scoped3A : memref<!tpu.dma_semaphore, #tpu.memory_space<semaphore_mem>>) {add = true}
        %dma_wait3A_78 = arith.constant 0 : i32
        %dma_wait3A_79 = arith.constant 0 : i32
        %dma_wait3A_80 = tpu.memref_slice %arg12[%dma_wait3A_78, %dma_wait3A_79] : memref<10240x64xf32, #tpu.memory_space<vmem_shared>> -> memref<10240x64xf32, #tpu.memory_space<vmem_shared>>
        tpu.wait_indirect_dma semaphore(%run_scoped3A : memref<!tpu.dma_semaphore, #tpu.memory_space<semaphore_mem>>) src(%arg10 : memref<128x64xf32, #tpu.memory_space<vmem>>) dst(%dma_wait3A_80 : memref<10240x64xf32, #tpu.memory_space<vmem_shared>>)
        tpu.yield
      }) : () -> ()
    }
    %scan3A_55 = arith.constant 79 : i32
    %barrier3A_56 = arith.constant 0 : index
    tpu.barrier barrier_id(%barrier3A_56)
    %add3A_57 = arith.constant 0 : i32
    %add3A_58 = arith.addi %mul3A_3, %add3A_57 : i32
    "tpu.region"() ({
      %run_scoped3A = tpu.sem_alloc : memref<!tpu.dma_semaphore, #tpu.memory_space<semaphore_mem>>
      %dma_start3A = arith.constant 0 : i32
      %dma_start3A_67 = tpu.memref_slice %arg12[%add3A_58, %dma_start3A] : memref<10240x64xf32, #tpu.memory_space<vmem_shared>> -> memref<128x64xf32, #tpu.memory_space<vmem_shared>>
      %dma_start3A_68 = arith.constant 0 : i32
      %dma_start3A_69 = tpu.memref_slice %arg12[%add3A_58, %dma_start3A_68] : memref<10240x64xf32, #tpu.memory_space<vmem_shared>> -> memref<128x64xf32, #tpu.memory_space<vmem_shared>>
      tpu.enqueue_dma source(%dma_start3A_69 : memref<128x64xf32, #tpu.memory_space<vmem_shared>>) target(%arg10 : memref<128x64xf32, #tpu.memory_space<vmem>>) target_semaphore(%run_scoped3A : memref<!tpu.dma_semaphore, #tpu.memory_space<semaphore_mem>>)
      %dma_wait3A = arith.constant 0 : i32
      %dma_wait3A_70 = tpu.memref_slice %arg12[%add3A_58, %dma_wait3A] : memref<10240x64xf32, #tpu.memory_space<vmem_shared>> -> memref<128x64xf32, #tpu.memory_space<vmem_shared>>
      %dma_wait3A_71 = arith.constant 0 : i32
      %dma_wait3A_72 = tpu.memref_slice %arg12[%add3A_58, %dma_wait3A_71] : memref<10240x64xf32, #tpu.memory_space<vmem_shared>> -> memref<128x64xf32, #tpu.memory_space<vmem_shared>>
      tpu.wait_dma2 semaphore(%run_scoped3A : memref<!tpu.dma_semaphore, #tpu.memory_space<semaphore_mem>>) src(%dma_wait3A_72 : memref<128x64xf32, #tpu.memory_space<vmem_shared>>) dst(%arg10 : memref<128x64xf32, #tpu.memory_space<vmem>>)
      tpu.yield
    }) : () -> ()
    "tpu.region"() ({
      %run_scoped3A = tpu.sem_alloc : memref<!tpu.dma_semaphore, #tpu.memory_space<semaphore_mem>>
      %dma_start3A = arith.constant 0 : i32
      %dma_start3A_67 = tpu.memref_slice %arg7[%arg0, %add3A_58, %dma_start3A] : memref<2x10240x64xf32, #tpu.memory_space<hbm>> -> memref<1x128x64xf32, #tpu.memory_space<hbm>>
      %dma_start3A_68 = tpu.memref_squeeze %dma_start3A_67 : memref<1x128x64xf32, #tpu.memory_space<hbm>> -> memref<128x64xf32, #tpu.memory_space<hbm>>
      %dma_start3A_69 = arith.constant 0 : i32
      %dma_start3A_70 = tpu.memref_slice %arg7[%arg0, %add3A_58, %dma_start3A_69] : memref<2x10240x64xf32, #tpu.memory_space<hbm>> -> memref<1x128x64xf32, #tpu.memory_space<hbm>>
      %dma_start3A_71 = tpu.memref_squeeze %dma_start3A_70 : memref<1x128x64xf32, #tpu.memory_space<hbm>> -> memref<128x64xf32, #tpu.memory_space<hbm>>
      tpu.enqueue_dma source(%arg10 : memref<128x64xf32, #tpu.memory_space<vmem>>) target(%dma_start3A_71 : memref<128x64xf32, #tpu.memory_space<hbm>>) target_semaphore(%run_scoped3A : memref<!tpu.dma_semaphore, #tpu.memory_space<semaphore_mem>>)
      %dma_wait3A = arith.constant 0 : i32
      %dma_wait3A_72 = tpu.memref_slice %arg7[%arg0, %add3A_58, %dma_wait3A] : memref<2x10240x64xf32, #tpu.memory_space<hbm>> -> memref<1x128x64xf32, #tpu.memory_space<hbm>>
      %dma_wait3A_73 = tpu.memref_squeeze %dma_wait3A_72 : memref<1x128x64xf32, #tpu.memory_space<hbm>> -> memref<128x64xf32, #tpu.memory_space<hbm>>
      %dma_wait3A_74 = arith.constant 0 : i32
      %dma_wait3A_75 = tpu.memref_slice %arg7[%arg0, %add3A_58, %dma_wait3A_74] : memref<2x10240x64xf32, #tpu.memory_space<hbm>> -> memref<1x128x64xf32, #tpu.memory_space<hbm>>
      %dma_wait3A_76 = tpu.memref_squeeze %dma_wait3A_75 : memref<1x128x64xf32, #tpu.memory_space<hbm>> -> memref<128x64xf32, #tpu.memory_space<hbm>>
      tpu.wait_dma2 semaphore(%run_scoped3A : memref<!tpu.dma_semaphore, #tpu.memory_space<semaphore_mem>>) src(%arg10 : memref<128x64xf32, #tpu.memory_space<vmem>>) dst(%dma_wait3A_76 : memref<128x64xf32, #tpu.memory_space<hbm>>)
      tpu.yield
    }) : () -> ()
    %add3A_59 = arith.constant 128 : i32
    %add3A_60 = arith.addi %mul3A_3, %add3A_59 : i32
    "tpu.region"() ({
      %run_scoped3A = tpu.sem_alloc : memref<!tpu.dma_semaphore, #tpu.memory_space<semaphore_mem>>
      %dma_start3A = arith.constant 0 : i32
      %dma_start3A_67 = tpu.memref_slice %arg12[%add3A_60, %dma_start3A] : memref<10240x64xf32, #tpu.memory_space<vmem_shared>> -> memref<128x64xf32, #tpu.memory_space<vmem_shared>>
      %dma_start3A_68 = arith.constant 0 : i32
      %dma_start3A_69 = tpu.memref_slice %arg12[%add3A_60, %dma_start3A_68] : memref<10240x64xf32, #tpu.memory_space<vmem_shared>> -> memref<128x64xf32, #tpu.memory_space<vmem_shared>>
      tpu.enqueue_dma source(%dma_start3A_69 : memref<128x64xf32, #tpu.memory_space<vmem_shared>>) target(%arg10 : memref<128x64xf32, #tpu.memory_space<vmem>>) target_semaphore(%run_scoped3A : memref<!tpu.dma_semaphore, #tpu.memory_space<semaphore_mem>>)
      %dma_wait3A = arith.constant 0 : i32
      %dma_wait3A_70 = tpu.memref_slice %arg12[%add3A_60, %dma_wait3A] : memref<10240x64xf32, #tpu.memory_space<vmem_shared>> -> memref<128x64xf32, #tpu.memory_space<vmem_shared>>
      %dma_wait3A_71 = arith.constant 0 : i32
      %dma_wait3A_72 = tpu.memref_slice %arg12[%add3A_60, %dma_wait3A_71] : memref<10240x64xf32, #tpu.memory_space<vmem_shared>> -> memref<128x64xf32, #tpu.memory_space<vmem_shared>>
      tpu.wait_dma2 semaphore(%run_scoped3A : memref<!tpu.dma_semaphore, #tpu.memory_space<semaphore_mem>>) src(%dma_wait3A_72 : memref<128x64xf32, #tpu.memory_space<vmem_shared>>) dst(%arg10 : memref<128x64xf32, #tpu.memory_space<vmem>>)
      tpu.yield
    }) : () -> ()
    "tpu.region"() ({
      %run_scoped3A = tpu.sem_alloc : memref<!tpu.dma_semaphore, #tpu.memory_space<semaphore_mem>>
      %dma_start3A = arith.constant 0 : i32
      %dma_start3A_67 = tpu.memref_slice %arg7[%arg0, %add3A_60, %dma_start3A] : memref<2x10240x64xf32, #tpu.memory_space<hbm>> -> memref<1x128x64xf32, #tpu.memory_space<hbm>>
      %dma_start3A_68 = tpu.memref_squeeze %dma_start3A_67 : memref<1x128x64xf32, #tpu.memory_space<hbm>> -> memref<128x64xf32, #tpu.memory_space<hbm>>
      %dma_start3A_69 = arith.constant 0 : i32
      %dma_start3A_70 = tpu.memref_slice %arg7[%arg0, %add3A_60, %dma_start3A_69] : memref<2x10240x64xf32, #tpu.memory_space<hbm>> -> memref<1x128x64xf32, #tpu.memory_space<hbm>>
      %dma_start3A_71 = tpu.memref_squeeze %dma_start3A_70 : memref<1x128x64xf32, #tpu.memory_space<hbm>> -> memref<128x64xf32, #tpu.memory_space<hbm>>
      tpu.enqueue_dma source(%arg10 : memref<128x64xf32, #tpu.memory_space<vmem>>) target(%dma_start3A_71 : memref<128x64xf32, #tpu.memory_space<hbm>>) target_semaphore(%run_scoped3A : memref<!tpu.dma_semaphore, #tpu.memory_space<semaphore_mem>>)
      %dma_wait3A = arith.constant 0 : i32
      %dma_wait3A_72 = tpu.memref_slice %arg7[%arg0, %add3A_60, %dma_wait3A] : memref<2x10240x64xf32, #tpu.memory_space<hbm>> -> memref<1x128x64xf32, #tpu.memory_space<hbm>>
      %dma_wait3A_73 = tpu.memref_squeeze %dma_wait3A_72 : memref<1x128x64xf32, #tpu.memory_space<hbm>> -> memref<128x64xf32, #tpu.memory_space<hbm>>
      %dma_wait3A_74 = arith.constant 0 : i32
      %dma_wait3A_75 = tpu.memref_slice %arg7[%arg0, %add3A_60, %dma_wait3A_74] : memref<2x10240x64xf32, #tpu.memory_space<hbm>> -> memref<1x128x64xf32, #tpu.memory_space<hbm>>
      %dma_wait3A_76 = tpu.memref_squeeze %dma_wait3A_75 : memref<1x128x64xf32, #tpu.memory_space<hbm>> -> memref<128x64xf32, #tpu.memory_space<hbm>>
      tpu.wait_dma2 semaphore(%run_scoped3A : memref<!tpu.dma_semaphore, #tpu.memory_space<semaphore_mem>>) src(%arg10 : memref<128x64xf32, #tpu.memory_space<vmem>>) dst(%dma_wait3A_76 : memref<128x64xf32, #tpu.memory_space<hbm>>)
      tpu.yield
    }) : () -> ()
    %add3A_61 = arith.constant 256 : i32
    %add3A_62 = arith.addi %mul3A_3, %add3A_61 : i32
    "tpu.region"() ({
      %run_scoped3A = tpu.sem_alloc : memref<!tpu.dma_semaphore, #tpu.memory_space<semaphore_mem>>
      %dma_start3A = arith.constant 0 : i32
      %dma_start3A_67 = tpu.memref_slice %arg12[%add3A_62, %dma_start3A] : memref<10240x64xf32, #tpu.memory_space<vmem_shared>> -> memref<128x64xf32, #tpu.memory_space<vmem_shared>>
      %dma_start3A_68 = arith.constant 0 : i32
      %dma_start3A_69 = tpu.memref_slice %arg12[%add3A_62, %dma_start3A_68] : memref<10240x64xf32, #tpu.memory_space<vmem_shared>> -> memref<128x64xf32, #tpu.memory_space<vmem_shared>>
      tpu.enqueue_dma source(%dma_start3A_69 : memref<128x64xf32, #tpu.memory_space<vmem_shared>>) target(%arg10 : memref<128x64xf32, #tpu.memory_space<vmem>>) target_semaphore(%run_scoped3A : memref<!tpu.dma_semaphore, #tpu.memory_space<semaphore_mem>>)
      %dma_wait3A = arith.constant 0 : i32
      %dma_wait3A_70 = tpu.memref_slice %arg12[%add3A_62, %dma_wait3A] : memref<10240x64xf32, #tpu.memory_space<vmem_shared>> -> memref<128x64xf32, #tpu.memory_space<vmem_shared>>
      %dma_wait3A_71 = arith.constant 0 : i32
      %dma_wait3A_72 = tpu.memref_slice %arg12[%add3A_62, %dma_wait3A_71] : memref<10240x64xf32, #tpu.memory_space<vmem_shared>> -> memref<128x64xf32, #tpu.memory_space<vmem_shared>>
      tpu.wait_dma2 semaphore(%run_scoped3A : memref<!tpu.dma_semaphore, #tpu.memory_space<semaphore_mem>>) src(%dma_wait3A_72 : memref<128x64xf32, #tpu.memory_space<vmem_shared>>) dst(%arg10 : memref<128x64xf32, #tpu.memory_space<vmem>>)
      tpu.yield
    }) : () -> ()
    "tpu.region"() ({
      %run_scoped3A = tpu.sem_alloc : memref<!tpu.dma_semaphore, #tpu.memory_space<semaphore_mem>>
      %dma_start3A = arith.constant 0 : i32
      %dma_start3A_67 = tpu.memref_slice %arg7[%arg0, %add3A_62, %dma_start3A] : memref<2x10240x64xf32, #tpu.memory_space<hbm>> -> memref<1x128x64xf32, #tpu.memory_space<hbm>>
      %dma_start3A_68 = tpu.memref_squeeze %dma_start3A_67 : memref<1x128x64xf32, #tpu.memory_space<hbm>> -> memref<128x64xf32, #tpu.memory_space<hbm>>
      %dma_start3A_69 = arith.constant 0 : i32
      %dma_start3A_70 = tpu.memref_slice %arg7[%arg0, %add3A_62, %dma_start3A_69] : memref<2x10240x64xf32, #tpu.memory_space<hbm>> -> memref<1x128x64xf32, #tpu.memory_space<hbm>>
      %dma_start3A_71 = tpu.memref_squeeze %dma_start3A_70 : memref<1x128x64xf32, #tpu.memory_space<hbm>> -> memref<128x64xf32, #tpu.memory_space<hbm>>
      tpu.enqueue_dma source(%arg10 : memref<128x64xf32, #tpu.memory_space<vmem>>) target(%dma_start3A_71 : memref<128x64xf32, #tpu.memory_space<hbm>>) target_semaphore(%run_scoped3A : memref<!tpu.dma_semaphore, #tpu.memory_space<semaphore_mem>>)
      %dma_wait3A = arith.constant 0 : i32
      %dma_wait3A_72 = tpu.memref_slice %arg7[%arg0, %add3A_62, %dma_wait3A] : memref<2x10240x64xf32, #tpu.memory_space<hbm>> -> memref<1x128x64xf32, #tpu.memory_space<hbm>>
      %dma_wait3A_73 = tpu.memref_squeeze %dma_wait3A_72 : memref<1x128x64xf32, #tpu.memory_space<hbm>> -> memref<128x64xf32, #tpu.memory_space<hbm>>
      %dma_wait3A_74 = arith.constant 0 : i32
      %dma_wait3A_75 = tpu.memref_slice %arg7[%arg0, %add3A_62, %dma_wait3A_74] : memref<2x10240x64xf32, #tpu.memory_space<hbm>> -> memref<1x128x64xf32, #tpu.memory_space<hbm>>
      %dma_wait3A_76 = tpu.memref_squeeze %dma_wait3A_75 : memref<1x128x64xf32, #tpu.memory_space<hbm>> -> memref<128x64xf32, #tpu.memory_space<hbm>>
      tpu.wait_dma2 semaphore(%run_scoped3A : memref<!tpu.dma_semaphore, #tpu.memory_space<semaphore_mem>>) src(%arg10 : memref<128x64xf32, #tpu.memory_space<vmem>>) dst(%dma_wait3A_76 : memref<128x64xf32, #tpu.memory_space<hbm>>)
      tpu.yield
    }) : () -> ()
    %add3A_63 = arith.constant 384 : i32
    %add3A_64 = arith.addi %mul3A_3, %add3A_63 : i32
    "tpu.region"() ({
      %run_scoped3A = tpu.sem_alloc : memref<!tpu.dma_semaphore, #tpu.memory_space<semaphore_mem>>
      %dma_start3A = arith.constant 0 : i32
      %dma_start3A_67 = tpu.memref_slice %arg12[%add3A_64, %dma_start3A] : memref<10240x64xf32, #tpu.memory_space<vmem_shared>> -> memref<128x64xf32, #tpu.memory_space<vmem_shared>>
      %dma_start3A_68 = arith.constant 0 : i32
      %dma_start3A_69 = tpu.memref_slice %arg12[%add3A_64, %dma_start3A_68] : memref<10240x64xf32, #tpu.memory_space<vmem_shared>> -> memref<128x64xf32, #tpu.memory_space<vmem_shared>>
      tpu.enqueue_dma source(%dma_start3A_69 : memref<128x64xf32, #tpu.memory_space<vmem_shared>>) target(%arg10 : memref<128x64xf32, #tpu.memory_space<vmem>>) target_semaphore(%run_scoped3A : memref<!tpu.dma_semaphore, #tpu.memory_space<semaphore_mem>>)
      %dma_wait3A = arith.constant 0 : i32
      %dma_wait3A_70 = tpu.memref_slice %arg12[%add3A_64, %dma_wait3A] : memref<10240x64xf32, #tpu.memory_space<vmem_shared>> -> memref<128x64xf32, #tpu.memory_space<vmem_shared>>
      %dma_wait3A_71 = arith.constant 0 : i32
      %dma_wait3A_72 = tpu.memref_slice %arg12[%add3A_64, %dma_wait3A_71] : memref<10240x64xf32, #tpu.memory_space<vmem_shared>> -> memref<128x64xf32, #tpu.memory_space<vmem_shared>>
      tpu.wait_dma2 semaphore(%run_scoped3A : memref<!tpu.dma_semaphore, #tpu.memory_space<semaphore_mem>>) src(%dma_wait3A_72 : memref<128x64xf32, #tpu.memory_space<vmem_shared>>) dst(%arg10 : memref<128x64xf32, #tpu.memory_space<vmem>>)
      tpu.yield
    }) : () -> ()
    "tpu.region"() ({
      %run_scoped3A = tpu.sem_alloc : memref<!tpu.dma_semaphore, #tpu.memory_space<semaphore_mem>>
      %dma_start3A = arith.constant 0 : i32
      %dma_start3A_67 = tpu.memref_slice %arg7[%arg0, %add3A_64, %dma_start3A] : memref<2x10240x64xf32, #tpu.memory_space<hbm>> -> memref<1x128x64xf32, #tpu.memory_space<hbm>>
      %dma_start3A_68 = tpu.memref_squeeze %dma_start3A_67 : memref<1x128x64xf32, #tpu.memory_space<hbm>> -> memref<128x64xf32, #tpu.memory_space<hbm>>
      %dma_start3A_69 = arith.constant 0 : i32
      %dma_start3A_70 = tpu.memref_slice %arg7[%arg0, %add3A_64, %dma_start3A_69] : memref<2x10240x64xf32, #tpu.memory_space<hbm>> -> memref<1x128x64xf32, #tpu.memory_space<hbm>>
      %dma_start3A_71 = tpu.memref_squeeze %dma_start3A_70 : memref<1x128x64xf32, #tpu.memory_space<hbm>> -> memref<128x64xf32, #tpu.memory_space<hbm>>
      tpu.enqueue_dma source(%arg10 : memref<128x64xf32, #tpu.memory_space<vmem>>) target(%dma_start3A_71 : memref<128x64xf32, #tpu.memory_space<hbm>>) target_semaphore(%run_scoped3A : memref<!tpu.dma_semaphore, #tpu.memory_space<semaphore_mem>>)
      %dma_wait3A = arith.constant 0 : i32
      %dma_wait3A_72 = tpu.memref_slice %arg7[%arg0, %add3A_64, %dma_wait3A] : memref<2x10240x64xf32, #tpu.memory_space<hbm>> -> memref<1x128x64xf32, #tpu.memory_space<hbm>>
      %dma_wait3A_73 = tpu.memref_squeeze %dma_wait3A_72 : memref<1x128x64xf32, #tpu.memory_space<hbm>> -> memref<128x64xf32, #tpu.memory_space<hbm>>
      %dma_wait3A_74 = arith.constant 0 : i32
      %dma_wait3A_75 = tpu.memref_slice %arg7[%arg0, %add3A_64, %dma_wait3A_74] : memref<2x10240x64xf32, #tpu.memory_space<hbm>> -> memref<1x128x64xf32, #tpu.memory_space<hbm>>
      %dma_wait3A_76 = tpu.memref_squeeze %dma_wait3A_75 : memref<1x128x64xf32, #tpu.memory_space<hbm>> -> memref<128x64xf32, #tpu.memory_space<hbm>>
      tpu.wait_dma2 semaphore(%run_scoped3A : memref<!tpu.dma_semaphore, #tpu.memory_space<semaphore_mem>>) src(%arg10 : memref<128x64xf32, #tpu.memory_space<vmem>>) dst(%dma_wait3A_76 : memref<128x64xf32, #tpu.memory_space<hbm>>)
      tpu.yield
    }) : () -> ()
    %add3A_65 = arith.constant 512 : i32
    %add3A_66 = arith.addi %mul3A_3, %add3A_65 : i32
    "tpu.region"() ({
      %run_scoped3A = tpu.sem_alloc : memref<!tpu.dma_semaphore, #tpu.memory_space<semaphore_mem>>
      %dma_start3A = arith.constant 0 : i32
      %dma_start3A_67 = tpu.memref_slice %arg12[%add3A_66, %dma_start3A] : memref<10240x64xf32, #tpu.memory_space<vmem_shared>> -> memref<128x64xf32, #tpu.memory_space<vmem_shared>>
      %dma_start3A_68 = arith.constant 0 : i32
      %dma_start3A_69 = tpu.memref_slice %arg12[%add3A_66, %dma_start3A_68] : memref<10240x64xf32, #tpu.memory_space<vmem_shared>> -> memref<128x64xf32, #tpu.memory_space<vmem_shared>>
      tpu.enqueue_dma source(%dma_start3A_69 : memref<128x64xf32, #tpu.memory_space<vmem_shared>>) target(%arg10 : memref<128x64xf32, #tpu.memory_space<vmem>>) target_semaphore(%run_scoped3A : memref<!tpu.dma_semaphore, #tpu.memory_space<semaphore_mem>>)
      %dma_wait3A = arith.constant 0 : i32
      %dma_wait3A_70 = tpu.memref_slice %arg12[%add3A_66, %dma_wait3A] : memref<10240x64xf32, #tpu.memory_space<vmem_shared>> -> memref<128x64xf32, #tpu.memory_space<vmem_shared>>
      %dma_wait3A_71 = arith.constant 0 : i32
      %dma_wait3A_72 = tpu.memref_slice %arg12[%add3A_66, %dma_wait3A_71] : memref<10240x64xf32, #tpu.memory_space<vmem_shared>> -> memref<128x64xf32, #tpu.memory_space<vmem_shared>>
      tpu.wait_dma2 semaphore(%run_scoped3A : memref<!tpu.dma_semaphore, #tpu.memory_space<semaphore_mem>>) src(%dma_wait3A_72 : memref<128x64xf32, #tpu.memory_space<vmem_shared>>) dst(%arg10 : memref<128x64xf32, #tpu.memory_space<vmem>>)
      tpu.yield
    }) : () -> ()
    "tpu.region"() ({
      %run_scoped3A = tpu.sem_alloc : memref<!tpu.dma_semaphore, #tpu.memory_space<semaphore_mem>>
      %dma_start3A = arith.constant 0 : i32
      %dma_start3A_67 = tpu.memref_slice %arg7[%arg0, %add3A_66, %dma_start3A] : memref<2x10240x64xf32, #tpu.memory_space<hbm>> -> memref<1x128x64xf32, #tpu.memory_space<hbm>>
      %dma_start3A_68 = tpu.memref_squeeze %dma_start3A_67 : memref<1x128x64xf32, #tpu.memory_space<hbm>> -> memref<128x64xf32, #tpu.memory_space<hbm>>
      %dma_start3A_69 = arith.constant 0 : i32
      %dma_start3A_70 = tpu.memref_slice %arg7[%arg0, %add3A_66, %dma_start3A_69] : memref<2x10240x64xf32, #tpu.memory_space<hbm>> -> memref<1x128x64xf32, #tpu.memory_space<hbm>>
      %dma_start3A_71 = tpu.memref_squeeze %dma_start3A_70 : memref<1x128x64xf32, #tpu.memory_space<hbm>> -> memref<128x64xf32, #tpu.memory_space<hbm>>
      tpu.enqueue_dma source(%arg10 : memref<128x64xf32, #tpu.memory_space<vmem>>) target(%dma_start3A_71 : memref<128x64xf32, #tpu.memory_space<hbm>>) target_semaphore(%run_scoped3A : memref<!tpu.dma_semaphore, #tpu.memory_space<semaphore_mem>>)
      %dma_wait3A = arith.constant 0 : i32
      %dma_wait3A_72 = tpu.memref_slice %arg7[%arg0, %add3A_66, %dma_wait3A] : memref<2x10240x64xf32, #tpu.memory_space<hbm>> -> memref<1x128x64xf32, #tpu.memory_space<hbm>>
      %dma_wait3A_73 = tpu.memref_squeeze %dma_wait3A_72 : memref<1x128x64xf32, #tpu.memory_space<hbm>> -> memref<128x64xf32, #tpu.memory_space<hbm>>
      %dma_wait3A_74 = arith.constant 0 : i32
      %dma_wait3A_75 = tpu.memref_slice %arg7[%arg0, %add3A_66, %dma_wait3A_74] : memref<2x10240x64xf32, #tpu.memory_space<hbm>> -> memref<1x128x64xf32, #tpu.memory_space<hbm>>
      %dma_wait3A_76 = tpu.memref_squeeze %dma_wait3A_75 : memref<1x128x64xf32, #tpu.memory_space<hbm>> -> memref<128x64xf32, #tpu.memory_space<hbm>>
      tpu.wait_dma2 semaphore(%run_scoped3A : memref<!tpu.dma_semaphore, #tpu.memory_space<semaphore_mem>>) src(%arg10 : memref<128x64xf32, #tpu.memory_space<vmem>>) dst(%dma_wait3A_76 : memref<128x64xf32, #tpu.memory_space<hbm>>)
      tpu.yield
    }) : () -> ()
    return
  }
}

module attributes {stable_mosaic.version = 14 : i64} {
  func.func @_combine_body(%arg0: i32, %arg1: memref<1024x128xf32, #tpu.memory_space<vmem>>, %arg2: memref<1024x64xf32, #tpu.memory_space<vmem>>, %arg3: memref<1024x64xf32, #tpu.memory_space<vmem>>, %arg4: memref<1024x64xf32, #tpu.memory_space<vmem>>, %arg5: memref<1024x64xf32, #tpu.memory_space<vmem>>, %arg6: memref<1024x16xf32, #tpu.memory_space<vmem>>, %arg7: memref<1024x16xf32, #tpu.memory_space<vmem>>, %arg8: memref<128x128xf32, #tpu.memory_space<vmem>>, %arg9: memref<64x128xf32, #tpu.memory_space<vmem>>, %arg10: memref<64x128xf32, #tpu.memory_space<vmem>>, %arg11: memref<8x128xf32, #tpu.memory_space<vmem>>, %arg12: memref<1024x128xf32, #tpu.memory_space<vmem>>) attributes {dimension_semantics = [#tpu.dimension_semantics<arbitrary>], iteration_bounds = array<i64: 10>, scalar_prefetch = 0 : i64, scratch_operands = 0 : i64, tpu.core_type = #tpu.core_type<tc>, window_params = [{transform_indices = @transform_0, window_bounds = array<i64: 1024, 128>}, {transform_indices = @transform_1, window_bounds = array<i64: 1024, 64>}, {transform_indices = @transform_2, window_bounds = array<i64: 1024, 64>}, {transform_indices = @transform_3, window_bounds = array<i64: 1024, 64>}, {transform_indices = @transform_4, window_bounds = array<i64: 1024, 64>}, {transform_indices = @transform_5, window_bounds = array<i64: 1024, 16>}, {transform_indices = @transform_6, window_bounds = array<i64: 1024, 16>}, {pipeline_mode = #tpu.pipeline_mode<synchronous>, transform_indices = @transform_7, window_bounds = array<i64: 128, 128>}, {pipeline_mode = #tpu.pipeline_mode<synchronous>, transform_indices = @transform_8, window_bounds = array<i64: 64, 128>}, {pipeline_mode = #tpu.pipeline_mode<synchronous>, transform_indices = @transform_9, window_bounds = array<i64: 64, 128>}, {pipeline_mode = #tpu.pipeline_mode<synchronous>, transform_indices = @transform_10, window_bounds = array<i64: 8, 128>}, {transform_indices = @transform_11, window_bounds = array<i64: 1024, 128>}]} {
    %get3A = arith.constant 0 : index
    %get3A_0 = arith.constant 0 : index
    %get3A_1 = vector.load %arg6[%get3A, %get3A_0] : memref<1024x16xf32, #tpu.memory_space<vmem>>, vector<1024x16xf32>
    %slice3A = vector.extract_strided_slice %get3A_1 {offsets = [0, 0], sizes = [1024, 1], strides = [1, 1]} : vector<1024x16xf32> to vector<1024x1xf32>
    %get3A_2 = arith.constant 0 : index
    %get3A_3 = arith.constant 0 : index
    %get3A_4 = vector.load %arg7[%get3A_2, %get3A_3] : memref<1024x16xf32, #tpu.memory_space<vmem>>, vector<1024x16xf32>
    %slice3A_5 = vector.extract_strided_slice %get3A_4 {offsets = [0, 0], sizes = [1024, 1], strides = [1, 1]} : vector<1024x16xf32> to vector<1024x1xf32>
    %add3A = arith.addf %slice3A, %slice3A_5 : vector<1024x1xf32>
    %max3A = arith.constant 1.000000e+00 : f32
    %max3A_6 = vector.broadcast %max3A : f32 to vector<1024x1xf32>
    %max3A_7 = arith.maximumf %add3A, %max3A_6 : vector<1024x1xf32>
    %div3A = arith.constant 1.000000e+00 : f32
    %div3A_8 = vector.broadcast %div3A : f32 to vector<1024x1xf32>
    %div3A_9 = arith.divf %div3A_8, %max3A_7 : vector<1024x1xf32>
    %get3A_10 = arith.constant 0 : index
    %get3A_11 = arith.constant 0 : index
    %get3A_12 = vector.load %arg2[%get3A_10, %get3A_11] : memref<1024x64xf32, #tpu.memory_space<vmem>>, vector<1024x64xf32>
    %get3A_13 = arith.constant 0 : index
    %get3A_14 = arith.constant 0 : index
    %get3A_15 = vector.load %arg3[%get3A_13, %get3A_14] : memref<1024x64xf32, #tpu.memory_space<vmem>>, vector<1024x64xf32>
    %add3A_16 = arith.addf %get3A_12, %get3A_15 : vector<1024x64xf32>
    %mul3A = vector.broadcast %div3A_9 : vector<1024x1xf32> to vector<1024x64xf32>
    %mul3A_17 = arith.mulf %add3A_16, %mul3A : vector<1024x64xf32>
    %get3A_18 = arith.constant 0 : index
    %get3A_19 = arith.constant 0 : index
    %get3A_20 = vector.load %arg4[%get3A_18, %get3A_19] : memref<1024x64xf32, #tpu.memory_space<vmem>>, vector<1024x64xf32>
    %get3A_21 = arith.constant 0 : index
    %get3A_22 = arith.constant 0 : index
    %get3A_23 = vector.load %arg5[%get3A_21, %get3A_22] : memref<1024x64xf32, #tpu.memory_space<vmem>>, vector<1024x64xf32>
    %add3A_24 = arith.addf %get3A_20, %get3A_23 : vector<1024x64xf32>
    %mul3A_25 = vector.broadcast %div3A_9 : vector<1024x1xf32> to vector<1024x64xf32>
    %mul3A_26 = arith.mulf %add3A_24, %mul3A_25 : vector<1024x64xf32>
    %get3A_27 = arith.constant 0 : index
    %get3A_28 = arith.constant 0 : index
    %get3A_29 = vector.load %arg1[%get3A_27, %get3A_28] : memref<1024x128xf32, #tpu.memory_space<vmem>>, vector<1024x128xf32>
    %get3A_30 = arith.constant 0 : index
    %get3A_31 = arith.constant 0 : index
    %get3A_32 = vector.load %arg8[%get3A_30, %get3A_31] : memref<128x128xf32, #tpu.memory_space<vmem>>, vector<128x128xf32>
    %dot_general3A = arith.constant dense<0.000000e+00> : vector<1024x128xf32>
    %dot_general3A_33 = tpu.matmul %get3A_29, %get3A_32, %dot_general3A {dimension_numbers = #tpu.dot_dimension_numbers<[1], [0], [0], [1], [0, 0, 1, 1], [], []>, transpose_lhs_hint = false} : vector<1024x128xf32>, vector<128x128xf32>, vector<1024x128xf32> -> vector<1024x128xf32>
    %get3A_34 = arith.constant 0 : index
    %get3A_35 = arith.constant 0 : index
    %get3A_36 = vector.load %arg9[%get3A_34, %get3A_35] : memref<64x128xf32, #tpu.memory_space<vmem>>, vector<64x128xf32>
    %dot_general3A_37 = arith.constant dense<0.000000e+00> : vector<1024x128xf32>
    %dot_general3A_38 = tpu.matmul %mul3A_17, %get3A_36, %dot_general3A_37 {dimension_numbers = #tpu.dot_dimension_numbers<[1], [0], [0], [1], [0, 0, 1, 1], [], []>, transpose_lhs_hint = false} : vector<1024x64xf32>, vector<64x128xf32>, vector<1024x128xf32> -> vector<1024x128xf32>
    %add3A_39 = arith.addf %dot_general3A_33, %dot_general3A_38 : vector<1024x128xf32>
    %get3A_40 = arith.constant 0 : index
    %get3A_41 = arith.constant 0 : index
    %get3A_42 = vector.load %arg10[%get3A_40, %get3A_41] : memref<64x128xf32, #tpu.memory_space<vmem>>, vector<64x128xf32>
    %dot_general3A_43 = arith.constant dense<0.000000e+00> : vector<1024x128xf32>
    %dot_general3A_44 = tpu.matmul %mul3A_26, %get3A_42, %dot_general3A_43 {dimension_numbers = #tpu.dot_dimension_numbers<[1], [0], [0], [1], [0, 0, 1, 1], [], []>, transpose_lhs_hint = false} : vector<1024x64xf32>, vector<64x128xf32>, vector<1024x128xf32> -> vector<1024x128xf32>
    %add3A_45 = arith.addf %add3A_39, %dot_general3A_44 : vector<1024x128xf32>
    %get3A_46 = arith.constant 0 : index
    %get3A_47 = arith.constant 0 : index
    %get3A_48 = vector.load %arg11[%get3A_46, %get3A_47] : memref<8x128xf32, #tpu.memory_space<vmem>>, vector<1x128xf32>
    %add3A_49 = vector.broadcast %get3A_48 : vector<1x128xf32> to vector<1024x128xf32>
    %add3A_50 = arith.addf %add3A_45, %add3A_49 : vector<1024x128xf32>
    %max3A_51 = arith.constant 0.000000e+00 : f32
    %max3A_52 = vector.broadcast %max3A_51 : f32 to vector<1024x128xf32>
    %max3A_53 = arith.maximumf %add3A_50, %max3A_52 : vector<1024x128xf32>
    %swap3A = arith.constant 0 : index
    %swap3A_54 = arith.constant 0 : index
    %swap3A_55 = vector.load %arg12[%swap3A, %swap3A_54] : memref<1024x128xf32, #tpu.memory_space<vmem>>, vector<1024x128xf32>
    tpu.vector_store %arg12[%swap3A, %swap3A_54], %max3A_53 {strides = array<i32>} : memref<1024x128xf32, #tpu.memory_space<vmem>>, vector<1024x128xf32>,
    return
  }
  func.func @transform_0(%arg0: i32) -> (i32, i32) {
    %c0_i32 = arith.constant 0 : i32
    %c0_i32_0 = arith.constant 0 : i32
    return %arg0, %c0_i32 : i32, i32
  }
  func.func @transform_1(%arg0: i32) -> (i32, i32) {
    %c0_i32 = arith.constant 0 : i32
    %c0_i32_0 = arith.constant 0 : i32
    return %arg0, %c0_i32 : i32, i32
  }
  func.func @transform_2(%arg0: i32) -> (i32, i32) {
    %c0_i32 = arith.constant 0 : i32
    %c0_i32_0 = arith.constant 0 : i32
    return %arg0, %c0_i32 : i32, i32
  }
  func.func @transform_3(%arg0: i32) -> (i32, i32) {
    %c0_i32 = arith.constant 0 : i32
    %c0_i32_0 = arith.constant 0 : i32
    return %arg0, %c0_i32 : i32, i32
  }
  func.func @transform_4(%arg0: i32) -> (i32, i32) {
    %c0_i32 = arith.constant 0 : i32
    %c0_i32_0 = arith.constant 0 : i32
    return %arg0, %c0_i32 : i32, i32
  }
  func.func @transform_5(%arg0: i32) -> (i32, i32) {
    %c0_i32 = arith.constant 0 : i32
    %c0_i32_0 = arith.constant 0 : i32
    return %arg0, %c0_i32 : i32, i32
  }
  func.func @transform_6(%arg0: i32) -> (i32, i32) {
    %c0_i32 = arith.constant 0 : i32
    %c0_i32_0 = arith.constant 0 : i32
    return %arg0, %c0_i32 : i32, i32
  }
  func.func @transform_7(%arg0: i32) -> (i32, i32) {
    %c0_i32 = arith.constant 0 : i32
    %c0_i32_0 = arith.constant 0 : i32
    %c0_i32_1 = arith.constant 0 : i32
    return %c0_i32, %c0_i32_0 : i32, i32
  }
  func.func @transform_8(%arg0: i32) -> (i32, i32) {
    %c0_i32 = arith.constant 0 : i32
    %c0_i32_0 = arith.constant 0 : i32
    %c0_i32_1 = arith.constant 0 : i32
    return %c0_i32, %c0_i32_0 : i32, i32
  }
  func.func @transform_9(%arg0: i32) -> (i32, i32) {
    %c0_i32 = arith.constant 0 : i32
    %c0_i32_0 = arith.constant 0 : i32
    %c0_i32_1 = arith.constant 0 : i32
    return %c0_i32, %c0_i32_0 : i32, i32
  }
  func.func @transform_10(%arg0: i32) -> (i32, i32) {
    %c0_i32 = arith.constant 0 : i32
    %c0_i32_0 = arith.constant 0 : i32
    %c0_i32_1 = arith.constant 0 : i32
    return %c0_i32, %c0_i32_0 : i32, i32
  }
  func.func @transform_11(%arg0: i32) -> (i32, i32) {
    %c0_i32 = arith.constant 0 : i32
    %c0_i32_0 = arith.constant 0 : i32
    return %arg0, %c0_i32 : i32, i32
  }
}

module attributes {stable_mosaic.version = 14 : i64} {
  func.func @_combine_body(%arg0: i32, %arg1: memref<1024x128xf32, #tpu.memory_space<vmem>>, %arg2: memref<1024x64xf32, #tpu.memory_space<vmem>>, %arg3: memref<1024x64xf32, #tpu.memory_space<vmem>>, %arg4: memref<1024x64xf32, #tpu.memory_space<vmem>>, %arg5: memref<1024x64xf32, #tpu.memory_space<vmem>>, %arg6: memref<1024x16xf32, #tpu.memory_space<vmem>>, %arg7: memref<1024x16xf32, #tpu.memory_space<vmem>>, %arg8: memref<128x128xf32, #tpu.memory_space<vmem>>, %arg9: memref<64x128xf32, #tpu.memory_space<vmem>>, %arg10: memref<64x128xf32, #tpu.memory_space<vmem>>, %arg11: memref<8x128xf32, #tpu.memory_space<vmem>>, %arg12: memref<1024x128xf32, #tpu.memory_space<vmem>>) attributes {dimension_semantics = [#tpu.dimension_semantics<arbitrary>], iteration_bounds = array<i64: 10>, scalar_prefetch = 0 : i64, scratch_operands = 0 : i64, tpu.core_type = #tpu.core_type<tc>, window_params = [{transform_indices = @transform_0, window_bounds = array<i64: 1024, 128>}, {transform_indices = @transform_1, window_bounds = array<i64: 1024, 64>}, {transform_indices = @transform_2, window_bounds = array<i64: 1024, 64>}, {transform_indices = @transform_3, window_bounds = array<i64: 1024, 64>}, {transform_indices = @transform_4, window_bounds = array<i64: 1024, 64>}, {transform_indices = @transform_5, window_bounds = array<i64: 1024, 16>}, {transform_indices = @transform_6, window_bounds = array<i64: 1024, 16>}, {pipeline_mode = #tpu.pipeline_mode<synchronous>, transform_indices = @transform_7, window_bounds = array<i64: 128, 128>}, {pipeline_mode = #tpu.pipeline_mode<synchronous>, transform_indices = @transform_8, window_bounds = array<i64: 64, 128>}, {pipeline_mode = #tpu.pipeline_mode<synchronous>, transform_indices = @transform_9, window_bounds = array<i64: 64, 128>}, {pipeline_mode = #tpu.pipeline_mode<synchronous>, transform_indices = @transform_10, window_bounds = array<i64: 8, 128>}, {transform_indices = @transform_11, window_bounds = array<i64: 1024, 128>}]} {
    %get3A = arith.constant 0 : index
    %get3A_0 = arith.constant 0 : index
    %get3A_1 = vector.load %arg6[%get3A, %get3A_0] : memref<1024x16xf32, #tpu.memory_space<vmem>>, vector<1024x16xf32>
    %slice3A = vector.extract_strided_slice %get3A_1 {offsets = [0, 0], sizes = [1024, 1], strides = [1, 1]} : vector<1024x16xf32> to vector<1024x1xf32>
    %get3A_2 = arith.constant 0 : index
    %get3A_3 = arith.constant 0 : index
    %get3A_4 = vector.load %arg7[%get3A_2, %get3A_3] : memref<1024x16xf32, #tpu.memory_space<vmem>>, vector<1024x16xf32>
    %slice3A_5 = vector.extract_strided_slice %get3A_4 {offsets = [0, 0], sizes = [1024, 1], strides = [1, 1]} : vector<1024x16xf32> to vector<1024x1xf32>
    %add3A = arith.addf %slice3A, %slice3A_5 : vector<1024x1xf32>
    %max3A = arith.constant 1.000000e+00 : f32
    %max3A_6 = vector.broadcast %max3A : f32 to vector<1024x1xf32>
    %max3A_7 = arith.maximumf %add3A, %max3A_6 : vector<1024x1xf32>
    %div3A = arith.constant 1.000000e+00 : f32
    %div3A_8 = vector.broadcast %div3A : f32 to vector<1024x1xf32>
    %div3A_9 = arith.divf %div3A_8, %max3A_7 : vector<1024x1xf32>
    %get3A_10 = arith.constant 0 : index
    %get3A_11 = arith.constant 0 : index
    %get3A_12 = vector.load %arg2[%get3A_10, %get3A_11] : memref<1024x64xf32, #tpu.memory_space<vmem>>, vector<1024x64xf32>
    %get3A_13 = arith.constant 0 : index
    %get3A_14 = arith.constant 0 : index
    %get3A_15 = vector.load %arg3[%get3A_13, %get3A_14] : memref<1024x64xf32, #tpu.memory_space<vmem>>, vector<1024x64xf32>
    %add3A_16 = arith.addf %get3A_12, %get3A_15 : vector<1024x64xf32>
    %mul3A = vector.broadcast %div3A_9 : vector<1024x1xf32> to vector<1024x64xf32>
    %mul3A_17 = arith.mulf %add3A_16, %mul3A : vector<1024x64xf32>
    %get3A_18 = arith.constant 0 : index
    %get3A_19 = arith.constant 0 : index
    %get3A_20 = vector.load %arg4[%get3A_18, %get3A_19] : memref<1024x64xf32, #tpu.memory_space<vmem>>, vector<1024x64xf32>
    %get3A_21 = arith.constant 0 : index
    %get3A_22 = arith.constant 0 : index
    %get3A_23 = vector.load %arg5[%get3A_21, %get3A_22] : memref<1024x64xf32, #tpu.memory_space<vmem>>, vector<1024x64xf32>
    %add3A_24 = arith.addf %get3A_20, %get3A_23 : vector<1024x64xf32>
    %mul3A_25 = vector.broadcast %div3A_9 : vector<1024x1xf32> to vector<1024x64xf32>
    %mul3A_26 = arith.mulf %add3A_24, %mul3A_25 : vector<1024x64xf32>
    %get3A_27 = arith.constant 0 : index
    %get3A_28 = arith.constant 0 : index
    %get3A_29 = vector.load %arg1[%get3A_27, %get3A_28] : memref<1024x128xf32, #tpu.memory_space<vmem>>, vector<1024x128xf32>
    %get3A_30 = arith.constant 0 : index
    %get3A_31 = arith.constant 0 : index
    %get3A_32 = vector.load %arg8[%get3A_30, %get3A_31] : memref<128x128xf32, #tpu.memory_space<vmem>>, vector<128x128xf32>
    %dot_general3A = arith.constant dense<0.000000e+00> : vector<1024x128xf32>
    %dot_general3A_33 = tpu.matmul %get3A_29, %get3A_32, %dot_general3A {dimension_numbers = #tpu.dot_dimension_numbers<[1], [0], [0], [1], [0, 0, 1, 1], [], []>, transpose_lhs_hint = false} : vector<1024x128xf32>, vector<128x128xf32>, vector<1024x128xf32> -> vector<1024x128xf32>
    %get3A_34 = arith.constant 0 : index
    %get3A_35 = arith.constant 0 : index
    %get3A_36 = vector.load %arg9[%get3A_34, %get3A_35] : memref<64x128xf32, #tpu.memory_space<vmem>>, vector<64x128xf32>
    %dot_general3A_37 = arith.constant dense<0.000000e+00> : vector<1024x128xf32>
    %dot_general3A_38 = tpu.matmul %mul3A_17, %get3A_36, %dot_general3A_37 {dimension_numbers = #tpu.dot_dimension_numbers<[1], [0], [0], [1], [0, 0, 1, 1], [], []>, transpose_lhs_hint = false} : vector<1024x64xf32>, vector<64x128xf32>, vector<1024x128xf32> -> vector<1024x128xf32>
    %add3A_39 = arith.addf %dot_general3A_33, %dot_general3A_38 : vector<1024x128xf32>
    %get3A_40 = arith.constant 0 : index
    %get3A_41 = arith.constant 0 : index
    %get3A_42 = vector.load %arg10[%get3A_40, %get3A_41] : memref<64x128xf32, #tpu.memory_space<vmem>>, vector<64x128xf32>
    %dot_general3A_43 = arith.constant dense<0.000000e+00> : vector<1024x128xf32>
    %dot_general3A_44 = tpu.matmul %mul3A_26, %get3A_42, %dot_general3A_43 {dimension_numbers = #tpu.dot_dimension_numbers<[1], [0], [0], [1], [0, 0, 1, 1], [], []>, transpose_lhs_hint = false} : vector<1024x64xf32>, vector<64x128xf32>, vector<1024x128xf32> -> vector<1024x128xf32>
    %add3A_45 = arith.addf %add3A_39, %dot_general3A_44 : vector<1024x128xf32>
    %get3A_46 = arith.constant 0 : index
    %get3A_47 = arith.constant 0 : index
    %get3A_48 = vector.load %arg11[%get3A_46, %get3A_47] : memref<8x128xf32, #tpu.memory_space<vmem>>, vector<1x128xf32>
    %add3A_49 = vector.broadcast %get3A_48 : vector<1x128xf32> to vector<1024x128xf32>
    %add3A_50 = arith.addf %add3A_45, %add3A_49 : vector<1024x128xf32>
    %swap3A = arith.constant 0 : index
    %swap3A_51 = arith.constant 0 : index
    %swap3A_52 = vector.load %arg12[%swap3A, %swap3A_51] : memref<1024x128xf32, #tpu.memory_space<vmem>>, vector<1024x128xf32>
    tpu.vector_store %arg12[%swap3A, %swap3A_51], %add3A_50 {strides = array<i32>} : memref<1024x128xf32, #tpu.memory_space<vmem>>, vector<1024x128xf32>,
    return
  }
  func.func @transform_0(%arg0: i32) -> (i32, i32) {
    %c0_i32 = arith.constant 0 : i32
    %c0_i32_0 = arith.constant 0 : i32
    return %arg0, %c0_i32 : i32, i32
  }
  func.func @transform_1(%arg0: i32) -> (i32, i32) {
    %c0_i32 = arith.constant 0 : i32
    %c0_i32_0 = arith.constant 0 : i32
    return %arg0, %c0_i32 : i32, i32
  }
  func.func @transform_2(%arg0: i32) -> (i32, i32) {
    %c0_i32 = arith.constant 0 : i32
    %c0_i32_0 = arith.constant 0 : i32
    return %arg0, %c0_i32 : i32, i32
  }
  func.func @transform_3(%arg0: i32) -> (i32, i32) {
    %c0_i32 = arith.constant 0 : i32
    %c0_i32_0 = arith.constant 0 : i32
    return %arg0, %c0_i32 : i32, i32
  }
  func.func @transform_4(%arg0: i32) -> (i32, i32) {
    %c0_i32 = arith.constant 0 : i32
    %c0_i32_0 = arith.constant 0 : i32
    return %arg0, %c0_i32 : i32, i32
  }
  func.func @transform_5(%arg0: i32) -> (i32, i32) {
    %c0_i32 = arith.constant 0 : i32
    %c0_i32_0 = arith.constant 0 : i32
    return %arg0, %c0_i32 : i32, i32
  }
  func.func @transform_6(%arg0: i32) -> (i32, i32) {
    %c0_i32 = arith.constant 0 : i32
    %c0_i32_0 = arith.constant 0 : i32
    return %arg0, %c0_i32 : i32, i32
  }
  func.func @transform_7(%arg0: i32) -> (i32, i32) {
    %c0_i32 = arith.constant 0 : i32
    %c0_i32_0 = arith.constant 0 : i32
    %c0_i32_1 = arith.constant 0 : i32
    return %c0_i32, %c0_i32_0 : i32, i32
  }
  func.func @transform_8(%arg0: i32) -> (i32, i32) {
    %c0_i32 = arith.constant 0 : i32
    %c0_i32_0 = arith.constant 0 : i32
    %c0_i32_1 = arith.constant 0 : i32
    return %c0_i32, %c0_i32_0 : i32, i32
  }
  func.func @transform_9(%arg0: i32) -> (i32, i32) {
    %c0_i32 = arith.constant 0 : i32
    %c0_i32_0 = arith.constant 0 : i32
    %c0_i32_1 = arith.constant 0 : i32
    return %c0_i32, %c0_i32_0 : i32, i32
  }
  func.func @transform_10(%arg0: i32) -> (i32, i32) {
    %c0_i32 = arith.constant 0 : i32
    %c0_i32_0 = arith.constant 0 : i32
    %c0_i32_1 = arith.constant 0 : i32
    return %c0_i32, %c0_i32_0 : i32, i32
  }
  func.func @transform_11(%arg0: i32) -> (i32, i32) {
    %c0_i32 = arith.constant 0 : i32
    %c0_i32_0 = arith.constant 0 : i32
    return %arg0, %c0_i32 : i32, i32
  }
}

</mosaic_0001>

<sc_bundles>
// kernel: kernel.6.cloned.1.call-start
scs
__scs_entry_jumppad:
0x0: {  	(pc) =	sbr.rel $0x88, $3  }
0x1: {  	(tag) =	ssettag $0x0;
	lr =	simm.s32 $0x1  }
0x2: {  	[smem:$0x3F99] =	sst lr;
	_ =	strace $0xD0000000  }
0x3: {  	_ = 	snop  }
0x4: {  	_ = 	snop  }
0x5: {  	_ = 	snop  }
0x6: {  	_ = 	snop  }
0x7: {  	_ = 	snop  }
__scs_overlays_trampoline_lowered:
0x8: {  	[smem:$0x3FA8] =	sst s0  }
0x9: {  	[smem:$0x3FA9] =	sst s1  }
0xa: {  	[smem:$0x3FAA] =	sst s2  }
0xb: {  	[smem:$0x3FAB] =	sst s3  }
0xc: {  	[smem:$0x3FAC] =	sst s4  }
0xd: {  	[smem:$0x3FAD] =	sst s5  }
0xe: {  	[smem:$0x3FAE] =	sst s6  }
0xf: {  	[smem:$0x3FAF] =	sst s7  }
0x10: {  	[smem:$0x3FB0] =	sst s8  }
0x11: {  	[smem:$0x3FB1] =	sst s9;
	s0 =	simm.s32 @!p0 $0x0  }
0x12: {  	s1 =	sld [smem:$0x3F97];
	s0 =	simm.s32 @p0 $0x1  }
0x13: {  	[smem:$0x3FB2] =	sst s0;
	s0 =	simm.s32 @!p1 $0x0  }
0x14: {  	s2 =	sld [smem:$0x3F96];
	s0 =	simm.s32 @p1 $0x1  }
0x15: {  	[smem:$0x3FB3] =	sst s0;
	s0 =	simm.s32 @!p2 $0x0  }
0x16: {  	s3 =	sld [smem:$0x3FDB];
	s0 =	simm.s32 @p2 $0x1  }
0x17: {  	s4 =	simm.s32 $0x1BF5;
	[smem:$0x3FB5] =	sst s0  }
0x18: {  	s0 =	sld [smem:$0x3F98];
	_ =	swait.ge [sflag:s4], $0x0  }
0x19: {  	s7 =	sld [smem:$0x3F99]  }
0x1a: {  	s8 =	sadd.s32 $0xFFFFE003, lr  }
0x1b: {  	s9 =	sadd.s32 $0xFFFFFEF7, lr;
	s5 =	simm.s32 $0xFFFFFFFF;
	p2 =	slt.u32 s8, $0xFFFFF086  }
0x1c: {  	p1 =	slt.u32 s9, $0xF7A;
	s5 =	simm.s32 @!p2 $0x0  }
0x1d: {  	s5 =	simm.s32 @p1 $0x1;
	p0 =	seq.s32 s7, s2  }
0x1e: {  	s7 =	smul.u32 @!p0 $0xF7A, s2;
	p2 =	seq.s32 @!p0 s5, $0x0  }
0x1f: {  	s9 =	smul.u32 $0xF7A, s1;
	s8 =	simm.s32 @!p0 $0x1BF5;
	p2 =	por !p2, p0  }
0x20: {  	[sflag:s8] =	ssyncset.s32 @!p0 $0xFFFFF086;
	s6 =	sadd.s32 @!p0 s3, s7;
	s7 =	simm.s32 @!p0 $0x108  }
0x21: {  	s3 =	sadd.s32 s3, s9;
	s6 =	sadd.s32 @!p0 $0x88, s6;
	s7 =	simm.s32 @p2 $0x1082  }
0x22: {  	[simem:s7], [sflag:s8] =	dma.local @!p0 [hbm:s6], $0xF7A  }
0x23: {  	s9 =	sor.u32 $0xD0000000, s2;
	s6 =	simm.s32 $0x108;
	_ =	swait.ge @!p0 [sflag:s8], $0x0  }
0x24: {  	s3 =	sadd.s32 $0x88, s3;
	s6 =	simm.s32 @!p1 $0x1082;
	[sflag:s4] =	ssyncset.s32 $0xFFFFF086  }
0x25: {  	[simem:s6], [sflag:s4] =	dma.local [hbm:s3], $0xF7A  }
0x26: {  	[smem:$0x3F99] =	sst s1;
	(tag) =	ssettag s2;
	_ =	strace s9  }
0x27: {  	s1 =	sld [smem:$0x3FA9]  }
0x28: {  	s2 =	sld [smem:$0x3FAA]  }
0x29: {  	s4 =	sld [smem:$0x3FAC]  }
0x2a: {  	p0 =	seq.s32 s5, $0x0;
	s5 =	sld [smem:$0x3FAD]  }
0x2b: {  	s6 =	sld [smem:$0x3FAE]  }
0x2c: {  	s7 =	sld [smem:$0x3FAF]  }
0x2d: {  	s3 =	simm.s32 $0x108;
	s8 =	sld [smem:$0x3FB0]  }
0x2e: {  	s3 =	simm.s32 @!p0 $0x1082;
	s9 =	sld [smem:$0x3FB1]  }
0x2f: {  	lr =	sadd.s32 s0, s3;
	s0 =	sld [smem:$0x3FA8]  }
0x30: {  	s3 =	sld [smem:$0x3FAB]  }
0x31: {  	[smem:$0x3FB4] =	sst s10  }
0x32: {  	s10 =	sld [smem:$0x3FB2];
	_ =	sdelay $0x3  }
0x33: {  	p0 =	seq.s32 s10, $0x1;
	s10 =	sld [smem:$0x3FB4];
	_ =	sdelay $0x3  }
0x34: {  	[smem:$0x3FB4] =	sst s10  }
0x35: {  	s10 =	sld [smem:$0x3FB3];
	_ =	sdelay $0x3  }
0x36: {  	p1 =	seq.s32 s10, $0x1;
	s10 =	sld [smem:$0x3FB4];
	_ =	sdelay $0x3  }
0x37: {  	[smem:$0x3FB4] =	sst s10  }
0x38: {  	s10 =	sld [smem:$0x3FB5]  }
0x39: {  	_ = 	snop;
	(pc) =	sbr.ind lr, $3  }
0x3a: {  	_ = 	snop  }
0x3b: {  	_ = 	snop  }
0x3c: {  	p2 =	seq.s32 s10, $0x1;
	s10 =	sld [smem:$0x3FB4]  }
0x3d: {  	_ =	shalt  }
0x3e: {  	_ =	shalt  }
0x3f: {  	_ =	shalt  }
0x40: {  	_ =	shalt  }
0x41: {  	_ =	shalt  }
0x42: {  	_ =	shalt  }
0x43: {  	_ =	shalt  }
0x44: {  	_ =	shalt  }
0x45: {  	_ =	shalt  }
0x46: {  	_ =	shalt  }
0x47: {  	_ =	shalt  }
0x48: {  	_ =	shalt  }
0x49: {  	_ =	shalt  }
0x4a: {  	_ =	shalt  }
0x4b: {  	_ =	shalt  }
0x4c: {  	_ =	shalt  }
0x4d: {  	_ =	shalt  }
0x4e: {  	_ =	shalt  }
0x4f: {  	_ =	shalt  }
0x50: {  	_ =	shalt  }
0x51: {  	_ =	shalt  }
0x52: {  	_ =	shalt  }
0x53: {  	_ =	shalt  }
0x54: {  	_ =	shalt  }
0x55: {  	_ =	shalt  }
0x56: {  	_ =	shalt  }
0x57: {  	_ =	shalt  }
0x58: {  	_ =	shalt  }
0x59: {  	_ =	shalt  }
0x5a: {  	_ =	shalt  }
0x5b: {  	_ =	shalt  }
0x5c: {  	_ =	shalt  }
0x5d: {  	_ =	shalt  }
0x5e: {  	_ =	shalt  }
0x5f: {  	_ =	shalt  }
0x60: {  	_ =	shalt  }
0x61: {  	_ =	shalt  }
0x62: {  	_ =	shalt  }
0x63: {  	_ =	shalt  }
0x64: {  	_ =	shalt  }
0x65: {  	_ =	shalt  }
0x66: {  	_ =	shalt  }
0x67: {  	_ =	shalt  }
0x68: {  	_ =	shalt  }
0x69: {  	_ =	shalt  }
0x6a: {  	_ =	shalt  }
0x6b: {  	_ =	shalt  }
0x6c: {  	_ =	shalt  }
0x6d: {  	_ =	shalt  }
0x6e: {  	_ =	shalt  }
0x6f: {  	_ =	shalt  }
0x70: {  	_ =	shalt  }
0x71: {  	_ =	shalt  }
0x72: {  	_ =	shalt  }
0x73: {  	_ =	shalt  }
0x74: {  	_ =	shalt  }
0x75: {  	_ =	shalt  }
0x76: {  	_ =	shalt  }
0x77: {  	_ =	shalt  }
0x78: {  	_ =	shalt  }
0x79: {  	_ =	shalt  }
0x7a: {  	_ =	shalt  }
0x7b: {  	_ =	shalt  }
0x7c: {  	_ =	shalt  }
0x7d: {  	_ =	shalt  }
0x7e: {  	_ =	shalt  }
0x7f: {  	_ =	shalt  }
0x80: {  	_ =	shalt  }
0x81: {  	_ =	shalt  }
0x82: {  	_ =	shalt  }
0x83: {  	_ =	shalt  }
0x84: {  	_ =	shalt  }
0x85: {  	_ =	shalt  }
0x86: {  	_ =	shalt  }
0x87: {  	_ =	shalt  }
.Lfunc_end0:
.L_simem_size_0:
called_computation_lowered:
.L_overlay_start_0:
0x88: {  	s2 =	sld [smem:$0x3FD9]  }
0x89: {  	s3 =	sld [smem:$0x3FFE];
	_ =	sdelay $0x1  }
0x8a: {  	s1 =	srdreg.scid  }
0x8b: {  	s0 =	sand.u32 $0x1, s1  }
0x8c: {  	s17 =	sshll.u32 s0, $0xA;
	s2 =	sadd.s32 s3, s2  }
0x8d: {  	s2 =	sadd.s32 s2, s17  }
0x8e: {  	[smem:$0x3FC0] =	sst s2  }
0x8f: {  	_ = 	snop  }
0x90: {  	s2 =	sld [smem:$0x3FD0];
	(tm) =	ssettm $0x1  }
0x91: {  	s18 =	sld [smem:$0x3FFB];
	_ =	sdelay $0x3  }
0x92: {  	_ =	strace s18  }
0x93: {  	s3 =	sld [smem:$0x3FFC];
	_ =	sdelay $0x3  }
0x94: {  	_ =	strace s3  }
0x95: {  	s3 =	sld [smem:$0x3FFD];
	_ =	sdelay $0x3  }
0x96: {  	_ =	strace s3  }
0x97: {  	_ =	strace $0x8FFFFFFF  }
0x98: {  	s19 =	sld [smem:$0x3FDB];
	_ =	sdelay $0x1  }
0x99: {  	s4 =	simm.s32 $_scs_section_size  }
0x9a: {  	s5 =	simm.s32 $_size__tile_overlayer_lowered;
	s6 =	simm.s32 $_tile_overlayer_lowered  }
0x9b: {  	s22 =	simm.s32 $0x1BFF;
	s21 =	sshll.u32 s6, $0x1;
	s3 =	sadd.s32 s4, s19  }
0x9c: {  	s7 =	simm.s32 $0x0;
	s20 =	sshll.u32 s5, $0x1;
	s5 =	sadd.s32 s21, s3  }
0x9d: {  	[timem:s7], [sflag:s22] =	dma.local [hbm:s5], s20  }
0x9e: {  	_ =	swait.ge [sflag:s22], s20  }
0x9f: {  	s4 =	ssub.s32 $0x0, s20;
	[sflag:s22] =	ssyncset.done $0x0  }
0xa0: {  	[sflag:s22] =	ssyncadd.s32 s4;
	_ =	sdelay $0x1  }
0xa1: {  	s23 =	simm.s32 $0x1B8B  }
0xa2: {  	_ =	swait.ge [sflag:s23], $0x1  }
0xa3: {  	[sflag:s23] =	ssyncset.done $0x0  }
0xa4: {  	s25 =	simm.s32 $0x1B8E;
	s24 =	sld [smem:$0x3FFE];
	[sflag:s23] =	ssyncadd.s32 $0xFFFFFFFF  }
0xa5: {  	s26 =	simm.s32 $execute0_lowered;
	[smem:$0x3FD2] =	sst s25  }
0xa6: {  	s5 =	sshll.u32 s26, $0x1;
	_ =	strace $0x80000046;
	[dreg:$0x1] =	wrdreg $0xFFFFFFFF  }
0xa7: {  	s28 =	simm.s32 $_size_execute0_lowered;
	s3 =	sadd.s32 s3, s5;
	[dreg:$0x0] =	wrdreg $0x0  }
0xa8: {  	s5 =	sshll.u32 s28, $0x1;
	[dreg:$0x2] =	wrdreg s3  }
0xa9: {  	[dreg:$0x3] =	wrdreg s5  }
0xaa: {  	[dreg:$0x4] =	wrdreg $0xC0  }
0xab: {  	_ =	task [dreg:s7], $0x5FFFF  }
0xac: {  	[dreg:$0x1] =	wrdreg $0xFFFFFFFF  }
0xad: {  	[dreg:$0x0] =	wrdreg $0x60  }
0xae: {  	[dreg:$0x2] =	wrdreg s24  }
0xaf: {  	[dreg:$0x3] =	wrdreg s2  }
0xb0: {  	[dreg:$0x4] =	wrdreg $0x111000  }
0xb1: {  	[dreg:$0x5] =	wrdreg $0x41000  }
0xb2: {  	[dreg:$0x6] =	wrdreg $0x9  }
0xb3: {  	_ =	task.clear_ibuf [dreg:s7], $0x7FFFF;
	_ =	strace $0x90000046  }
0xb4: {  	s29 =	simm.s32 $0x9;
	_ =	strace $0x80000048  }
0xb5: {  	_ =	swait.ge [sflag:s29], $0x1  }
0xb6: {  	[sflag:s29] =	ssyncadd.s32 $0xFFFFFFFF  }
0xb7: {  	_ =	strace $0x90000048  }
0xb8: {  	_ =	sfence  }
0xb9: {  	s30 =	sld [smem:$0x0];
	_ =	sdelay $0x2  }
0xba: {  	s31 =	sshll.u32 s1, $0xD;
	s1 =	sshrl.u32 s1, $0x2  }
0xbb: {  	s3 =	sand.u32 $0x4000, s31;
	s1 =	sadd.s32 s1, s30  }
0xbc: {  	s0 =	sor.u32 s3, s0;
	s1 =	sshll.u32 s1, $0x11  }
0xbd: {  	s0 =	sor.u32 s1, s0  }
0xbe: {  	s0 =	sadd.s32 $0x8F2B, s0  }
0xbf: {  	[sflag:s0] =	ssyncadd.remote.s32 $0x1  }
0xc0: {  	_ =	sfence.sel $0xFFFF  }
0xc1: {  	[dreg:$0x0] =	wrdreg $0xFFFFFFFF;
	(pc) =	sbr.abs _section_cstart, $3  }
0xc2: {  	[dreg:$0x1] =	wrdreg $0xFFFFFFFF  }
0xc3: {  	_ =	task.clear_ibuf [dreg:s7], $0x2FFFF;
	_ =	strace $0x9FFFFFFF  }
0xc4: {  	(tm) =	ssettm $0x7FFFFFFF  }
0xc5: {  	_ =	shalt  }
tec
execute0_lowered:
.L_overlay_start_1:
0x0: {  	(tag) =	ssettag $0x1  }
0x1: {  	s0 =	rddreg [dreg:$0x0]  }
0x2: {  	s1 =	rddreg [dreg:$0x1]  }
0x3: {  	s2 =	srdreg.scid;
	s8 =	stileid.u32  }
0x4: {  	s3 =	rddreg [dreg:$0x2];
	s6 =	smul.u32 $0x2780, s8  }
0x5: {  	s4 =	rddreg [dreg:$0x3];
	s7 =	smul.u32 $0x2800, s8  }
0x6: {  	s28 =	simm.s32 $0xE900;
	s2 =	sand.u32 $0x1, s2;
	s8 =	smul.u32 $0xA000, s8  }
0x7: {  	s29 =	simm.s32 $0x2;
	s30 =	simm.s32 $0x2100;
	s5 =	smul.u32 $0x27800, s2  }
0x8: {  	s31 =	simm.s32 $0x80;
	s9 =	sadd.s32 $0x52800, s0;
	s11 =	smul.u32 $0xA0000, s2  }
0x9: {  	s15 =	sadd.s32 $0x2A800, s0;
	s14 =	ssub.s32 $0x2, s2;
	s2 =	smul.u32 $0x28000, s2  }
0xa: {  	s10 =	sshrl.u32 s14, $0x1;
	s19 =	sadd.s32 $0x2000, s8;
	s20 =	sadd.s32 $0x4000, s8  }
0xb: {  	s21 =	sadd.s32 $0x6000, s8;
	s22 =	sadd.s32 $0x8000, s8;
	s5 =	sadd.s32 s6, s5  }
0xc: {  	s6 =	ssub.s32 s14, s10;
	s16 =	sadd.s32 s8, s11;
	s12 =	sadd.s32 s11, s19  }
0xd: {  	s18 =	sadd.s32 s11, s20;
	s14 =	sadd.s32 s11, s21;
	s11 =	sadd.s32 s11, s22  }
0xe: {  	s2 =	sadd.s32 s7, s2;
	s19 =	sadd.s32 s19, s4;
	s20 =	sadd.s32 s20, s4  }
0xf: {  	s21 =	sadd.s32 s21, s4;
	s22 =	sadd.s32 s22, s4;
	s10 =	sshrl.u32 s16, $0x3  }
0x10: {  	s12 =	sshrl.u32 s12, $0x3;
	s14 =	sshrl.u32 s14, $0x3;
	s13 =	sadd.s32 s9, s10  }
0x11: {  	s24 =	sshrl.u32 s11, $0x3;
	s17 =	sadd.s32 s9, s12;
	[dreg:$0x5] =	wrdreg s13  }
0x12: {  	s5 =	sshrl.u32 s5, $0x3;
	s23 =	sadd.s32 s9, s14;
	[dreg:$0x6] =	wrdreg s17  }
0x13: {  	s2 =	sshrl.u32 s2, $0x3;
	s25 =	sadd.s32 s15, s10;
	[dreg:$0x8] =	wrdreg s23  }
0x14: {  	s26 =	sadd.s32 s15, s12;
	s5 =	sadd.s32 s5, s0;
	[dreg:$0xa] =	wrdreg s25  }
0x15: {  	s2 =	sadd.s32 s2, s0;
	s13 =	sshrl.u32 s18, $0x3;
	[dreg:$0xb] =	wrdreg s26  }
0x16: {  	s17 =	sadd.s32 s7, s3;
	s18 =	sadd.s32 s8, s4;
	s23 =	sadd.s32 $0x7A800, s2  }
0x17: {  	s25 =	sadd.s32 $0x16C00, s5;
	s26 =	sadd.s32 $0x20A00, s5;
	s2 =	simm.s32 $0x100  }
0x18: {  	s5 =	simm.s32 $0xE100;
	s16 =	sadd.s32 s9, s13;
	s9 =	sadd.s32 s9, s24  }
0x19: {  	s12 =	sadd.s32 s15, s13;
	s13 =	sadd.s32 s15, s14;
	[dreg:$0x7] =	wrdreg s16  }
0x1a: {  	s14 =	simm.s32 $0x0;
	s15 =	sadd.s32 s15, s24;
	[dreg:$0x9] =	wrdreg s9  }
0x1b: {  	s24 =	smax.u32 s6, $0x1;
	s6 =	simm.s32 $0x0;
	[smem:$0x7FF] =	sst s14  }
0x1c: {  	v0 =	vimm.f32 $0.0e+00;
	v1 =	vimm.f32 $1.000000000e+00;
	s16 =	sadd.s32 $0x2C00, s0;
	s0 =	simm.s32 $0x1;
	_ =	strace $0x80000047  }
.LBB2_1:
0x1d: {  	s7 =	sand.u32 $0x7F00, s14  }
0x1e: {  	s8 =	sand.u32 $0x30, s14;
	s9 =	sshrl.u32 s7, $0x2  }
0x1f: {  	s7 =	simm.s32 $0x40;
	s9 =	sor.u32 s8, s9;
	s8 =	simm.s32 $0x0  }
.LBB2_2:
0x20: {  	p0 =	sne.s32 s7, $0x7FC0  }
0x21: {  	[tilespmem:s9+$0x2100] =	vst v0;
	s8 =	sadd.s32 $0x10, s8;
	s9 =	smov.u32 s7;
	s7 =	sadd.s32 $0x40, s7  }
.Ltmp0:
0x22: {  	(pc) =	sbr.rel @p0 .LBB2_2-.Ltmp0, $4  }
0x23: {  	_ = 	snop  }
0x24: {  	s9 =	sand.u32 $0x7F00, s9  }
0x25: {  	s10 =	sand.u32 $0x30, s8;
	s9 =	sshrl.u32 s9, $0x2  }
0x26: {  	s9 =	sor.u32 s10, s9  }
0x27: {  	[tilespmem:s9+$0x2100] =	vst v0;
	s7 =	simm.s32 $0x40;
	s8 =	simm.s32 $0x0  }
.LBB2_4:
0x28: {  	p0 =	sne.s32 s7, $0x1FC0;
	[tilespmem:s8+$0xE100] =	vst v1;
	s8 =	smov.u32 s7;
	s7 =	sadd.s32 $0x40, s7  }
.Ltmp1:
0x29: {  	(pc) =	sbr.rel @p0 .LBB2_4-.Ltmp1, $2  }
0x2a: {  	_ =	sdelay $0x2  }
0x2b: {  	s8 =	sshra.s32 s8, $0x2  }
0x2c: {  	[tilespmem:s8+$0xE100] =	vst v1;
	s7 =	simm.s32 $0x40;
	s8 =	simm.s32 $0x0  }
.LBB2_6:
0x2d: {  	p0 =	sne.s32 s7, $0x9FC0;
	[tilespmem:s8+$0xE900] =	vst v0;
	s8 =	smov.u32 s7;
	s7 =	sadd.s32 $0x40, s7  }
.Ltmp2:
0x2e: {  	(pc) =	sbr.rel @p0 .LBB2_6-.Ltmp2, $2  }
0x2f: {  	_ =	sdelay $0x2  }
0x30: {  	s8 =	sshra.s32 s8, $0x2  }
0x31: {  	[tilespmem:s8+$0xE900] =	vst v0  }
0x32: {  	[spmem:s17] =	stream.linear.scatter [tilespmem:s28], [sflag:$0x2], $0x2800, $0x38;
	[tilespmem:$0x13900] =	vst v63  }
0x33: {  	_ =	swait.ge [sflag:s29], $0x2800  }
0x34: {  	[sflag:s29] =	ssyncset.done $0x0  }
0x35: {  	[sflag:s29] =	ssyncadd.s32 $0xFFFFD800  }
0x36: {  	[spmem:s18] =	stream.linear.scatter [tilespmem:s30], [sflag:$0x2], $0x2000, $0x38;
	[tilespmem:$0x13900] =	vst v63  }
0x37: {  	_ =	swait.ge [sflag:s29], $0x2000  }
0x38: {  	[sflag:s29] =	ssyncset.done $0x0  }
0x39: {  	[sflag:s29] =	ssyncadd.s32 $0xFFFFE000  }
0x3a: {  	[spmem:s19] =	stream.linear.scatter [tilespmem:s30], [sflag:$0x2], $0x2000, $0x38;
	[tilespmem:$0x13900] =	vst v63  }
0x3b: {  	_ =	swait.ge [sflag:s29], $0x2000  }
0x3c: {  	[sflag:s29] =	ssyncset.done $0x0  }
0x3d: {  	[sflag:s29] =	ssyncadd.s32 $0xFFFFE000  }
0x3e: {  	[spmem:s20] =	stream.linear.scatter [tilespmem:s30], [sflag:$0x2], $0x2000, $0x38;
	[tilespmem:$0x13900] =	vst v63  }
0x3f: {  	_ =	swait.ge [sflag:s29], $0x2000  }
0x40: {  	[sflag:s29] =	ssyncset.done $0x0  }
0x41: {  	[sflag:s29] =	ssyncadd.s32 $0xFFFFE000  }
0x42: {  	[spmem:s21] =	stream.linear.scatter [tilespmem:s30], [sflag:$0x2], $0x2000, $0x38;
	[tilespmem:$0x13900] =	vst v63  }
0x43: {  	_ =	swait.ge [sflag:s29], $0x2000  }
0x44: {  	[sflag:s29] =	ssyncset.done $0x0  }
0x45: {  	[sflag:s29] =	ssyncadd.s32 $0xFFFFE000  }
0x46: {  	[spmem:s22] =	stream.linear.scatter [tilespmem:s30], [sflag:$0x2], $0x2000, $0x38;
	[tilespmem:$0x13900] =	vst v63  }
0x47: {  	_ =	swait.ge [sflag:s29], $0x2000  }
0x48: {  	[sflag:s29] =	ssyncset.done $0x0  }
0x49: {  	[sflag:s29] =	ssyncadd.s32 $0xFFFFE000  }
0x4a: {  	s7 =	sadd.s32 $0x0, s26;
	[bflag:$0x0] =	sbarrier.arrive $0xFFFF  }
0x4b: {  	[tilespmem:s14], [sflag:$0x2] =	stream.linear.gather [hbm4b:s7+s14], $0x80, $0x38;
	[tilespmem:$0x13900] =	vst v63  }
0x4c: {  	_ =	swait.ge [sflag:s29], $0x80  }
0x4d: {  	[sflag:s29] =	ssyncset.done $0x0  }
0x4e: {  	s11 =	sadd.s32 $0x0, s25;
	[sflag:s29] =	ssyncadd.s32 $0xFFFFFF80  }
0x4f: {  	[tilespmem:s31], [sflag:$0x2] =	stream.linear.gather [hbm4b:s11+s14], $0x80, $0x38;
	[tilespmem:$0x13900] =	vst v63  }
0x50: {  	_ =	swait.ge [sflag:s29], $0x80  }
0x51: {  	[sflag:s29] =	ssyncset.done $0x0  }
0x52: {  	[sflag:s29] =	ssyncadd.s32 $0xFFFFFF80  }
0x53: {  	[tilespmem:s2], [sflag:$0x1] =	stream.indirect.gather [hbm4b:s1+s31], $0x40, s14, s31, $0xb8;
	[tilespmem:$0x13900] =	vst v63  }
0x54: {  	_ =	swait.ge [sflag:s0], $0x2000  }
0x55: {  	[sflag:s0] =	ssyncset.done $0x0  }
0x56: {  	[sflag:s0] =	ssyncadd.s32 $0xFFFFE000  }
0x57: {  	[spmem:s4] =	stream.indirect.scatter.add.f32 [tilespmem:s2], [sflag:$0x2], $0x40, s31, s31, $0xb8;
	[tilespmem:$0x13900] =	vst v63  }
0x58: {  	_ =	swait.ge [sflag:s29], $0x2000  }
0x59: {  	[sflag:s29] =	ssyncset.done $0x0  }
0x5a: {  	[sflag:s29] =	ssyncadd.s32 $0xFFFFE000  }
0x5b: {  	[spmem:s3] =	stream.indirect.scatter.add.f32 [tilespmem:s5], [sflag:$0x2], $0x10, s31, s31, $0xb8;
	[tilespmem:$0x13900] =	vst v63  }
0x5c: {  	_ =	swait.ge [sflag:s29], $0x800  }
0x5d: {  	s8 =	simm.s32 $0x20;
	s7 =	simm.s32 $0x10;
	[sflag:s29] =	ssyncset.done $0x0  }
.LBB2_8:
0x5e: {  	s9 =	sadd.s32 s7, s26  }
0x5f: {  	[sflag:s29] =	ssyncadd.s32 $0xFFFFF800;
	s10 =	smov.u32 s8;
	s11 =	sadd.s32 $0x10, s8  }
0x60: {  	[tilespmem:s14], [sflag:$0x2] =	stream.linear.gather [hbm4b:s9+s14], $0x80, $0x38;
	[tilespmem:$0x13900] =	vst v63  }
0x61: {  	p0 =	sne.s32 s8, $0x4E0;
	_ =	swait.ge [sflag:s29], $0x80  }
0x62: {  	[sflag:s29] =	ssyncset.done $0x0  }
0x63: {  	s8 =	sadd.s32 s7, s25;
	s7 =	smov.u32 s10;
	[sflag:s29] =	ssyncadd.s32 $0xFFFFFF80  }
0x64: {  	[tilespmem:s31], [sflag:$0x2] =	stream.linear.gather [hbm4b:s8+s14], $0x80, $0x38;
	[tilespmem:$0x13900] =	vst v63  }
0x65: {  	_ =	swait.ge [sflag:s29], $0x80  }
0x66: {  	[sflag:s29] =	ssyncset.done $0x0  }
0x67: {  	[sflag:s29] =	ssyncadd.s32 $0xFFFFFF80  }
0x68: {  	[tilespmem:s2], [sflag:$0x1] =	stream.indirect.gather [hbm4b:s1+s31], $0x40, s14, s31, $0xb8;
	[tilespmem:$0x13900] =	vst v63  }
0x69: {  	_ =	swait.ge [sflag:s0], $0x2000  }
0x6a: {  	[sflag:s0] =	ssyncset.done $0x0  }
0x6b: {  	[sflag:s0] =	ssyncadd.s32 $0xFFFFE000  }
0x6c: {  	[spmem:s4] =	stream.indirect.scatter.add.f32 [tilespmem:s2], [sflag:$0x2], $0x40, s31, s31, $0xb8;
	[tilespmem:$0x13900] =	vst v63  }
0x6d: {  	_ =	swait.ge [sflag:s29], $0x2000  }
.Ltmp3:
0x6e: {  	[sflag:s29] =	ssyncset.done $0x0;
	(pc) =	sbr.rel @p0 .LBB2_8-.Ltmp3, $4  }
0x6f: {  	[sflag:s29] =	ssyncadd.s32 $0xFFFFE000  }
0x70: {  	[spmem:s3] =	stream.indirect.scatter.add.f32 [tilespmem:s5], [sflag:$0x2], $0x10, s31, s31, $0xb8;
	[tilespmem:$0x13900] =	vst v63  }
0x71: {  	_ =	swait.ge [sflag:s29], $0x800  }
0x72: {  	s8 =	smov.u32 s11;
	[sflag:s29] =	ssyncset.done $0x0  }
0x73: {  	s8 =	sadd.s32 s7, s26;
	[sflag:s29] =	ssyncadd.s32 $0xFFFFF800  }
0x74: {  	[tilespmem:s14], [sflag:$0x2] =	stream.linear.gather [hbm4b:s8+s14], $0x80, $0x38;
	[tilespmem:$0x13900] =	vst v63  }
0x75: {  	_ =	swait.ge [sflag:s29], $0x80  }
0x76: {  	[sflag:s29] =	ssyncset.done $0x0  }
0x77: {  	s10 =	sadd.s32 s7, s25;
	[sflag:s29] =	ssyncadd.s32 $0xFFFFFF80  }
0x78: {  	[tilespmem:s31], [sflag:$0x2] =	stream.linear.gather [hbm4b:s10+s14], $0x80, $0x38;
	[tilespmem:$0x13900] =	vst v63  }
0x79: {  	_ =	swait.ge [sflag:s29], $0x80  }
0x7a: {  	[sflag:s29] =	ssyncset.done $0x0  }
0x7b: {  	[sflag:s29] =	ssyncadd.s32 $0xFFFFFF80  }
0x7c: {  	[tilespmem:s2], [sflag:$0x1] =	stream.indirect.gather [hbm4b:s1+s31], $0x40, s14, s31, $0xb8;
	[tilespmem:$0x13900] =	vst v63  }
0x7d: {  	_ =	swait.ge [sflag:s0], $0x2000  }
0x7e: {  	[sflag:s0] =	ssyncset.done $0x0  }
0x7f: {  	[sflag:s0] =	ssyncadd.s32 $0xFFFFE000  }
0x80: {  	[spmem:s4] =	stream.indirect.scatter.add.f32 [tilespmem:s2], [sflag:$0x2], $0x40, s31, s31, $0xb8;
	[tilespmem:$0x13900] =	vst v63  }
0x81: {  	_ =	swait.ge [sflag:s29], $0x2000  }
0x82: {  	[sflag:s29] =	ssyncset.done $0x0  }
0x83: {  	[sflag:s29] =	ssyncadd.s32 $0xFFFFE000  }
0x84: {  	[spmem:s3] =	stream.indirect.scatter.add.f32 [tilespmem:s5], [sflag:$0x2], $0x10, s31, s31, $0xb8;
	[tilespmem:$0x13900] =	vst v63  }
0x85: {  	_ =	swait.ge [sflag:s29], $0x800  }
0x86: {  	[sflag:s29] =	ssyncset.done $0x0  }
0x87: {  	[sflag:s29] =	ssyncadd.s32 $0xFFFFF800  }
0x88: {  	[bflag:$0x0] =	sbarrier.arrive $0xFFFF  }
0x89: {  	[tilespmem:s2], [sflag:$0x2] =	stream.linear.gather [spmem:s18], $0x2000, $0x38;
	[tilespmem:$0x13900] =	vst v63  }
0x8a: {  	_ =	swait.ge [sflag:s29], $0x2000  }
0x8b: {  	[sflag:s29] =	ssyncset.done $0x0  }
0x8c: {  	s7 =	simm.s32 $0x0;
	s11 =	rddreg [dreg:$0x5];
	[sflag:s29] =	ssyncadd.s32 $0xFFFFE000  }
0x8d: {  	[hbm4b:s11+s7] =	stream.linear.scatter [tilespmem:s2], [sflag:$0x2], $0x2000, $0x38;
	[tilespmem:$0x13900] =	vst v63  }
0x8e: {  	_ =	swait.ge [sflag:s29], $0x2000  }
0x8f: {  	[sflag:s29] =	ssyncset.done $0x0  }
0x90: {  	[sflag:s29] =	ssyncadd.s32 $0xFFFFE000  }
0x91: {  	[tilespmem:s2], [sflag:$0x2] =	stream.linear.gather [spmem:s19], $0x2000, $0x38;
	[tilespmem:$0x13900] =	vst v63  }
0x92: {  	_ =	swait.ge [sflag:s29], $0x2000  }
0x93: {  	[sflag:s29] =	ssyncset.done $0x0  }
0x94: {  	s9 =	rddreg [dreg:$0x6];
	[sflag:s29] =	ssyncadd.s32 $0xFFFFE000  }
0x95: {  	[hbm4b:s9+s7] =	stream.linear.scatter [tilespmem:s2], [sflag:$0x2], $0x2000, $0x38;
	[tilespmem:$0x13900] =	vst v63  }
0x96: {  	_ =	swait.ge [sflag:s29], $0x2000  }
0x97: {  	[sflag:s29] =	ssyncset.done $0x0  }
0x98: {  	[sflag:s29] =	ssyncadd.s32 $0xFFFFE000  }
0x99: {  	[tilespmem:s2], [sflag:$0x2] =	stream.linear.gather [spmem:s20], $0x2000, $0x38;
	[tilespmem:$0x13900] =	vst v63  }
0x9a: {  	_ =	swait.ge [sflag:s29], $0x2000  }
0x9b: {  	[sflag:s29] =	ssyncset.done $0x0  }
0x9c: {  	s10 =	rddreg [dreg:$0x7];
	[sflag:s29] =	ssyncadd.s32 $0xFFFFE000  }
0x9d: {  	[hbm4b:s10+s7] =	stream.linear.scatter [tilespmem:s2], [sflag:$0x2], $0x2000, $0x38;
	[tilespmem:$0x13900] =	vst v63  }
0x9e: {  	_ =	swait.ge [sflag:s29], $0x2000  }
0x9f: {  	[sflag:s29] =	ssyncset.done $0x0  }
0xa0: {  	[sflag:s29] =	ssyncadd.s32 $0xFFFFE000  }
0xa1: {  	[tilespmem:s2], [sflag:$0x2] =	stream.linear.gather [spmem:s21], $0x2000, $0x38;
	[tilespmem:$0x13900] =	vst v63  }
0xa2: {  	_ =	swait.ge [sflag:s29], $0x2000  }
0xa3: {  	[sflag:s29] =	ssyncset.done $0x0  }
0xa4: {  	s11 =	rddreg [dreg:$0x8];
	[sflag:s29] =	ssyncadd.s32 $0xFFFFE000  }
0xa5: {  	[hbm4b:s11+s7] =	stream.linear.scatter [tilespmem:s2], [sflag:$0x2], $0x2000, $0x38;
	[tilespmem:$0x13900] =	vst v63  }
0xa6: {  	_ =	swait.ge [sflag:s29], $0x2000  }
0xa7: {  	[sflag:s29] =	ssyncset.done $0x0  }
0xa8: {  	[sflag:s29] =	ssyncadd.s32 $0xFFFFE000  }
0xa9: {  	[tilespmem:s2], [sflag:$0x2] =	stream.linear.gather [spmem:s22], $0x2000, $0x38;
	[tilespmem:$0x13900] =	vst v63  }
0xaa: {  	_ =	swait.ge [sflag:s29], $0x2000  }
0xab: {  	[sflag:s29] =	ssyncset.done $0x0  }
0xac: {  	s9 =	rddreg [dreg:$0x9];
	[sflag:s29] =	ssyncadd.s32 $0xFFFFE000  }
0xad: {  	[hbm4b:s9+s7] =	stream.linear.scatter [tilespmem:s2], [sflag:$0x2], $0x2000, $0x38;
	[tilespmem:$0x13900] =	vst v63  }
0xae: {  	_ =	swait.ge [sflag:s29], $0x2000  }
0xaf: {  	[sflag:s29] =	ssyncset.done $0x0  }
0xb0: {  	[sflag:s29] =	ssyncadd.s32 $0xFFFFE000  }
0xb1: {  	[tilespmem:s28], [sflag:$0x2] =	stream.linear.gather [spmem:s17], $0x2800, $0x38;
	[tilespmem:$0x13900] =	vst v63  }
0xb2: {  	_ =	swait.ge [sflag:s29], $0x2800  }
0xb3: {  	[sflag:s29] =	ssyncset.done $0x0  }
0xb4: {  	[sflag:s29] =	ssyncadd.s32 $0xFFFFD800  }
0xb5: {  	[hbm4b:s23+s7] =	stream.linear.scatter [tilespmem:s28], [sflag:$0x2], $0x2800, $0x38;
	[tilespmem:$0x13900] =	vst v63  }
0xb6: {  	_ =	swait.ge [sflag:s29], $0x2800  }
0xb7: {  	[sflag:s29] =	ssyncset.done $0x0  }
0xb8: {  	[sflag:s29] =	ssyncadd.s32 $0xFFFFD800  }
0xb9: {  	[bflag:$0x0] =	sbarrier.arrive $0xFFFF  }
0xba: {  	[spmem:s18] =	stream.linear.scatter [tilespmem:s30], [sflag:$0x2], $0x2000, $0x38;
	[tilespmem:$0x13900] =	vst v63  }
0xbb: {  	_ =	swait.ge [sflag:s29], $0x2000  }
0xbc: {  	[sflag:s29] =	ssyncset.done $0x0  }
0xbd: {  	[sflag:s29] =	ssyncadd.s32 $0xFFFFE000  }
0xbe: {  	[spmem:s19] =	stream.linear.scatter [tilespmem:s30], [sflag:$0x2], $0x2000, $0x38;
	[tilespmem:$0x13900] =	vst v63  }
0xbf: {  	_ =	swait.ge [sflag:s29], $0x2000  }
0xc0: {  	[sflag:s29] =	ssyncset.done $0x0  }
0xc1: {  	[sflag:s29] =	ssyncadd.s32 $0xFFFFE000  }
0xc2: {  	[spmem:s20] =	stream.linear.scatter [tilespmem:s30], [sflag:$0x2], $0x2000, $0x38;
	[tilespmem:$0x13900] =	vst v63  }
0xc3: {  	_ =	swait.ge [sflag:s29], $0x2000  }
0xc4: {  	[sflag:s29] =	ssyncset.done $0x0  }
0xc5: {  	[sflag:s29] =	ssyncadd.s32 $0xFFFFE000  }
0xc6: {  	[spmem:s21] =	stream.linear.scatter [tilespmem:s30], [sflag:$0x2], $0x2000, $0x38;
	[tilespmem:$0x13900] =	vst v63  }
0xc7: {  	_ =	swait.ge [sflag:s29], $0x2000  }
0xc8: {  	[sflag:s29] =	ssyncset.done $0x0  }
0xc9: {  	[sflag:s29] =	ssyncadd.s32 $0xFFFFE000  }
0xca: {  	[spmem:s22] =	stream.linear.scatter [tilespmem:s30], [sflag:$0x2], $0x2000, $0x38;
	[tilespmem:$0x13900] =	vst v63  }
0xcb: {  	_ =	swait.ge [sflag:s29], $0x2000  }
0xcc: {  	[sflag:s29] =	ssyncset.done $0x0  }
0xcd: {  	[sflag:s29] =	ssyncadd.s32 $0xFFFFE000  }
0xce: {  	s10 =	sadd.s32 $0x0, s26;
	[bflag:$0x0] =	sbarrier.arrive $0xFFFF  }
0xcf: {  	[tilespmem:s14], [sflag:$0x2] =	stream.linear.gather [hbm4b:s10+s14], $0x80, $0x38;
	[tilespmem:$0x13900] =	vst v63  }
0xd0: {  	_ =	swait.ge [sflag:s29], $0x80  }
0xd1: {  	[sflag:s29] =	ssyncset.done $0x0  }
0xd2: {  	s11 =	sadd.s32 $0x0, s25;
	[sflag:s29] =	ssyncadd.s32 $0xFFFFFF80  }
0xd3: {  	[tilespmem:s31], [sflag:$0x2] =	stream.linear.gather [hbm4b:s11+s14], $0x80, $0x38;
	[tilespmem:$0x13900] =	vst v63  }
0xd4: {  	_ =	swait.ge [sflag:s29], $0x80  }
0xd5: {  	[sflag:s29] =	ssyncset.done $0x0  }
0xd6: {  	[sflag:s29] =	ssyncadd.s32 $0xFFFFFF80  }
0xd7: {  	[tilespmem:s2], [sflag:$0x1] =	stream.indirect.gather [hbm4b:s16+s31], $0x40, s14, s31, $0xb8;
	[tilespmem:$0x13900] =	vst v63  }
0xd8: {  	_ =	swait.ge [sflag:s0], $0x2000  }
0xd9: {  	[sflag:s0] =	ssyncset.done $0x0  }
0xda: {  	[sflag:s0] =	ssyncadd.s32 $0xFFFFE000  }
0xdb: {  	[spmem:s4] =	stream.indirect.scatter.add.f32 [tilespmem:s2], [sflag:$0x2], $0x40, s31, s31, $0xb8;
	[tilespmem:$0x13900] =	vst v63  }
0xdc: {  	_ =	swait.ge [sflag:s29], $0x2000  }
0xdd: {  	s8 =	simm.s32 $0x20;
	s7 =	simm.s32 $0x10;
	[sflag:s29] =	ssyncset.done $0x0  }
.LBB2_10:
0xde: {  	s9 =	sadd.s32 s7, s26  }
0xdf: {  	[sflag:s29] =	ssyncadd.s32 $0xFFFFE000;
	s10 =	smov.u32 s8;
	s11 =	sadd.s32 $0x10, s8  }
0xe0: {  	[tilespmem:s14], [sflag:$0x2] =	stream.linear.gather [hbm4b:s9+s14], $0x80, $0x38;
	[tilespmem:$0x13900] =	vst v63  }
0xe1: {  	p0 =	sne.s32 s8, $0x4E0;
	_ =	swait.ge [sflag:s29], $0x80  }
0xe2: {  	[sflag:s29] =	ssyncset.done $0x0  }
0xe3: {  	s8 =	sadd.s32 s7, s25;
	s7 =	smov.u32 s10;
	[sflag:s29] =	ssyncadd.s32 $0xFFFFFF80  }
0xe4: {  	[tilespmem:s31], [sflag:$0x2] =	stream.linear.gather [hbm4b:s8+s14], $0x80, $0x38;
	[tilespmem:$0x13900] =	vst v63  }
0xe5: {  	_ =	swait.ge [sflag:s29], $0x80  }
0xe6: {  	[sflag:s29] =	ssyncset.done $0x0  }
0xe7: {  	[sflag:s29] =	ssyncadd.s32 $0xFFFFFF80  }
0xe8: {  	[tilespmem:s2], [sflag:$0x1] =	stream.indirect.gather [hbm4b:s16+s31], $0x40, s14, s31, $0xb8;
	[tilespmem:$0x13900] =	vst v63  }
0xe9: {  	_ =	swait.ge [sflag:s0], $0x2000  }
.Ltmp4:
0xea: {  	[sflag:s0] =	ssyncset.done $0x0;
	(pc) =	sbr.rel @p0 .LBB2_10-.Ltmp4, $4  }
0xeb: {  	[sflag:s0] =	ssyncadd.s32 $0xFFFFE000  }
0xec: {  	[spmem:s4] =	stream.indirect.scatter.add.f32 [tilespmem:s2], [sflag:$0x2], $0x40, s31, s31, $0xb8;
	[tilespmem:$0x13900] =	vst v63  }
0xed: {  	_ =	swait.ge [sflag:s29], $0x2000  }
0xee: {  	s8 =	smov.u32 s11;
	[sflag:s29] =	ssyncset.done $0x0  }
0xef: {  	s8 =	sadd.s32 s7, s26;
	[sflag:s29] =	ssyncadd.s32 $0xFFFFE000  }
0xf0: {  	[tilespmem:s14], [sflag:$0x2] =	stream.linear.gather [hbm4b:s8+s14], $0x80, $0x38;
	[tilespmem:$0x13900] =	vst v63  }
0xf1: {  	_ =	swait.ge [sflag:s29], $0x80  }
0xf2: {  	[sflag:s29] =	ssyncset.done $0x0  }
0xf3: {  	s9 =	sadd.s32 s7, s25;
	[sflag:s29] =	ssyncadd.s32 $0xFFFFFF80  }
0xf4: {  	[tilespmem:s31], [sflag:$0x2] =	stream.linear.gather [hbm4b:s9+s14], $0x80, $0x38;
	[tilespmem:$0x13900] =	vst v63  }
0xf5: {  	_ =	swait.ge [sflag:s29], $0x80  }
0xf6: {  	[sflag:s29] =	ssyncset.done $0x0  }
0xf7: {  	[sflag:s29] =	ssyncadd.s32 $0xFFFFFF80  }
0xf8: {  	[tilespmem:s2], [sflag:$0x1] =	stream.indirect.gather [hbm4b:s16+s31], $0x40, s14, s31, $0xb8;
	[tilespmem:$0x13900] =	vst v63  }
0xf9: {  	_ =	swait.ge [sflag:s0], $0x2000  }
0xfa: {  	[sflag:s0] =	ssyncset.done $0x0  }
0xfb: {  	[sflag:s0] =	ssyncadd.s32 $0xFFFFE000  }
0xfc: {  	[spmem:s4] =	stream.indirect.scatter.add.f32 [tilespmem:s2], [sflag:$0x2], $0x40, s31, s31, $0xb8;
	[tilespmem:$0x13900] =	vst v63  }
0xfd: {  	_ =	swait.ge [sflag:s29], $0x2000  }
0xfe: {  	[sflag:s29] =	ssyncset.done $0x0  }
0xff: {  	[sflag:s29] =	ssyncadd.s32 $0xFFFFE000  }
0x100: {  	[bflag:$0x0] =	sbarrier.arrive $0xFFFF  }
0x101: {  	[tilespmem:s2], [sflag:$0x2] =	stream.linear.gather [spmem:s18], $0x2000, $0x38;
	[tilespmem:$0x13900] =	vst v63  }
0x102: {  	_ =	swait.ge [sflag:s29], $0x2000  }
0x103: {  	[sflag:s29] =	ssyncset.done $0x0  }
0x104: {  	s10 =	rddreg [dreg:$0xa];
	[sflag:s29] =	ssyncadd.s32 $0xFFFFE000  }
0x105: {  	[hbm4b:s10+s14] =	stream.linear.scatter [tilespmem:s2], [sflag:$0x2], $0x2000, $0x38;
	[tilespmem:$0x13900] =	vst v63  }
0x106: {  	_ =	swait.ge [sflag:s29], $0x2000  }
0x107: {  	[sflag:s29] =	ssyncset.done $0x0  }
0x108: {  	[sflag:s29] =	ssyncadd.s32 $0xFFFFE000  }
0x109: {  	[tilespmem:s2], [sflag:$0x2] =	stream.linear.gather [spmem:s19], $0x2000, $0x38;
	[tilespmem:$0x13900] =	vst v63  }
0x10a: {  	_ =	swait.ge [sflag:s29], $0x2000  }
0x10b: {  	[sflag:s29] =	ssyncset.done $0x0  }
0x10c: {  	s11 =	rddreg [dreg:$0xb];
	[sflag:s29] =	ssyncadd.s32 $0xFFFFE000  }
0x10d: {  	[hbm4b:s11+s14] =	stream.linear.scatter [tilespmem:s2], [sflag:$0x2], $0x2000, $0x38;
	[tilespmem:$0x13900] =	vst v63  }
0x10e: {  	_ =	swait.ge [sflag:s29], $0x2000  }
0x10f: {  	[sflag:s29] =	ssyncset.done $0x0  }
0x110: {  	[sflag:s29] =	ssyncadd.s32 $0xFFFFE000  }
0x111: {  	[tilespmem:s2], [sflag:$0x2] =	stream.linear.gather [spmem:s20], $0x2000, $0x38;
	[tilespmem:$0x13900] =	vst v63  }
0x112: {  	_ =	swait.ge [sflag:s29], $0x2000  }
0x113: {  	[sflag:s29] =	ssyncset.done $0x0  }
0x114: {  	[sflag:s29] =	ssyncadd.s32 $0xFFFFE000  }
0x115: {  	[hbm4b:s12+s14] =	stream.linear.scatter [tilespmem:s2], [sflag:$0x2], $0x2000, $0x38;
	[tilespmem:$0x13900] =	vst v63  }
0x116: {  	_ =	swait.ge [sflag:s29], $0x2000  }
0x117: {  	[sflag:s29] =	ssyncset.done $0x0  }
0x118: {  	[sflag:s29] =	ssyncadd.s32 $0xFFFFE000  }
0x119: {  	[tilespmem:s2], [sflag:$0x2] =	stream.linear.gather [spmem:s21], $0x2000, $0x38;
	[tilespmem:$0x13900] =	vst v63  }
0x11a: {  	_ =	swait.ge [sflag:s29], $0x2000  }
0x11b: {  	[sflag:s29] =	ssyncset.done $0x0  }
0x11c: {  	[sflag:s29] =	ssyncadd.s32 $0xFFFFE000  }
0x11d: {  	[hbm4b:s13+s14] =	stream.linear.scatter [tilespmem:s2], [sflag:$0x2], $0x2000, $0x38;
	[tilespmem:$0x13900] =	vst v63  }
0x11e: {  	_ =	swait.ge [sflag:s29], $0x2000  }
0x11f: {  	[sflag:s29] =	ssyncset.done $0x0  }
0x120: {  	[sflag:s29] =	ssyncadd.s32 $0xFFFFE000  }
0x121: {  	[tilespmem:s2], [sflag:$0x2] =	stream.linear.gather [spmem:s22], $0x2000, $0x38;
	[tilespmem:$0x13900] =	vst v63  }
0x122: {  	s6 =	sadd.s32 $0x1, s6;
	_ =	swait.ge [sflag:s29], $0x2000  }
0x123: {  	p0 =	sne.s32 s6, s24;
	[sflag:s29] =	ssyncset.done $0x0  }
.Ltmp5:
0x124: {  	[sflag:s29] =	ssyncadd.s32 $0xFFFFE000;
	(pc) =	sbr.rel @p0 .LBB2_1-.Ltmp5, $4  }
0x125: {  	[hbm4b:s15+s14] =	stream.linear.scatter [tilespmem:s2], [sflag:$0x2], $0x2000, $0x38;
	[tilespmem:$0x13900] =	vst v63  }
0x126: {  	_ =	swait.ge [sflag:s29], $0x2000  }
0x127: {  	[sflag:s29] =	ssyncset.done $0x0  }
0x128: {  	[sflag:s29] =	ssyncadd.s32 $0xFFFFE000  }
0x129: {  	_ =	sfence.sel $0x180000  }
0x12a: {  	[bflag:$0x0] =	sbarrier.arrive $0xFFFF  }
0x12b: {  	_ =	strace $0x90000047  }
0x12c: {  	s0 =	stileid.u32;
	[bflag:$0x2] =	sbarrier.arrive $0xFFFF  }
0x12d: {  	p0 =	sne.s32 s0, $0x0;
	s0 =	rddreg [dreg:$0x4]  }
0x12e: {  	s0 =	sadd.s32 @!p0 $0x100000, s0  }
0x12f: {  	[sflag:s0] =	ssyncadd.tile.s32 @!p0 $0x1;
	_ =	shalt  }
.Lfunc_end2:
_tile_overlayer_lowered:
.L_overlay_start_2:
0x130: {  	(tag) =	ssettag $0x2  }
0x131: {  	s0 =	rddreg [dreg:$0x0];
	s2 =	stileid.u32  }
0x132: {  	s1 =	rddreg [dreg:$0x1];
	p0 =	sne.s32 s2, $0x0  }
0x133: {  	s3 =	rddreg [dreg:$0x2];
	[bflag:$0x3] =	sbarrier.arrive $0xFFFF;
	s2 =	simm.s32 @!p0 $0x1C02  }
0x134: {  	[timem:s3], [sflag:s2] =	dma.local @!p0 [hbm:s0], s1  }
0x135: {  	s0 =	simm.s32 @!p0 $0x2  }
0x136: {  	_ =	swait.ge @!p0 [sflag:s0], s1  }
0x137: {  	s1 =	ssub.s32 @!p0 $0x0, s1;
	[sflag:s0] =	ssyncset.done @!p0 $0x0  }
0x138: {  	[sflag:s0] =	ssyncadd.s32 @!p0 s1  }
0x139: {  	[bflag:$0x3] =	sbarrier.arrive $0xFFFF  }
0x13a: {  	_ =	shalt  }

// kernel: kernel.9.cloned.1.call-start
scs
__scs_entry_jumppad:
0x0: {  	(pc) =	sbr.rel $0x88, $3  }
0x1: {  	(tag) =	ssettag $0x0;
	lr =	simm.s32 $0x1  }
0x2: {  	[smem:$0x3F99] =	sst lr;
	_ =	strace $0xD0000000  }
0x3: {  	_ = 	snop  }
0x4: {  	_ = 	snop  }
0x5: {  	_ = 	snop  }
0x6: {  	_ = 	snop  }
0x7: {  	_ = 	snop  }
__scs_overlays_trampoline_lowered:
0x8: {  	[smem:$0x3FA8] =	sst s0  }
0x9: {  	[smem:$0x3FA9] =	sst s1  }
0xa: {  	[smem:$0x3FAA] =	sst s2  }
0xb: {  	[smem:$0x3FAB] =	sst s3  }
0xc: {  	[smem:$0x3FAC] =	sst s4  }
0xd: {  	[smem:$0x3FAD] =	sst s5  }
0xe: {  	[smem:$0x3FAE] =	sst s6  }
0xf: {  	[smem:$0x3FAF] =	sst s7  }
0x10: {  	[smem:$0x3FB0] =	sst s8  }
0x11: {  	[smem:$0x3FB1] =	sst s9;
	s0 =	simm.s32 @!p0 $0x0  }
0x12: {  	s1 =	sld [smem:$0x3F97];
	s0 =	simm.s32 @p0 $0x1  }
0x13: {  	[smem:$0x3FB2] =	sst s0;
	s0 =	simm.s32 @!p1 $0x0  }
0x14: {  	s2 =	sld [smem:$0x3F96];
	s0 =	simm.s32 @p1 $0x1  }
0x15: {  	[smem:$0x3FB3] =	sst s0;
	s0 =	simm.s32 @!p2 $0x0  }
0x16: {  	s3 =	sld [smem:$0x3FDB];
	s0 =	simm.s32 @p2 $0x1  }
0x17: {  	s4 =	simm.s32 $0x1BF5;
	[smem:$0x3FB5] =	sst s0  }
0x18: {  	s0 =	sld [smem:$0x3F98];
	_ =	swait.ge [sflag:s4], $0x0  }
0x19: {  	s7 =	sld [smem:$0x3F99]  }
0x1a: {  	s8 =	sadd.s32 $0xFFFFE003, lr  }
0x1b: {  	s9 =	sadd.s32 $0xFFFFFEF7, lr;
	s5 =	simm.s32 $0xFFFFFFFF;
	p2 =	slt.u32 s8, $0xFFFFF086  }
0x1c: {  	p1 =	slt.u32 s9, $0xF7A;
	s5 =	simm.s32 @!p2 $0x0  }
0x1d: {  	s5 =	simm.s32 @p1 $0x1;
	p0 =	seq.s32 s7, s2  }
0x1e: {  	s7 =	smul.u32 @!p0 $0xF7A, s2;
	p2 =	seq.s32 @!p0 s5, $0x0  }
0x1f: {  	s9 =	smul.u32 $0xF7A, s1;
	s8 =	simm.s32 @!p0 $0x1BF5;
	p2 =	por !p2, p0  }
0x20: {  	[sflag:s8] =	ssyncset.s32 @!p0 $0xFFFFF086;
	s6 =	sadd.s32 @!p0 s3, s7;
	s7 =	simm.s32 @!p0 $0x108  }
0x21: {  	s3 =	sadd.s32 s3, s9;
	s6 =	sadd.s32 @!p0 $0x88, s6;
	s7 =	simm.s32 @p2 $0x1082  }
0x22: {  	[simem:s7], [sflag:s8] =	dma.local @!p0 [hbm:s6], $0xF7A  }
0x23: {  	s9 =	sor.u32 $0xD0000000, s2;
	s6 =	simm.s32 $0x108;
	_ =	swait.ge @!p0 [sflag:s8], $0x0  }
0x24: {  	s3 =	sadd.s32 $0x88, s3;
	s6 =	simm.s32 @!p1 $0x1082;
	[sflag:s4] =	ssyncset.s32 $0xFFFFF086  }
0x25: {  	[simem:s6], [sflag:s4] =	dma.local [hbm:s3], $0xF7A  }
0x26: {  	[smem:$0x3F99] =	sst s1;
	(tag) =	ssettag s2;
	_ =	strace s9  }
0x27: {  	s1 =	sld [smem:$0x3FA9]  }
0x28: {  	s2 =	sld [smem:$0x3FAA]  }
0x29: {  	s4 =	sld [smem:$0x3FAC]  }
0x2a: {  	p0 =	seq.s32 s5, $0x0;
	s5 =	sld [smem:$0x3FAD]  }
0x2b: {  	s6 =	sld [smem:$0x3FAE]  }
0x2c: {  	s7 =	sld [smem:$0x3FAF]  }
0x2d: {  	s3 =	simm.s32 $0x108;
	s8 =	sld [smem:$0x3FB0]  }
0x2e: {  	s3 =	simm.s32 @!p0 $0x1082;
	s9 =	sld [smem:$0x3FB1]  }
0x2f: {  	lr =	sadd.s32 s0, s3;
	s0 =	sld [smem:$0x3FA8]  }
0x30: {  	s3 =	sld [smem:$0x3FAB]  }
0x31: {  	[smem:$0x3FB4] =	sst s10  }
0x32: {  	s10 =	sld [smem:$0x3FB2];
	_ =	sdelay $0x3  }
0x33: {  	p0 =	seq.s32 s10, $0x1;
	s10 =	sld [smem:$0x3FB4];
	_ =	sdelay $0x3  }
0x34: {  	[smem:$0x3FB4] =	sst s10  }
0x35: {  	s10 =	sld [smem:$0x3FB3];
	_ =	sdelay $0x3  }
0x36: {  	p1 =	seq.s32 s10, $0x1;
	s10 =	sld [smem:$0x3FB4];
	_ =	sdelay $0x3  }
0x37: {  	[smem:$0x3FB4] =	sst s10  }
0x38: {  	s10 =	sld [smem:$0x3FB5]  }
0x39: {  	_ = 	snop;
	(pc) =	sbr.ind lr, $3  }
0x3a: {  	_ = 	snop  }
0x3b: {  	_ = 	snop  }
0x3c: {  	p2 =	seq.s32 s10, $0x1;
	s10 =	sld [smem:$0x3FB4]  }
0x3d: {  	_ =	shalt  }
0x3e: {  	_ =	shalt  }
0x3f: {  	_ =	shalt  }
0x40: {  	_ =	shalt  }
0x41: {  	_ =	shalt  }
0x42: {  	_ =	shalt  }
0x43: {  	_ =	shalt  }
0x44: {  	_ =	shalt  }
0x45: {  	_ =	shalt  }
0x46: {  	_ =	shalt  }
0x47: {  	_ =	shalt  }
0x48: {  	_ =	shalt  }
0x49: {  	_ =	shalt  }
0x4a: {  	_ =	shalt  }
0x4b: {  	_ =	shalt  }
0x4c: {  	_ =	shalt  }
0x4d: {  	_ =	shalt  }
0x4e: {  	_ =	shalt  }
0x4f: {  	_ =	shalt  }
0x50: {  	_ =	shalt  }
0x51: {  	_ =	shalt  }
0x52: {  	_ =	shalt  }
0x53: {  	_ =	shalt  }
0x54: {  	_ =	shalt  }
0x55: {  	_ =	shalt  }
0x56: {  	_ =	shalt  }
0x57: {  	_ =	shalt  }
0x58: {  	_ =	shalt  }
0x59: {  	_ =	shalt  }
0x5a: {  	_ =	shalt  }
0x5b: {  	_ =	shalt  }
0x5c: {  	_ =	shalt  }
0x5d: {  	_ =	shalt  }
0x5e: {  	_ =	shalt  }
0x5f: {  	_ =	shalt  }
0x60: {  	_ =	shalt  }
0x61: {  	_ =	shalt  }
0x62: {  	_ =	shalt  }
0x63: {  	_ =	shalt  }
0x64: {  	_ =	shalt  }
0x65: {  	_ =	shalt  }
0x66: {  	_ =	shalt  }
0x67: {  	_ =	shalt  }
0x68: {  	_ =	shalt  }
0x69: {  	_ =	shalt  }
0x6a: {  	_ =	shalt  }
0x6b: {  	_ =	shalt  }
0x6c: {  	_ =	shalt  }
0x6d: {  	_ =	shalt  }
0x6e: {  	_ =	shalt  }
0x6f: {  	_ =	shalt  }
0x70: {  	_ =	shalt  }
0x71: {  	_ =	shalt  }
0x72: {  	_ =	shalt  }
0x73: {  	_ =	shalt  }
0x74: {  	_ =	shalt  }
0x75: {  	_ =	shalt  }
0x76: {  	_ =	shalt  }
0x77: {  	_ =	shalt  }
0x78: {  	_ =	shalt  }
0x79: {  	_ =	shalt  }
0x7a: {  	_ =	shalt  }
0x7b: {  	_ =	shalt  }
0x7c: {  	_ =	shalt  }
0x7d: {  	_ =	shalt  }
0x7e: {  	_ =	shalt  }
0x7f: {  	_ =	shalt  }
0x80: {  	_ =	shalt  }
0x81: {  	_ =	shalt  }
0x82: {  	_ =	shalt  }
0x83: {  	_ =	shalt  }
0x84: {  	_ =	shalt  }
0x85: {  	_ =	shalt  }
0x86: {  	_ =	shalt  }
0x87: {  	_ =	shalt  }
.Lfunc_end0:
.L_simem_size_0:
called_computation.1_lowered:
.L_overlay_start_0:
0x88: {  	s2 =	sld [smem:$0x3FD9]  }
0x89: {  	s3 =	sld [smem:$0x3FFE];
	_ =	sdelay $0x1  }
0x8a: {  	s1 =	srdreg.scid  }
0x8b: {  	s0 =	sand.u32 $0x1, s1  }
0x8c: {  	s17 =	sshll.u32 s0, $0xA;
	s2 =	sadd.s32 s3, s2  }
0x8d: {  	s2 =	sadd.s32 s2, s17  }
0x8e: {  	[smem:$0x3FC0] =	sst s2  }
0x8f: {  	_ = 	snop  }
0x90: {  	s2 =	sld [smem:$0x3FD0];
	(tm) =	ssettm $0x1  }
0x91: {  	s18 =	sld [smem:$0x3FFB];
	_ =	sdelay $0x3  }
0x92: {  	_ =	strace s18  }
0x93: {  	s3 =	sld [smem:$0x3FFC];
	_ =	sdelay $0x3  }
0x94: {  	_ =	strace s3  }
0x95: {  	s3 =	sld [smem:$0x3FFD];
	_ =	sdelay $0x3  }
0x96: {  	_ =	strace s3  }
0x97: {  	_ =	strace $0x8FFFFFFF  }
0x98: {  	s19 =	sld [smem:$0x3FDB];
	_ =	sdelay $0x1  }
0x99: {  	s4 =	simm.s32 $_scs_section_size  }
0x9a: {  	s5 =	simm.s32 $_size__tile_overlayer_lowered;
	s6 =	simm.s32 $_tile_overlayer_lowered  }
0x9b: {  	s22 =	simm.s32 $0x1BFF;
	s21 =	sshll.u32 s6, $0x1;
	s3 =	sadd.s32 s4, s19  }
0x9c: {  	s7 =	simm.s32 $0x0;
	s20 =	sshll.u32 s5, $0x1;
	s5 =	sadd.s32 s21, s3  }
0x9d: {  	[timem:s7], [sflag:s22] =	dma.local [hbm:s5], s20  }
0x9e: {  	_ =	swait.ge [sflag:s22], s20  }
0x9f: {  	s4 =	ssub.s32 $0x0, s20;
	[sflag:s22] =	ssyncset.done $0x0  }
0xa0: {  	[sflag:s22] =	ssyncadd.s32 s4;
	_ =	sdelay $0x1  }
0xa1: {  	s23 =	simm.s32 $0x1B8B  }
0xa2: {  	_ =	swait.ge [sflag:s23], $0x1  }
0xa3: {  	[sflag:s23] =	ssyncset.done $0x0  }
0xa4: {  	s25 =	simm.s32 $0x1B8E;
	s24 =	sld [smem:$0x3FFE];
	[sflag:s23] =	ssyncadd.s32 $0xFFFFFFFF  }
0xa5: {  	s26 =	simm.s32 $execute0_lowered;
	[smem:$0x3FD2] =	sst s25  }
0xa6: {  	s5 =	sshll.u32 s26, $0x1;
	_ =	strace $0x80000049;
	[dreg:$0x1] =	wrdreg $0xFFFFFFFF  }
0xa7: {  	s28 =	simm.s32 $_size_execute0_lowered;
	s3 =	sadd.s32 s3, s5;
	[dreg:$0x0] =	wrdreg $0x0  }
0xa8: {  	s5 =	sshll.u32 s28, $0x1;
	[dreg:$0x2] =	wrdreg s3  }
0xa9: {  	[dreg:$0x3] =	wrdreg s5  }
0xaa: {  	[dreg:$0x4] =	wrdreg $0xC0  }
0xab: {  	_ =	task [dreg:s7], $0x5FFFF  }
0xac: {  	[dreg:$0x1] =	wrdreg $0xFFFFFFFF  }
0xad: {  	[dreg:$0x0] =	wrdreg $0x60  }
0xae: {  	[dreg:$0x2] =	wrdreg s24  }
0xaf: {  	[dreg:$0x3] =	wrdreg s2  }
0xb0: {  	[dreg:$0x4] =	wrdreg $0x41000  }
0xb1: {  	[dreg:$0x5] =	wrdreg $0x9  }
0xb2: {  	_ =	task.clear_ibuf [dreg:s7], $0x6FFFF;
	_ =	strace $0x90000049  }
0xb3: {  	s29 =	simm.s32 $0x9;
	_ =	strace $0x8000004B  }
0xb4: {  	_ =	swait.ge [sflag:s29], $0x1  }
0xb5: {  	[sflag:s29] =	ssyncadd.s32 $0xFFFFFFFF  }
0xb6: {  	_ =	strace $0x9000004B  }
0xb7: {  	_ =	sfence  }
0xb8: {  	s30 =	sld [smem:$0x0];
	_ =	sdelay $0x2  }
0xb9: {  	s31 =	sshll.u32 s1, $0xD;
	s1 =	sshrl.u32 s1, $0x2  }
0xba: {  	s3 =	sand.u32 $0x4000, s31;
	s1 =	sadd.s32 s1, s30  }
0xbb: {  	s0 =	sor.u32 s3, s0;
	s1 =	sshll.u32 s1, $0x11  }
0xbc: {  	s0 =	sor.u32 s1, s0  }
0xbd: {  	s0 =	sadd.s32 $0x8F2B, s0  }
0xbe: {  	[sflag:s0] =	ssyncadd.remote.s32 $0x1  }
0xbf: {  	_ =	sfence.sel $0xFFFF  }
0xc0: {  	[dreg:$0x0] =	wrdreg $0xFFFFFFFF;
	(pc) =	sbr.abs _section_cstart, $3  }
0xc1: {  	[dreg:$0x1] =	wrdreg $0xFFFFFFFF  }
0xc2: {  	_ =	task.clear_ibuf [dreg:s7], $0x2FFFF;
	_ =	strace $0x9FFFFFFF  }
0xc3: {  	(tm) =	ssettm $0x7FFFFFFF  }
tec
execute0_lowered:
.L_overlay_start_1:
0x0: {  	(tag) =	ssettag $0x1  }
0x1: {  	s1 =	rddreg [dreg:$0x0]  }
0x2: {  	s0 =	srdreg.scid;
	s2 =	rddreg [dreg:$0x1]  }
0x3: {  	s8 =	stileid.u32;
	s3 =	rddreg [dreg:$0x2]  }
0x4: {  	s4 =	simm.s32 $0x0;
	s28 =	simm.s32 $0x100;
	s29 =	simm.s32 $0x1  }
0x5: {  	s30 =	simm.s32 $0x0;
	s0 =	sand.u32 $0x1, s0;
	s6 =	smul.u32 $0x2780, s8  }
0x6: {  	[smem:$0x7FF] =	sst s4;
	s10 =	smul.u32 $0xA000, s8;
	s15 =	sadd.s32 $0x52800, s1  }
0x7: {  	s5 =	smul.u32 $0x27800, s0;
	_ =	strace $0x8000004A;
	s24 =	ssub.s32 $0x2, s0  }
0x8: {  	s0 =	smul.u32 $0xA0000, s0;
	s7 =	sshrl.u32 s24, $0x1;
	s11 =	sadd.s32 $0x2000, s10  }
0x9: {  	s13 =	sadd.s32 $0x4000, s10;
	s14 =	sadd.s32 $0x6000, s10;
	s16 =	sadd.s32 $0x8000, s10  }
0xa: {  	s5 =	sadd.s32 s6, s5;
	s21 =	ssub.s32 s24, s7;
	s6 =	sadd.s32 s10, s3  }
0xb: {  	s7 =	sadd.s32 s11, s3;
	s8 =	sadd.s32 s13, s3;
	s9 =	sadd.s32 s14, s3  }
0xc: {  	s12 =	sadd.s32 s10, s0;
	s25 =	sadd.s32 s0, s11;
	s10 =	sadd.s32 s16, s3  }
0xd: {  	s13 =	sadd.s32 s0, s13;
	s14 =	sadd.s32 s0, s14;
	s0 =	sadd.s32 s0, s16  }
0xe: {  	s24 =	simm.s32 $0x2100;
	s5 =	sshrl.u32 s5, $0x3;
	s17 =	sshrl.u32 s12, $0x3  }
0xf: {  	s18 =	sshrl.u32 s25, $0x3;
	s19 =	sshrl.u32 s13, $0x3;
	s20 =	sshrl.u32 s14, $0x3  }
0x10: {  	s0 =	sshrl.u32 s0, $0x3;
	s21 =	smax.u32 s21, $0x1;
	s25 =	simm.s32 $0x2  }
0x11: {  	s23 =	sadd.s32 s5, s1;
	s5 =	sadd.s32 $0x2C00, s1;
	s1 =	sadd.s32 $0x2A800, s1  }
0x12: {  	s26 =	sadd.s32 s15, s17;
	s31 =	sadd.s32 s15, s18;
	s13 =	sadd.s32 s15, s19  }
0x13: {  	s14 =	sadd.s32 s15, s20;
	s15 =	sadd.s32 s15, s0;
	[dreg:$0x4] =	wrdreg s26  }
0x14: {  	[dreg:$0x5] =	wrdreg s31;
	s16 =	sadd.s32 s1, s17;
	s17 =	sadd.s32 s1, s18  }
0x15: {  	s18 =	sadd.s32 s1, s19;
	s19 =	sadd.s32 s1, s20;
	s20 =	sadd.s32 s1, s0  }
0x16: {  	v0 =	vimm.f32 $0.0e+00;
	s22 =	sadd.s32 $0x16C00, s23;
	s23 =	sadd.s32 $0x20A00, s23;
	s26 =	simm.s32 $0x80  }
.LBB2_1:
0x17: {  	s0 =	sand.u32 $0x7F00, s4  }
0x18: {  	s1 =	sand.u32 $0x30, s4;
	s0 =	sshrl.u32 s0, $0x2  }
0x19: {  	s31 =	simm.s32 $0x40;
	s0 =	sor.u32 s1, s0;
	s1 =	simm.s32 $0x0  }
.LBB2_2:
0x1a: {  	p0 =	sne.s32 s31, $0x7FC0  }
0x1b: {  	[tilespmem:s0+$0x2100] =	vst v0;
	s1 =	sadd.s32 $0x10, s1;
	s0 =	smov.u32 s31;
	s31 =	sadd.s32 $0x40, s31  }
.Ltmp0:
0x1c: {  	(pc) =	sbr.rel @p0 .LBB2_2-.Ltmp0, $4  }
0x1d: {  	_ = 	snop  }
0x1e: {  	s0 =	sand.u32 $0x7F00, s0  }
0x1f: {  	s11 =	sand.u32 $0x30, s1;
	s0 =	sshrl.u32 s0, $0x2  }
0x20: {  	s0 =	sor.u32 s11, s0  }
0x21: {  	[tilespmem:s0+$0x2100] =	vst v0  }
0x22: {  	[spmem:s6] =	stream.linear.scatter [tilespmem:s24], [sflag:$0x2], $0x2000, $0x38;
	[tilespmem:$0xE100] =	vst v63  }
0x23: {  	_ =	swait.ge [sflag:s25], $0x2000  }
0x24: {  	[sflag:s25] =	ssyncset.done $0x0  }
0x25: {  	[sflag:s25] =	ssyncadd.s32 $0xFFFFE000  }
0x26: {  	[spmem:s7] =	stream.linear.scatter [tilespmem:s24], [sflag:$0x2], $0x2000, $0x38;
	[tilespmem:$0xE100] =	vst v63  }
0x27: {  	_ =	swait.ge [sflag:s25], $0x2000  }
0x28: {  	[sflag:s25] =	ssyncset.done $0x0  }
0x29: {  	[sflag:s25] =	ssyncadd.s32 $0xFFFFE000  }
0x2a: {  	[spmem:s8] =	stream.linear.scatter [tilespmem:s24], [sflag:$0x2], $0x2000, $0x38;
	[tilespmem:$0xE100] =	vst v63  }
0x2b: {  	_ =	swait.ge [sflag:s25], $0x2000  }
0x2c: {  	[sflag:s25] =	ssyncset.done $0x0  }
0x2d: {  	[sflag:s25] =	ssyncadd.s32 $0xFFFFE000  }
0x2e: {  	[spmem:s9] =	stream.linear.scatter [tilespmem:s24], [sflag:$0x2], $0x2000, $0x38;
	[tilespmem:$0xE100] =	vst v63  }
0x2f: {  	_ =	swait.ge [sflag:s25], $0x2000  }
0x30: {  	[sflag:s25] =	ssyncset.done $0x0  }
0x31: {  	[sflag:s25] =	ssyncadd.s32 $0xFFFFE000  }
0x32: {  	[spmem:s10] =	stream.linear.scatter [tilespmem:s24], [sflag:$0x2], $0x2000, $0x38;
	[tilespmem:$0xE100] =	vst v63  }
0x33: {  	_ =	swait.ge [sflag:s25], $0x2000  }
0x34: {  	[sflag:s25] =	ssyncset.done $0x0  }
0x35: {  	[sflag:s25] =	ssyncadd.s32 $0xFFFFE000  }
0x36: {  	s11 =	sadd.s32 $0x0, s23;
	[bflag:$0x0] =	sbarrier.arrive $0xFFFF  }
0x37: {  	[tilespmem:s4], [sflag:$0x2] =	stream.linear.gather [hbm4b:s11+s4], $0x80, $0x38;
	[tilespmem:$0xE100] =	vst v63  }
0x38: {  	_ =	swait.ge [sflag:s25], $0x80  }
0x39: {  	[sflag:s25] =	ssyncset.done $0x0  }
0x3a: {  	s12 =	sadd.s32 $0x0, s22;
	[sflag:s25] =	ssyncadd.s32 $0xFFFFFF80  }
0x3b: {  	[tilespmem:s26], [sflag:$0x2] =	stream.linear.gather [hbm4b:s12+s4], $0x80, $0x38;
	[tilespmem:$0xE100] =	vst v63  }
0x3c: {  	_ =	swait.ge [sflag:s25], $0x80  }
0x3d: {  	[sflag:s25] =	ssyncset.done $0x0  }
0x3e: {  	[sflag:s25] =	ssyncadd.s32 $0xFFFFFF80  }
0x3f: {  	[tilespmem:s28], [sflag:$0x1] =	stream.indirect.gather [hbm4b:s2+s26], $0x40, s4, s26, $0xb8;
	[tilespmem:$0xE100] =	vst v63  }
0x40: {  	_ =	swait.ge [sflag:s29], $0x2000  }
0x41: {  	[sflag:s29] =	ssyncset.done $0x0  }
0x42: {  	[sflag:s29] =	ssyncadd.s32 $0xFFFFE000  }
0x43: {  	[spmem:s3] =	stream.indirect.scatter.add.f32 [tilespmem:s28], [sflag:$0x2], $0x40, s26, s26, $0xb8;
	[tilespmem:$0xE100] =	vst v63  }
0x44: {  	_ =	swait.ge [sflag:s25], $0x2000  }
0x45: {  	s31 =	simm.s32 $0x10;
	s1 =	simm.s32 $0x20;
	[sflag:s25] =	ssyncset.done $0x0  }
.LBB2_4:
0x46: {  	s0 =	sadd.s32 s31, s23  }
0x47: {  	[sflag:s25] =	ssyncadd.s32 $0xFFFFE000;
	s11 =	smov.u32 s1;
	s12 =	sadd.s32 $0x10, s1  }
0x48: {  	[tilespmem:s4], [sflag:$0x2] =	stream.linear.gather [hbm4b:s0+s4], $0x80, $0x38;
	[tilespmem:$0xE100] =	vst v63  }
0x49: {  	p0 =	sne.s32 s1, $0x4E0;
	_ =	swait.ge [sflag:s25], $0x80  }
0x4a: {  	[sflag:s25] =	ssyncset.done $0x0  }
0x4b: {  	s0 =	sadd.s32 s31, s22;
	s31 =	smov.u32 s11;
	[sflag:s25] =	ssyncadd.s32 $0xFFFFFF80  }
0x4c: {  	[tilespmem:s26], [sflag:$0x2] =	stream.linear.gather [hbm4b:s0+s4], $0x80, $0x38;
	[tilespmem:$0xE100] =	vst v63  }
0x4d: {  	_ =	swait.ge [sflag:s25], $0x80  }
0x4e: {  	[sflag:s25] =	ssyncset.done $0x0  }
0x4f: {  	[sflag:s25] =	ssyncadd.s32 $0xFFFFFF80  }
0x50: {  	[tilespmem:s28], [sflag:$0x1] =	stream.indirect.gather [hbm4b:s2+s26], $0x40, s4, s26, $0xb8;
	[tilespmem:$0xE100] =	vst v63  }
0x51: {  	_ =	swait.ge [sflag:s29], $0x2000  }
.Ltmp1:
0x52: {  	[sflag:s29] =	ssyncset.done $0x0;
	(pc) =	sbr.rel @p0 .LBB2_4-.Ltmp1, $4  }
0x53: {  	[sflag:s29] =	ssyncadd.s32 $0xFFFFE000  }
0x54: {  	[spmem:s3] =	stream.indirect.scatter.add.f32 [tilespmem:s28], [sflag:$0x2], $0x40, s26, s26, $0xb8;
	[tilespmem:$0xE100] =	vst v63  }
0x55: {  	_ =	swait.ge [sflag:s25], $0x2000  }
0x56: {  	s1 =	smov.u32 s12;
	[sflag:s25] =	ssyncset.done $0x0  }
0x57: {  	s0 =	sadd.s32 s31, s23;
	[sflag:s25] =	ssyncadd.s32 $0xFFFFE000  }
0x58: {  	[tilespmem:s4], [sflag:$0x2] =	stream.linear.gather [hbm4b:s0+s4], $0x80, $0x38;
	[tilespmem:$0xE100] =	vst v63  }
0x59: {  	_ =	swait.ge [sflag:s25], $0x80  }
0x5a: {  	[sflag:s25] =	ssyncset.done $0x0  }
0x5b: {  	s1 =	sadd.s32 s31, s22;
	[sflag:s25] =	ssyncadd.s32 $0xFFFFFF80  }
0x5c: {  	[tilespmem:s26], [sflag:$0x2] =	stream.linear.gather [hbm4b:s1+s4], $0x80, $0x38;
	[tilespmem:$0xE100] =	vst v63  }
0x5d: {  	_ =	swait.ge [sflag:s25], $0x80  }
0x5e: {  	[sflag:s25] =	ssyncset.done $0x0  }
0x5f: {  	[sflag:s25] =	ssyncadd.s32 $0xFFFFFF80  }
0x60: {  	[tilespmem:s28], [sflag:$0x1] =	stream.indirect.gather [hbm4b:s2+s26], $0x40, s4, s26, $0xb8;
	[tilespmem:$0xE100] =	vst v63  }
0x61: {  	_ =	swait.ge [sflag:s29], $0x2000  }
0x62: {  	[sflag:s29] =	ssyncset.done $0x0  }
0x63: {  	[sflag:s29] =	ssyncadd.s32 $0xFFFFE000  }
0x64: {  	[spmem:s3] =	stream.indirect.scatter.add.f32 [tilespmem:s28], [sflag:$0x2], $0x40, s26, s26, $0xb8;
	[tilespmem:$0xE100] =	vst v63  }
0x65: {  	_ =	swait.ge [sflag:s25], $0x2000  }
0x66: {  	[sflag:s25] =	ssyncset.done $0x0  }
0x67: {  	[sflag:s25] =	ssyncadd.s32 $0xFFFFE000  }
0x68: {  	[bflag:$0x0] =	sbarrier.arrive $0xFFFF  }
0x69: {  	[tilespmem:s28], [sflag:$0x2] =	stream.linear.gather [spmem:s6], $0x2000, $0x38;
	[tilespmem:$0xE100] =	vst v63  }
0x6a: {  	_ =	swait.ge [sflag:s25], $0x2000  }
0x6b: {  	[sflag:s25] =	ssyncset.done $0x0  }
0x6c: {  	s11 =	simm.s32 $0x0;
	s1 =	rddreg [dreg:$0x4];
	[sflag:s25] =	ssyncadd.s32 $0xFFFFE000  }
0x6d: {  	[hbm4b:s1+s11] =	stream.linear.scatter [tilespmem:s28], [sflag:$0x2], $0x2000, $0x38;
	[tilespmem:$0xE100] =	vst v63  }
0x6e: {  	_ =	swait.ge [sflag:s25], $0x2000  }
0x6f: {  	[sflag:s25] =	ssyncset.done $0x0  }
0x70: {  	[sflag:s25] =	ssyncadd.s32 $0xFFFFE000  }
0x71: {  	[tilespmem:s28], [sflag:$0x2] =	stream.linear.gather [spmem:s7], $0x2000, $0x38;
	[tilespmem:$0xE100] =	vst v63  }
0x72: {  	_ =	swait.ge [sflag:s25], $0x2000  }
0x73: {  	[sflag:s25] =	ssyncset.done $0x0  }
0x74: {  	s12 =	rddreg [dreg:$0x5];
	[sflag:s25] =	ssyncadd.s32 $0xFFFFE000  }
0x75: {  	[hbm4b:s12+s11] =	stream.linear.scatter [tilespmem:s28], [sflag:$0x2], $0x2000, $0x38;
	[tilespmem:$0xE100] =	vst v63  }
0x76: {  	_ =	swait.ge [sflag:s25], $0x2000  }
0x77: {  	[sflag:s25] =	ssyncset.done $0x0  }
0x78: {  	[sflag:s25] =	ssyncadd.s32 $0xFFFFE000  }
0x79: {  	[tilespmem:s28], [sflag:$0x2] =	stream.linear.gather [spmem:s8], $0x2000, $0x38;
	[tilespmem:$0xE100] =	vst v63  }
0x7a: {  	_ =	swait.ge [sflag:s25], $0x2000  }
0x7b: {  	[sflag:s25] =	ssyncset.done $0x0  }
0x7c: {  	[sflag:s25] =	ssyncadd.s32 $0xFFFFE000  }
0x7d: {  	[hbm4b:s13+s11] =	stream.linear.scatter [tilespmem:s28], [sflag:$0x2], $0x2000, $0x38;
	[tilespmem:$0xE100] =	vst v63  }
0x7e: {  	_ =	swait.ge [sflag:s25], $0x2000  }
0x7f: {  	[sflag:s25] =	ssyncset.done $0x0  }
0x80: {  	[sflag:s25] =	ssyncadd.s32 $0xFFFFE000  }
0x81: {  	[tilespmem:s28], [sflag:$0x2] =	stream.linear.gather [spmem:s9], $0x2000, $0x38;
	[tilespmem:$0xE100] =	vst v63  }
0x82: {  	_ =	swait.ge [sflag:s25], $0x2000  }
0x83: {  	[sflag:s25] =	ssyncset.done $0x0  }
0x84: {  	[sflag:s25] =	ssyncadd.s32 $0xFFFFE000  }
0x85: {  	[hbm4b:s14+s11] =	stream.linear.scatter [tilespmem:s28], [sflag:$0x2], $0x2000, $0x38;
	[tilespmem:$0xE100] =	vst v63  }
0x86: {  	_ =	swait.ge [sflag:s25], $0x2000  }
0x87: {  	[sflag:s25] =	ssyncset.done $0x0  }
0x88: {  	[sflag:s25] =	ssyncadd.s32 $0xFFFFE000  }
0x89: {  	[tilespmem:s28], [sflag:$0x2] =	stream.linear.gather [spmem:s10], $0x2000, $0x38;
	[tilespmem:$0xE100] =	vst v63  }
0x8a: {  	_ =	swait.ge [sflag:s25], $0x2000  }
0x8b: {  	[sflag:s25] =	ssyncset.done $0x0  }
0x8c: {  	[sflag:s25] =	ssyncadd.s32 $0xFFFFE000  }
0x8d: {  	[hbm4b:s15+s11] =	stream.linear.scatter [tilespmem:s28], [sflag:$0x2], $0x2000, $0x38;
	[tilespmem:$0xE100] =	vst v63  }
0x8e: {  	_ =	swait.ge [sflag:s25], $0x2000  }
0x8f: {  	[sflag:s25] =	ssyncset.done $0x0  }
0x90: {  	[sflag:s25] =	ssyncadd.s32 $0xFFFFE000  }
0x91: {  	[bflag:$0x0] =	sbarrier.arrive $0xFFFF  }
0x92: {  	[spmem:s6] =	stream.linear.scatter [tilespmem:s24], [sflag:$0x2], $0x2000, $0x38;
	[tilespmem:$0xE100] =	vst v63  }
0x93: {  	_ =	swait.ge [sflag:s25], $0x2000  }
0x94: {  	[sflag:s25] =	ssyncset.done $0x0  }
0x95: {  	[sflag:s25] =	ssyncadd.s32 $0xFFFFE000  }
0x96: {  	[spmem:s7] =	stream.linear.scatter [tilespmem:s24], [sflag:$0x2], $0x2000, $0x38;
	[tilespmem:$0xE100] =	vst v63  }
0x97: {  	_ =	swait.ge [sflag:s25], $0x2000  }
0x98: {  	[sflag:s25] =	ssyncset.done $0x0  }
0x99: {  	[sflag:s25] =	ssyncadd.s32 $0xFFFFE000  }
0x9a: {  	[spmem:s8] =	stream.linear.scatter [tilespmem:s24], [sflag:$0x2], $0x2000, $0x38;
	[tilespmem:$0xE100] =	vst v63  }
0x9b: {  	_ =	swait.ge [sflag:s25], $0x2000  }
0x9c: {  	[sflag:s25] =	ssyncset.done $0x0  }
0x9d: {  	[sflag:s25] =	ssyncadd.s32 $0xFFFFE000  }
0x9e: {  	[spmem:s9] =	stream.linear.scatter [tilespmem:s24], [sflag:$0x2], $0x2000, $0x38;
	[tilespmem:$0xE100] =	vst v63  }
0x9f: {  	_ =	swait.ge [sflag:s25], $0x2000  }
0xa0: {  	[sflag:s25] =	ssyncset.done $0x0  }
0xa1: {  	[sflag:s25] =	ssyncadd.s32 $0xFFFFE000  }
0xa2: {  	[spmem:s10] =	stream.linear.scatter [tilespmem:s24], [sflag:$0x2], $0x2000, $0x38;
	[tilespmem:$0xE100] =	vst v63  }
0xa3: {  	_ =	swait.ge [sflag:s25], $0x2000  }
0xa4: {  	[sflag:s25] =	ssyncset.done $0x0  }
0xa5: {  	[sflag:s25] =	ssyncadd.s32 $0xFFFFE000  }
0xa6: {  	s11 =	sadd.s32 $0x0, s23;
	[bflag:$0x0] =	sbarrier.arrive $0xFFFF  }
0xa7: {  	[tilespmem:s4], [sflag:$0x2] =	stream.linear.gather [hbm4b:s11+s4], $0x80, $0x38;
	[tilespmem:$0xE100] =	vst v63  }
0xa8: {  	_ =	swait.ge [sflag:s25], $0x80  }
0xa9: {  	[sflag:s25] =	ssyncset.done $0x0  }
0xaa: {  	s12 =	sadd.s32 $0x0, s22;
	[sflag:s25] =	ssyncadd.s32 $0xFFFFFF80  }
0xab: {  	[tilespmem:s26], [sflag:$0x2] =	stream.linear.gather [hbm4b:s12+s4], $0x80, $0x38;
	[tilespmem:$0xE100] =	vst v63  }
0xac: {  	_ =	swait.ge [sflag:s25], $0x80  }
0xad: {  	[sflag:s25] =	ssyncset.done $0x0  }
0xae: {  	[sflag:s25] =	ssyncadd.s32 $0xFFFFFF80  }
0xaf: {  	[tilespmem:s28], [sflag:$0x1] =	stream.indirect.gather [hbm4b:s5+s26], $0x40, s4, s26, $0xb8;
	[tilespmem:$0xE100] =	vst v63  }
0xb0: {  	_ =	swait.ge [sflag:s29], $0x2000  }
0xb1: {  	[sflag:s29] =	ssyncset.done $0x0  }
0xb2: {  	[sflag:s29] =	ssyncadd.s32 $0xFFFFE000  }
0xb3: {  	[spmem:s3] =	stream.indirect.scatter.add.f32 [tilespmem:s28], [sflag:$0x2], $0x40, s26, s26, $0xb8;
	[tilespmem:$0xE100] =	vst v63  }
0xb4: {  	_ =	swait.ge [sflag:s25], $0x2000  }
0xb5: {  	s31 =	simm.s32 $0x10;
	s1 =	simm.s32 $0x20;
	[sflag:s25] =	ssyncset.done $0x0  }
.LBB2_6:
0xb6: {  	s0 =	sadd.s32 s31, s23  }
0xb7: {  	[sflag:s25] =	ssyncadd.s32 $0xFFFFE000;
	s11 =	smov.u32 s1;
	s12 =	sadd.s32 $0x10, s1  }
0xb8: {  	[tilespmem:s4], [sflag:$0x2] =	stream.linear.gather [hbm4b:s0+s4], $0x80, $0x38;
	[tilespmem:$0xE100] =	vst v63  }
0xb9: {  	p0 =	sne.s32 s1, $0x4E0;
	_ =	swait.ge [sflag:s25], $0x80  }
0xba: {  	[sflag:s25] =	ssyncset.done $0x0  }
0xbb: {  	s0 =	sadd.s32 s31, s22;
	s31 =	smov.u32 s11;
	[sflag:s25] =	ssyncadd.s32 $0xFFFFFF80  }
0xbc: {  	[tilespmem:s26], [sflag:$0x2] =	stream.linear.gather [hbm4b:s0+s4], $0x80, $0x38;
	[tilespmem:$0xE100] =	vst v63  }
0xbd: {  	_ =	swait.ge [sflag:s25], $0x80  }
0xbe: {  	[sflag:s25] =	ssyncset.done $0x0  }
0xbf: {  	[sflag:s25] =	ssyncadd.s32 $0xFFFFFF80  }
0xc0: {  	[tilespmem:s28], [sflag:$0x1] =	stream.indirect.gather [hbm4b:s5+s26], $0x40, s4, s26, $0xb8;
	[tilespmem:$0xE100] =	vst v63  }
0xc1: {  	_ =	swait.ge [sflag:s29], $0x2000  }
.Ltmp2:
0xc2: {  	[sflag:s29] =	ssyncset.done $0x0;
	(pc) =	sbr.rel @p0 .LBB2_6-.Ltmp2, $4  }
0xc3: {  	[sflag:s29] =	ssyncadd.s32 $0xFFFFE000  }
0xc4: {  	[spmem:s3] =	stream.indirect.scatter.add.f32 [tilespmem:s28], [sflag:$0x2], $0x40, s26, s26, $0xb8;
	[tilespmem:$0xE100] =	vst v63  }
0xc5: {  	_ =	swait.ge [sflag:s25], $0x2000  }
0xc6: {  	s1 =	smov.u32 s12;
	[sflag:s25] =	ssyncset.done $0x0  }
0xc7: {  	s0 =	sadd.s32 s31, s23;
	[sflag:s25] =	ssyncadd.s32 $0xFFFFE000  }
0xc8: {  	[tilespmem:s4], [sflag:$0x2] =	stream.linear.gather [hbm4b:s0+s4], $0x80, $0x38;
	[tilespmem:$0xE100] =	vst v63  }
0xc9: {  	_ =	swait.ge [sflag:s25], $0x80  }
0xca: {  	[sflag:s25] =	ssyncset.done $0x0  }
0xcb: {  	s31 =	sadd.s32 s31, s22;
	[sflag:s25] =	ssyncadd.s32 $0xFFFFFF80  }
0xcc: {  	[tilespmem:s26], [sflag:$0x2] =	stream.linear.gather [hbm4b:s31+s4], $0x80, $0x38;
	[tilespmem:$0xE100] =	vst v63  }
0xcd: {  	_ =	swait.ge [sflag:s25], $0x80  }
0xce: {  	[sflag:s25] =	ssyncset.done $0x0  }
0xcf: {  	[sflag:s25] =	ssyncadd.s32 $0xFFFFFF80  }
0xd0: {  	[tilespmem:s28], [sflag:$0x1] =	stream.indirect.gather [hbm4b:s5+s26], $0x40, s4, s26, $0xb8;
	[tilespmem:$0xE100] =	vst v63  }
0xd1: {  	_ =	swait.ge [sflag:s29], $0x2000  }
0xd2: {  	[sflag:s29] =	ssyncset.done $0x0  }
0xd3: {  	[sflag:s29] =	ssyncadd.s32 $0xFFFFE000  }
0xd4: {  	[spmem:s3] =	stream.indirect.scatter.add.f32 [tilespmem:s28], [sflag:$0x2], $0x40, s26, s26, $0xb8;
	[tilespmem:$0xE100] =	vst v63  }
0xd5: {  	_ =	swait.ge [sflag:s25], $0x2000  }
0xd6: {  	[sflag:s25] =	ssyncset.done $0x0  }
0xd7: {  	[sflag:s25] =	ssyncadd.s32 $0xFFFFE000  }
0xd8: {  	[bflag:$0x0] =	sbarrier.arrive $0xFFFF  }
0xd9: {  	[tilespmem:s28], [sflag:$0x2] =	stream.linear.gather [spmem:s6], $0x2000, $0x38;
	[tilespmem:$0xE100] =	vst v63  }
0xda: {  	_ =	swait.ge [sflag:s25], $0x2000  }
0xdb: {  	[sflag:s25] =	ssyncset.done $0x0  }
0xdc: {  	[sflag:s25] =	ssyncadd.s32 $0xFFFFE000  }
0xdd: {  	[hbm4b:s16+s4] =	stream.linear.scatter [tilespmem:s28], [sflag:$0x2], $0x2000, $0x38;
	[tilespmem:$0xE100] =	vst v63  }
0xde: {  	_ =	swait.ge [sflag:s25], $0x2000  }
0xdf: {  	[sflag:s25] =	ssyncset.done $0x0  }
0xe0: {  	[sflag:s25] =	ssyncadd.s32 $0xFFFFE000  }
0xe1: {  	[tilespmem:s28], [sflag:$0x2] =	stream.linear.gather [spmem:s7], $0x2000, $0x38;
	[tilespmem:$0xE100] =	vst v63  }
0xe2: {  	_ =	swait.ge [sflag:s25], $0x2000  }
0xe3: {  	[sflag:s25] =	ssyncset.done $0x0  }
0xe4: {  	[sflag:s25] =	ssyncadd.s32 $0xFFFFE000  }
0xe5: {  	[hbm4b:s17+s4] =	stream.linear.scatter [tilespmem:s28], [sflag:$0x2], $0x2000, $0x38;
	[tilespmem:$0xE100] =	vst v63  }
0xe6: {  	_ =	swait.ge [sflag:s25], $0x2000  }
0xe7: {  	[sflag:s25] =	ssyncset.done $0x0  }
0xe8: {  	[sflag:s25] =	ssyncadd.s32 $0xFFFFE000  }
0xe9: {  	[tilespmem:s28], [sflag:$0x2] =	stream.linear.gather [spmem:s8], $0x2000, $0x38;
	[tilespmem:$0xE100] =	vst v63  }
0xea: {  	_ =	swait.ge [sflag:s25], $0x2000  }
0xeb: {  	[sflag:s25] =	ssyncset.done $0x0  }
0xec: {  	[sflag:s25] =	ssyncadd.s32 $0xFFFFE000  }
0xed: {  	[hbm4b:s18+s4] =	stream.linear.scatter [tilespmem:s28], [sflag:$0x2], $0x2000, $0x38;
	[tilespmem:$0xE100] =	vst v63  }
0xee: {  	_ =	swait.ge [sflag:s25], $0x2000  }
0xef: {  	[sflag:s25] =	ssyncset.done $0x0  }
0xf0: {  	[sflag:s25] =	ssyncadd.s32 $0xFFFFE000  }
0xf1: {  	[tilespmem:s28], [sflag:$0x2] =	stream.linear.gather [spmem:s9], $0x2000, $0x38;
	[tilespmem:$0xE100] =	vst v63  }
0xf2: {  	_ =	swait.ge [sflag:s25], $0x2000  }
0xf3: {  	[sflag:s25] =	ssyncset.done $0x0  }
0xf4: {  	[sflag:s25] =	ssyncadd.s32 $0xFFFFE000  }
0xf5: {  	[hbm4b:s19+s4] =	stream.linear.scatter [tilespmem:s28], [sflag:$0x2], $0x2000, $0x38;
	[tilespmem:$0xE100] =	vst v63  }
0xf6: {  	_ =	swait.ge [sflag:s25], $0x2000  }
0xf7: {  	[sflag:s25] =	ssyncset.done $0x0  }
0xf8: {  	[sflag:s25] =	ssyncadd.s32 $0xFFFFE000  }
0xf9: {  	[tilespmem:s28], [sflag:$0x2] =	stream.linear.gather [spmem:s10], $0x2000, $0x38;
	[tilespmem:$0xE100] =	vst v63  }
0xfa: {  	s30 =	sadd.s32 $0x1, s30;
	_ =	swait.ge [sflag:s25], $0x2000  }
0xfb: {  	p0 =	sne.s32 s30, s21;
	[sflag:s25] =	ssyncset.done $0x0  }
.Ltmp3:
0xfc: {  	[sflag:s25] =	ssyncadd.s32 $0xFFFFE000;
	(pc) =	sbr.rel @p0 .LBB2_1-.Ltmp3, $4  }
0xfd: {  	[hbm4b:s20+s4] =	stream.linear.scatter [tilespmem:s28], [sflag:$0x2], $0x2000, $0x38;
	[tilespmem:$0xE100] =	vst v63  }
0xfe: {  	_ =	swait.ge [sflag:s25], $0x2000  }
0xff: {  	[sflag:s25] =	ssyncset.done $0x0  }
0x100: {  	[sflag:s25] =	ssyncadd.s32 $0xFFFFE000  }
0x101: {  	_ =	sfence.sel $0x180000  }
0x102: {  	[bflag:$0x0] =	sbarrier.arrive $0xFFFF  }
0x103: {  	_ =	strace $0x9000004A  }
0x104: {  	s0 =	stileid.u32;
	[bflag:$0x2] =	sbarrier.arrive $0xFFFF  }
0x105: {  	p0 =	sne.s32 s0, $0x0;
	s0 =	rddreg [dreg:$0x3]  }
0x106: {  	s0 =	sadd.s32 @!p0 $0x100000, s0  }
0x107: {  	[sflag:s0] =	ssyncadd.tile.s32 @!p0 $0x1;
	_ =	shalt  }
.Lfunc_end2:
_tile_overlayer_lowered:
.L_overlay_start_2:
0x108: {  	(tag) =	ssettag $0x2  }
0x109: {  	s0 =	rddreg [dreg:$0x0];
	s2 =	stileid.u32  }
0x10a: {  	s1 =	rddreg [dreg:$0x1];
	p0 =	sne.s32 s2, $0x0  }
0x10b: {  	s3 =	rddreg [dreg:$0x2];
	[bflag:$0x3] =	sbarrier.arrive $0xFFFF;
	s2 =	simm.s32 @!p0 $0x1C02  }
0x10c: {  	[timem:s3], [sflag:s2] =	dma.local @!p0 [hbm:s0], s1  }
0x10d: {  	s0 =	simm.s32 @!p0 $0x2  }
0x10e: {  	_ =	swait.ge @!p0 [sflag:s0], s1  }
0x10f: {  	s1 =	ssub.s32 @!p0 $0x0, s1;
	[sflag:s0] =	ssyncset.done @!p0 $0x0  }
0x110: {  	[sflag:s0] =	ssyncadd.s32 @!p0 s1  }
0x111: {  	[bflag:$0x3] =	sbarrier.arrive $0xFFFF  }
0x112: {  	_ =	shalt  }

</sc_bundles>
